<compile_context>
chip_gen: v7x
topology: tpu7x:2x2x1
jax: 0.10.2.dev20260603
libtpu: 0.0.44.dev20260713+nightly
codegen_flags: <defaults>
</compile_context>

<pallas_src>
import functools

import jax
import jax.numpy as jnp
from jax import lax
from jax.experimental import pallas as pl
from jax.experimental.pallas import tpu as pltpu
from jax.experimental.pallas import tpu_sc as plsc

VOCAB = 50
D = 16
B = 16384
L = 200
N = B * L
NC = 2
NS = 16
NW = NC * NS
IDXW = N // NW
CHUNK = 3200
NCHUNK = IDXW // CHUNK
GROUPS = CHUNK // 16


def _body(tags_ref, table_ref, out_ref, tab_v, idx_v0, idx_v1, out_v0, out_v1,
          si0, si1, so0, so1):
    wid = lax.axis_index("s") * NC + lax.axis_index("c")
    si = (si0, si1)
    so = (so0, so1)
    idx_v = (idx_v0, idx_v1)
    out_v = (out_v0, out_v1)

    pltpu.sync_copy(table_ref, tab_v)
    for i in range(VOCAB):
        tab_v[pl.ds(i * D, D)] = jnp.maximum(tab_v[pl.ds(i * D, D)], 0.0)

    lane = lax.iota(jnp.int32, 16)
    row_off = lane * D

    def ibase(c):
        return wid * IDXW + c * CHUNK

    def issue_idx(c, b):
        pltpu.async_copy(tags_ref.at[pl.ds(ibase(c), CHUNK)], idx_v[b], si[b])

    def wait_idx(b):
        pltpu.make_async_copy(tags_ref.at[pl.ds(0, CHUNK)], idx_v[b], si[b]).wait()

    H = CHUNK * D // 2

    def issue_out(c, b):
        pltpu.async_copy(
            out_v[b].at[pl.ds(0, H)], out_ref.at[pl.ds(ibase(c) * D, H)], so[b]
        )
        pltpu.async_copy(
            out_v[b].at[pl.ds(H, H)], out_ref.at[pl.ds(ibase(c) * D + H, H)], so[b]
        )

    def wait_out(b):
        pltpu.make_async_copy(
            out_v[b].at[pl.ds(0, H)], out_ref.at[pl.ds(0, H)], so[b]
        ).wait()
        pltpu.make_async_copy(
            out_v[b].at[pl.ds(H, H)], out_ref.at[pl.ds(0, H)], so[b]
        ).wait()

    issue_idx(0, 0)
    issue_idx(1, 1)

    @pl.loop(0, NCHUNK // 2)
    def _super(s):
        for b in range(2):
            c = s * 2 + b

            wait_idx(b)

            @pl.when(c >= 2)
            def _():
                wait_out(b)

            @plsc.parallel_loop(0, GROUPS, unroll=8)
            def _grp(g):
                iv = idx_v[b][pl.ds(g * 16, 16)]
                addr = iv * D
                dst = g * (16 * D) + row_off
                for d in range(D):
                    vals = plsc.load_gather(tab_v, [addr + d])
                    plsc.store_scatter(out_v[b], [dst + d], vals)

            issue_out(c, b)

            @pl.when(c + 2 < NCHUNK)
            def _():
                issue_idx(c + 2, b)

    wait_out(0)
    wait_out(1)


@jax.jit
def _run(tags1d, table1d):
    mesh = plsc.VectorSubcoreMesh(
        core_axis_name="c", subcore_axis_name="s", num_cores=NC, num_subcores=NS
    )
    kern = pl.kernel(
        _body,
        out_type=jax.ShapeDtypeStruct((N * D,), jnp.float32),
        mesh=mesh,
        scratch_types=[
            pltpu.VMEM((VOCAB * D,), jnp.float32),
            pltpu.VMEM((CHUNK,), jnp.int32),
            pltpu.VMEM((CHUNK,), jnp.int32),
            pltpu.VMEM((CHUNK * D,), jnp.float32),
            pltpu.VMEM((CHUNK * D,), jnp.float32),
            pltpu.SemaphoreType.DMA,
            pltpu.SemaphoreType.DMA,
            pltpu.SemaphoreType.DMA,
            pltpu.SemaphoreType.DMA,
        ],
        compiler_params=pltpu.CompilerParams(needs_layout_passes=False),
    )
    return kern(tags1d, table1d)


def kernel(preprocessed_tags, embedding):
    tags1d = preprocessed_tags.reshape(N)
    table1d = embedding.reshape(VOCAB * D)
    out = _run(tags1d, table1d)
    return out.reshape(B, L, D)

# --- scband reference (transcript-rebuilt; emitter-appended) ---
"""Pipeline reference for scband-basic-tag-embedding-28690381537806 (READ-ONLY COPY).

The authoritative reference and input builder live on the scoring server;
editing this copy changes nothing except your own understanding.
"""

import jax, jax.numpy as jnp
import numpy as np

VOCAB = 50
D = 16
B = 16384
L = 200


def setup_inputs(seed: int = 0) -> dict:
    key = jax.random.key(seed)
    k1, k2 = jax.random.split(key)
    preprocessed_tags = jax.random.randint(k1, (B, L), 0, VOCAB, dtype=jnp.int32)
    embedding = jax.random.normal(k2, (VOCAB, D), dtype=jnp.float32)
    return {"preprocessed_tags": preprocessed_tags, "embedding": embedding}


def reference(preprocessed_tags, embedding):
    # nn.Embedding lookup: (B, L) int indices -> (B, L, D) gathered rows
    out = jnp.take(embedding, preprocessed_tags, axis=0)
    # ReLU
    out = jax.nn.relu(out)
    return out

if __name__ == "__main__":
    import jax
    _d = setup_inputs()
    print(jax.jit(kernel)(*tuple(_d.values())))

</pallas_src>

<mosaic_0001>
#map = affine_map<(d0, d1) -> (0)>
module attributes {stable_mosaic.version = 14 : i64} {
  func.func @_body(%arg0: i32, %arg1: i32, %arg2: memref<3276800xi32, #tpu.memory_space<hbm>>, %arg3: memref<800xf32, #tpu.memory_space<hbm>>, %arg4: memref<52428800xf32, #tpu.memory_space<hbm>>, %arg5: memref<800xf32, #tpu.memory_space<vmem>>, %arg6: memref<3200xi32, #tpu.memory_space<vmem>>, %arg7: memref<3200xi32, #tpu.memory_space<vmem>>, %arg8: memref<51200xf32, #tpu.memory_space<vmem>>, %arg9: memref<51200xf32, #tpu.memory_space<vmem>>, %arg10: memref<!tpu.dma_semaphore, #tpu.memory_space<semaphore_mem>>, %arg11: memref<!tpu.dma_semaphore, #tpu.memory_space<semaphore_mem>>, %arg12: memref<!tpu.dma_semaphore, #tpu.memory_space<semaphore_mem>>, %arg13: memref<!tpu.dma_semaphore, #tpu.memory_space<semaphore_mem>>) attributes {dimension_semantics = [#tpu.dimension_semantics<core_parallel>, #tpu.dimension_semantics<subcore_parallel>], iteration_bounds = array<i64: 2, 16>, scalar_prefetch = 0 : i64, scratch_operands = 9 : i64, tpu.core_type = #tpu.core_type<sc_vector_subcore>, window_params = [{transform_indices = #map}, {transform_indices = #map}, {transform_indices = #map}]} {
    %mul3A = arith.constant 2 : i32
    %mul3A_0 = arith.muli %arg1, %mul3A : i32
    %add3A = arith.addi %mul3A_0, %arg0 : i32
    "tpu.region"() ({
      %run_scoped3A = tpu.sem_alloc : memref<!tpu.dma_semaphore, #tpu.memory_space<semaphore_mem>>
      tpu.enqueue_dma source(%arg3 : memref<800xf32, #tpu.memory_space<hbm>>) target(%arg5 : memref<800xf32, #tpu.memory_space<vmem>>) target_semaphore(%run_scoped3A : memref<!tpu.dma_semaphore, #tpu.memory_space<semaphore_mem>>)
      tpu.wait_dma2 semaphore(%run_scoped3A : memref<!tpu.dma_semaphore, #tpu.memory_space<semaphore_mem>>) src(%arg3 : memref<800xf32, #tpu.memory_space<hbm>>) dst(%arg5 : memref<800xf32, #tpu.memory_space<vmem>>)
      tpu.yield
    }) : () -> ()
    %get3A = arith.constant 0 : index
    %get3A_1 = tpu.vector_load %arg5[%get3A] {strides = array<i32>} : memref<800xf32, #tpu.memory_space<vmem>>, vector<16xf32>,
    %max3A = arith.constant 0.000000e+00 : f32
    %max3A_2 = vector.broadcast %max3A : f32 to vector<16xf32>
    %max3A_3 = arith.maximumf %get3A_1, %max3A_2 : vector<16xf32>
    %swap3A = arith.constant 0 : index
    %swap3A_4 = tpu.vector_load %arg5[%swap3A] {strides = array<i32>} : memref<800xf32, #tpu.memory_space<vmem>>, vector<16xf32>,
    tpu.vector_store %arg5[%swap3A], %max3A_3 {strides = array<i32>} : memref<800xf32, #tpu.memory_space<vmem>>, vector<16xf32>,
    %get3A_5 = arith.constant 16 : index
    %get3A_6 = tpu.vector_load %arg5[%get3A_5] {strides = array<i32>} : memref<800xf32, #tpu.memory_space<vmem>>, vector<16xf32>,
    %max3A_7 = arith.constant 0.000000e+00 : f32
    %max3A_8 = vector.broadcast %max3A_7 : f32 to vector<16xf32>
    %max3A_9 = arith.maximumf %get3A_6, %max3A_8 : vector<16xf32>
    %swap3A_10 = arith.constant 16 : index
    %swap3A_11 = tpu.vector_load %arg5[%swap3A_10] {strides = array<i32>} : memref<800xf32, #tpu.memory_space<vmem>>, vector<16xf32>,
    tpu.vector_store %arg5[%swap3A_10], %max3A_9 {strides = array<i32>} : memref<800xf32, #tpu.memory_space<vmem>>, vector<16xf32>,
    %get3A_12 = arith.constant 32 : index
    %get3A_13 = tpu.vector_load %arg5[%get3A_12] {strides = array<i32>} : memref<800xf32, #tpu.memory_space<vmem>>, vector<16xf32>,
    %max3A_14 = arith.constant 0.000000e+00 : f32
    %max3A_15 = vector.broadcast %max3A_14 : f32 to vector<16xf32>
    %max3A_16 = arith.maximumf %get3A_13, %max3A_15 : vector<16xf32>
    %swap3A_17 = arith.constant 32 : index
    %swap3A_18 = tpu.vector_load %arg5[%swap3A_17] {strides = array<i32>} : memref<800xf32, #tpu.memory_space<vmem>>, vector<16xf32>,
    tpu.vector_store %arg5[%swap3A_17], %max3A_16 {strides = array<i32>} : memref<800xf32, #tpu.memory_space<vmem>>, vector<16xf32>,
    %get3A_19 = arith.constant 48 : index
    %get3A_20 = tpu.vector_load %arg5[%get3A_19] {strides = array<i32>} : memref<800xf32, #tpu.memory_space<vmem>>, vector<16xf32>,
    %max3A_21 = arith.constant 0.000000e+00 : f32
    %max3A_22 = vector.broadcast %max3A_21 : f32 to vector<16xf32>
    %max3A_23 = arith.maximumf %get3A_20, %max3A_22 : vector<16xf32>
    %swap3A_24 = arith.constant 48 : index
    %swap3A_25 = tpu.vector_load %arg5[%swap3A_24] {strides = array<i32>} : memref<800xf32, #tpu.memory_space<vmem>>, vector<16xf32>,
    tpu.vector_store %arg5[%swap3A_24], %max3A_23 {strides = array<i32>} : memref<800xf32, #tpu.memory_space<vmem>>, vector<16xf32>,
    %get3A_26 = arith.constant 64 : index
    %get3A_27 = tpu.vector_load %arg5[%get3A_26] {strides = array<i32>} : memref<800xf32, #tpu.memory_space<vmem>>, vector<16xf32>,
    %max3A_28 = arith.constant 0.000000e+00 : f32
    %max3A_29 = vector.broadcast %max3A_28 : f32 to vector<16xf32>
    %max3A_30 = arith.maximumf %get3A_27, %max3A_29 : vector<16xf32>
    %swap3A_31 = arith.constant 64 : index
    %swap3A_32 = tpu.vector_load %arg5[%swap3A_31] {strides = array<i32>} : memref<800xf32, #tpu.memory_space<vmem>>, vector<16xf32>,
    tpu.vector_store %arg5[%swap3A_31], %max3A_30 {strides = array<i32>} : memref<800xf32, #tpu.memory_space<vmem>>, vector<16xf32>,
    %get3A_33 = arith.constant 80 : index
    %get3A_34 = tpu.vector_load %arg5[%get3A_33] {strides = array<i32>} : memref<800xf32, #tpu.memory_space<vmem>>, vector<16xf32>,
    %max3A_35 = arith.constant 0.000000e+00 : f32
    %max3A_36 = vector.broadcast %max3A_35 : f32 to vector<16xf32>
    %max3A_37 = arith.maximumf %get3A_34, %max3A_36 : vector<16xf32>
    %swap3A_38 = arith.constant 80 : index
    %swap3A_39 = tpu.vector_load %arg5[%swap3A_38] {strides = array<i32>} : memref<800xf32, #tpu.memory_space<vmem>>, vector<16xf32>,
    tpu.vector_store %arg5[%swap3A_38], %max3A_37 {strides = array<i32>} : memref<800xf32, #tpu.memory_space<vmem>>, vector<16xf32>,
    %get3A_40 = arith.constant 96 : index
    %get3A_41 = tpu.vector_load %arg5[%get3A_40] {strides = array<i32>} : memref<800xf32, #tpu.memory_space<vmem>>, vector<16xf32>,
    %max3A_42 = arith.constant 0.000000e+00 : f32
    %max3A_43 = vector.broadcast %max3A_42 : f32 to vector<16xf32>
    %max3A_44 = arith.maximumf %get3A_41, %max3A_43 : vector<16xf32>
    %swap3A_45 = arith.constant 96 : index
    %swap3A_46 = tpu.vector_load %arg5[%swap3A_45] {strides = array<i32>} : memref<800xf32, #tpu.memory_space<vmem>>, vector<16xf32>,
    tpu.vector_store %arg5[%swap3A_45], %max3A_44 {strides = array<i32>} : memref<800xf32, #tpu.memory_space<vmem>>, vector<16xf32>,
    %get3A_47 = arith.constant 112 : index
    %get3A_48 = tpu.vector_load %arg5[%get3A_47] {strides = array<i32>} : memref<800xf32, #tpu.memory_space<vmem>>, vector<16xf32>,
    %max3A_49 = arith.constant 0.000000e+00 : f32
    %max3A_50 = vector.broadcast %max3A_49 : f32 to vector<16xf32>
    %max3A_51 = arith.maximumf %get3A_48, %max3A_50 : vector<16xf32>
    %swap3A_52 = arith.constant 112 : index
    %swap3A_53 = tpu.vector_load %arg5[%swap3A_52] {strides = array<i32>} : memref<800xf32, #tpu.memory_space<vmem>>, vector<16xf32>,
    tpu.vector_store %arg5[%swap3A_52], %max3A_51 {strides = array<i32>} : memref<800xf32, #tpu.memory_space<vmem>>, vector<16xf32>,
    %get3A_54 = arith.constant 128 : index
    %get3A_55 = tpu.vector_load %arg5[%get3A_54] {strides = array<i32>} : memref<800xf32, #tpu.memory_space<vmem>>, vector<16xf32>,
    %max3A_56 = arith.constant 0.000000e+00 : f32
    %max3A_57 = vector.broadcast %max3A_56 : f32 to vector<16xf32>
    %max3A_58 = arith.maximumf %get3A_55, %max3A_57 : vector<16xf32>
    %swap3A_59 = arith.constant 128 : index
    %swap3A_60 = tpu.vector_load %arg5[%swap3A_59] {strides = array<i32>} : memref<800xf32, #tpu.memory_space<vmem>>, vector<16xf32>,
    tpu.vector_store %arg5[%swap3A_59], %max3A_58 {strides = array<i32>} : memref<800xf32, #tpu.memory_space<vmem>>, vector<16xf32>,
    %get3A_61 = arith.constant 144 : index
    %get3A_62 = tpu.vector_load %arg5[%get3A_61] {strides = array<i32>} : memref<800xf32, #tpu.memory_space<vmem>>, vector<16xf32>,
    %max3A_63 = arith.constant 0.000000e+00 : f32
    %max3A_64 = vector.broadcast %max3A_63 : f32 to vector<16xf32>
    %max3A_65 = arith.maximumf %get3A_62, %max3A_64 : vector<16xf32>
    %swap3A_66 = arith.constant 144 : index
    %swap3A_67 = tpu.vector_load %arg5[%swap3A_66] {strides = array<i32>} : memref<800xf32, #tpu.memory_space<vmem>>, vector<16xf32>,
    tpu.vector_store %arg5[%swap3A_66], %max3A_65 {strides = array<i32>} : memref<800xf32, #tpu.memory_space<vmem>>, vector<16xf32>,
    %get3A_68 = arith.constant 160 : index
    %get3A_69 = tpu.vector_load %arg5[%get3A_68] {strides = array<i32>} : memref<800xf32, #tpu.memory_space<vmem>>, vector<16xf32>,
    %max3A_70 = arith.constant 0.000000e+00 : f32
    %max3A_71 = vector.broadcast %max3A_70 : f32 to vector<16xf32>
    %max3A_72 = arith.maximumf %get3A_69, %max3A_71 : vector<16xf32>
    %swap3A_73 = arith.constant 160 : index
    %swap3A_74 = tpu.vector_load %arg5[%swap3A_73] {strides = array<i32>} : memref<800xf32, #tpu.memory_space<vmem>>, vector<16xf32>,
    tpu.vector_store %arg5[%swap3A_73], %max3A_72 {strides = array<i32>} : memref<800xf32, #tpu.memory_space<vmem>>, vector<16xf32>,
    %get3A_75 = arith.constant 176 : index
    %get3A_76 = tpu.vector_load %arg5[%get3A_75] {strides = array<i32>} : memref<800xf32, #tpu.memory_space<vmem>>, vector<16xf32>,
    %max3A_77 = arith.constant 0.000000e+00 : f32
    %max3A_78 = vector.broadcast %max3A_77 : f32 to vector<16xf32>
    %max3A_79 = arith.maximumf %get3A_76, %max3A_78 : vector<16xf32>
    %swap3A_80 = arith.constant 176 : index
    %swap3A_81 = tpu.vector_load %arg5[%swap3A_80] {strides = array<i32>} : memref<800xf32, #tpu.memory_space<vmem>>, vector<16xf32>,
    tpu.vector_store %arg5[%swap3A_80], %max3A_79 {strides = array<i32>} : memref<800xf32, #tpu.memory_space<vmem>>, vector<16xf32>,
    %get3A_82 = arith.constant 192 : index
    %get3A_83 = tpu.vector_load %arg5[%get3A_82] {strides = array<i32>} : memref<800xf32, #tpu.memory_space<vmem>>, vector<16xf32>,
    %max3A_84 = arith.constant 0.000000e+00 : f32
    %max3A_85 = vector.broadcast %max3A_84 : f32 to vector<16xf32>
    %max3A_86 = arith.maximumf %get3A_83, %max3A_85 : vector<16xf32>
    %swap3A_87 = arith.constant 192 : index
    %swap3A_88 = tpu.vector_load %arg5[%swap3A_87] {strides = array<i32>} : memref<800xf32, #tpu.memory_space<vmem>>, vector<16xf32>,
    tpu.vector_store %arg5[%swap3A_87], %max3A_86 {strides = array<i32>} : memref<800xf32, #tpu.memory_space<vmem>>, vector<16xf32>,
    %get3A_89 = arith.constant 208 : index
    %get3A_90 = tpu.vector_load %arg5[%get3A_89] {strides = array<i32>} : memref<800xf32, #tpu.memory_space<vmem>>, vector<16xf32>,
    %max3A_91 = arith.constant 0.000000e+00 : f32
    %max3A_92 = vector.broadcast %max3A_91 : f32 to vector<16xf32>
    %max3A_93 = arith.maximumf %get3A_90, %max3A_92 : vector<16xf32>
    %swap3A_94 = arith.constant 208 : index
    %swap3A_95 = tpu.vector_load %arg5[%swap3A_94] {strides = array<i32>} : memref<800xf32, #tpu.memory_space<vmem>>, vector<16xf32>,
    tpu.vector_store %arg5[%swap3A_94], %max3A_93 {strides = array<i32>} : memref<800xf32, #tpu.memory_space<vmem>>, vector<16xf32>,
    %get3A_96 = arith.constant 224 : index
    %get3A_97 = tpu.vector_load %arg5[%get3A_96] {strides = array<i32>} : memref<800xf32, #tpu.memory_space<vmem>>, vector<16xf32>,
    %max3A_98 = arith.constant 0.000000e+00 : f32
    %max3A_99 = vector.broadcast %max3A_98 : f32 to vector<16xf32>
    %max3A_100 = arith.maximumf %get3A_97, %max3A_99 : vector<16xf32>
    %swap3A_101 = arith.constant 224 : index
    %swap3A_102 = tpu.vector_load %arg5[%swap3A_101] {strides = array<i32>} : memref<800xf32, #tpu.memory_space<vmem>>, vector<16xf32>,
    tpu.vector_store %arg5[%swap3A_101], %max3A_100 {strides = array<i32>} : memref<800xf32, #tpu.memory_space<vmem>>, vector<16xf32>,
    %get3A_103 = arith.constant 240 : index
    %get3A_104 = tpu.vector_load %arg5[%get3A_103] {strides = array<i32>} : memref<800xf32, #tpu.memory_space<vmem>>, vector<16xf32>,
    %max3A_105 = arith.constant 0.000000e+00 : f32
    %max3A_106 = vector.broadcast %max3A_105 : f32 to vector<16xf32>
    %max3A_107 = arith.maximumf %get3A_104, %max3A_106 : vector<16xf32>
    %swap3A_108 = arith.constant 240 : index
    %swap3A_109 = tpu.vector_load %arg5[%swap3A_108] {strides = array<i32>} : memref<800xf32, #tpu.memory_space<vmem>>, vector<16xf32>,
    tpu.vector_store %arg5[%swap3A_108], %max3A_107 {strides = array<i32>} : memref<800xf32, #tpu.memory_space<vmem>>, vector<16xf32>,
    %get3A_110 = arith.constant 256 : index
    %get3A_111 = tpu.vector_load %arg5[%get3A_110] {strides = array<i32>} : memref<800xf32, #tpu.memory_space<vmem>>, vector<16xf32>,
    %max3A_112 = arith.constant 0.000000e+00 : f32
    %max3A_113 = vector.broadcast %max3A_112 : f32 to vector<16xf32>
    %max3A_114 = arith.maximumf %get3A_111, %max3A_113 : vector<16xf32>
    %swap3A_115 = arith.constant 256 : index
    %swap3A_116 = tpu.vector_load %arg5[%swap3A_115] {strides = array<i32>} : memref<800xf32, #tpu.memory_space<vmem>>, vector<16xf32>,
    tpu.vector_store %arg5[%swap3A_115], %max3A_114 {strides = array<i32>} : memref<800xf32, #tpu.memory_space<vmem>>, vector<16xf32>,
    %get3A_117 = arith.constant 272 : index
    %get3A_118 = tpu.vector_load %arg5[%get3A_117] {strides = array<i32>} : memref<800xf32, #tpu.memory_space<vmem>>, vector<16xf32>,
    %max3A_119 = arith.constant 0.000000e+00 : f32
    %max3A_120 = vector.broadcast %max3A_119 : f32 to vector<16xf32>
    %max3A_121 = arith.maximumf %get3A_118, %max3A_120 : vector<16xf32>
    %swap3A_122 = arith.constant 272 : index
    %swap3A_123 = tpu.vector_load %arg5[%swap3A_122] {strides = array<i32>} : memref<800xf32, #tpu.memory_space<vmem>>, vector<16xf32>,
    tpu.vector_store %arg5[%swap3A_122], %max3A_121 {strides = array<i32>} : memref<800xf32, #tpu.memory_space<vmem>>, vector<16xf32>,
    %get3A_124 = arith.constant 288 : index
    %get3A_125 = tpu.vector_load %arg5[%get3A_124] {strides = array<i32>} : memref<800xf32, #tpu.memory_space<vmem>>, vector<16xf32>,
    %max3A_126 = arith.constant 0.000000e+00 : f32
    %max3A_127 = vector.broadcast %max3A_126 : f32 to vector<16xf32>
    %max3A_128 = arith.maximumf %get3A_125, %max3A_127 : vector<16xf32>
    %swap3A_129 = arith.constant 288 : index
    %swap3A_130 = tpu.vector_load %arg5[%swap3A_129] {strides = array<i32>} : memref<800xf32, #tpu.memory_space<vmem>>, vector<16xf32>,
    tpu.vector_store %arg5[%swap3A_129], %max3A_128 {strides = array<i32>} : memref<800xf32, #tpu.memory_space<vmem>>, vector<16xf32>,
    %get3A_131 = arith.constant 304 : index
    %get3A_132 = tpu.vector_load %arg5[%get3A_131] {strides = array<i32>} : memref<800xf32, #tpu.memory_space<vmem>>, vector<16xf32>,
    %max3A_133 = arith.constant 0.000000e+00 : f32
    %max3A_134 = vector.broadcast %max3A_133 : f32 to vector<16xf32>
    %max3A_135 = arith.maximumf %get3A_132, %max3A_134 : vector<16xf32>
    %swap3A_136 = arith.constant 304 : index
    %swap3A_137 = tpu.vector_load %arg5[%swap3A_136] {strides = array<i32>} : memref<800xf32, #tpu.memory_space<vmem>>, vector<16xf32>,
    tpu.vector_store %arg5[%swap3A_136], %max3A_135 {strides = array<i32>} : memref<800xf32, #tpu.memory_space<vmem>>, vector<16xf32>,
    %get3A_138 = arith.constant 320 : index
    %get3A_139 = tpu.vector_load %arg5[%get3A_138] {strides = array<i32>} : memref<800xf32, #tpu.memory_space<vmem>>, vector<16xf32>,
    %max3A_140 = arith.constant 0.000000e+00 : f32
    %max3A_141 = vector.broadcast %max3A_140 : f32 to vector<16xf32>
    %max3A_142 = arith.maximumf %get3A_139, %max3A_141 : vector<16xf32>
    %swap3A_143 = arith.constant 320 : index
    %swap3A_144 = tpu.vector_load %arg5[%swap3A_143] {strides = array<i32>} : memref<800xf32, #tpu.memory_space<vmem>>, vector<16xf32>,
    tpu.vector_store %arg5[%swap3A_143], %max3A_142 {strides = array<i32>} : memref<800xf32, #tpu.memory_space<vmem>>, vector<16xf32>,
    %get3A_145 = arith.constant 336 : index
    %get3A_146 = tpu.vector_load %arg5[%get3A_145] {strides = array<i32>} : memref<800xf32, #tpu.memory_space<vmem>>, vector<16xf32>,
    %max3A_147 = arith.constant 0.000000e+00 : f32
    %max3A_148 = vector.broadcast %max3A_147 : f32 to vector<16xf32>
    %max3A_149 = arith.maximumf %get3A_146, %max3A_148 : vector<16xf32>
    %swap3A_150 = arith.constant 336 : index
    %swap3A_151 = tpu.vector_load %arg5[%swap3A_150] {strides = array<i32>} : memref<800xf32, #tpu.memory_space<vmem>>, vector<16xf32>,
    tpu.vector_store %arg5[%swap3A_150], %max3A_149 {strides = array<i32>} : memref<800xf32, #tpu.memory_space<vmem>>, vector<16xf32>,
    %get3A_152 = arith.constant 352 : index
    %get3A_153 = tpu.vector_load %arg5[%get3A_152] {strides = array<i32>} : memref<800xf32, #tpu.memory_space<vmem>>, vector<16xf32>,
    %max3A_154 = arith.constant 0.000000e+00 : f32
    %max3A_155 = vector.broadcast %max3A_154 : f32 to vector<16xf32>
    %max3A_156 = arith.maximumf %get3A_153, %max3A_155 : vector<16xf32>
    %swap3A_157 = arith.constant 352 : index
    %swap3A_158 = tpu.vector_load %arg5[%swap3A_157] {strides = array<i32>} : memref<800xf32, #tpu.memory_space<vmem>>, vector<16xf32>,
    tpu.vector_store %arg5[%swap3A_157], %max3A_156 {strides = array<i32>} : memref<800xf32, #tpu.memory_space<vmem>>, vector<16xf32>,
    %get3A_159 = arith.constant 368 : index
    %get3A_160 = tpu.vector_load %arg5[%get3A_159] {strides = array<i32>} : memref<800xf32, #tpu.memory_space<vmem>>, vector<16xf32>,
    %max3A_161 = arith.constant 0.000000e+00 : f32
    %max3A_162 = vector.broadcast %max3A_161 : f32 to vector<16xf32>
    %max3A_163 = arith.maximumf %get3A_160, %max3A_162 : vector<16xf32>
    %swap3A_164 = arith.constant 368 : index
    %swap3A_165 = tpu.vector_load %arg5[%swap3A_164] {strides = array<i32>} : memref<800xf32, #tpu.memory_space<vmem>>, vector<16xf32>,
    tpu.vector_store %arg5[%swap3A_164], %max3A_163 {strides = array<i32>} : memref<800xf32, #tpu.memory_space<vmem>>, vector<16xf32>,
    %get3A_166 = arith.constant 384 : index
    %get3A_167 = tpu.vector_load %arg5[%get3A_166] {strides = array<i32>} : memref<800xf32, #tpu.memory_space<vmem>>, vector<16xf32>,
    %max3A_168 = arith.constant 0.000000e+00 : f32
    %max3A_169 = vector.broadcast %max3A_168 : f32 to vector<16xf32>
    %max3A_170 = arith.maximumf %get3A_167, %max3A_169 : vector<16xf32>
    %swap3A_171 = arith.constant 384 : index
    %swap3A_172 = tpu.vector_load %arg5[%swap3A_171] {strides = array<i32>} : memref<800xf32, #tpu.memory_space<vmem>>, vector<16xf32>,
    tpu.vector_store %arg5[%swap3A_171], %max3A_170 {strides = array<i32>} : memref<800xf32, #tpu.memory_space<vmem>>, vector<16xf32>,
    %get3A_173 = arith.constant 400 : index
    %get3A_174 = tpu.vector_load %arg5[%get3A_173] {strides = array<i32>} : memref<800xf32, #tpu.memory_space<vmem>>, vector<16xf32>,
    %max3A_175 = arith.constant 0.000000e+00 : f32
    %max3A_176 = vector.broadcast %max3A_175 : f32 to vector<16xf32>
    %max3A_177 = arith.maximumf %get3A_174, %max3A_176 : vector<16xf32>
    %swap3A_178 = arith.constant 400 : index
    %swap3A_179 = tpu.vector_load %arg5[%swap3A_178] {strides = array<i32>} : memref<800xf32, #tpu.memory_space<vmem>>, vector<16xf32>,
    tpu.vector_store %arg5[%swap3A_178], %max3A_177 {strides = array<i32>} : memref<800xf32, #tpu.memory_space<vmem>>, vector<16xf32>,
    %get3A_180 = arith.constant 416 : index
    %get3A_181 = tpu.vector_load %arg5[%get3A_180] {strides = array<i32>} : memref<800xf32, #tpu.memory_space<vmem>>, vector<16xf32>,
    %max3A_182 = arith.constant 0.000000e+00 : f32
    %max3A_183 = vector.broadcast %max3A_182 : f32 to vector<16xf32>
    %max3A_184 = arith.maximumf %get3A_181, %max3A_183 : vector<16xf32>
    %swap3A_185 = arith.constant 416 : index
    %swap3A_186 = tpu.vector_load %arg5[%swap3A_185] {strides = array<i32>} : memref<800xf32, #tpu.memory_space<vmem>>, vector<16xf32>,
    tpu.vector_store %arg5[%swap3A_185], %max3A_184 {strides = array<i32>} : memref<800xf32, #tpu.memory_space<vmem>>, vector<16xf32>,
    %get3A_187 = arith.constant 432 : index
    %get3A_188 = tpu.vector_load %arg5[%get3A_187] {strides = array<i32>} : memref<800xf32, #tpu.memory_space<vmem>>, vector<16xf32>,
    %max3A_189 = arith.constant 0.000000e+00 : f32
    %max3A_190 = vector.broadcast %max3A_189 : f32 to vector<16xf32>
    %max3A_191 = arith.maximumf %get3A_188, %max3A_190 : vector<16xf32>
    %swap3A_192 = arith.constant 432 : index
    %swap3A_193 = tpu.vector_load %arg5[%swap3A_192] {strides = array<i32>} : memref<800xf32, #tpu.memory_space<vmem>>, vector<16xf32>,
    tpu.vector_store %arg5[%swap3A_192], %max3A_191 {strides = array<i32>} : memref<800xf32, #tpu.memory_space<vmem>>, vector<16xf32>,
    %get3A_194 = arith.constant 448 : index
    %get3A_195 = tpu.vector_load %arg5[%get3A_194] {strides = array<i32>} : memref<800xf32, #tpu.memory_space<vmem>>, vector<16xf32>,
    %max3A_196 = arith.constant 0.000000e+00 : f32
    %max3A_197 = vector.broadcast %max3A_196 : f32 to vector<16xf32>
    %max3A_198 = arith.maximumf %get3A_195, %max3A_197 : vector<16xf32>
    %swap3A_199 = arith.constant 448 : index
    %swap3A_200 = tpu.vector_load %arg5[%swap3A_199] {strides = array<i32>} : memref<800xf32, #tpu.memory_space<vmem>>, vector<16xf32>,
    tpu.vector_store %arg5[%swap3A_199], %max3A_198 {strides = array<i32>} : memref<800xf32, #tpu.memory_space<vmem>>, vector<16xf32>,
    %get3A_201 = arith.constant 464 : index
    %get3A_202 = tpu.vector_load %arg5[%get3A_201] {strides = array<i32>} : memref<800xf32, #tpu.memory_space<vmem>>, vector<16xf32>,
    %max3A_203 = arith.constant 0.000000e+00 : f32
    %max3A_204 = vector.broadcast %max3A_203 : f32 to vector<16xf32>
    %max3A_205 = arith.maximumf %get3A_202, %max3A_204 : vector<16xf32>
    %swap3A_206 = arith.constant 464 : index
    %swap3A_207 = tpu.vector_load %arg5[%swap3A_206] {strides = array<i32>} : memref<800xf32, #tpu.memory_space<vmem>>, vector<16xf32>,
    tpu.vector_store %arg5[%swap3A_206], %max3A_205 {strides = array<i32>} : memref<800xf32, #tpu.memory_space<vmem>>, vector<16xf32>,
    %get3A_208 = arith.constant 480 : index
    %get3A_209 = tpu.vector_load %arg5[%get3A_208] {strides = array<i32>} : memref<800xf32, #tpu.memory_space<vmem>>, vector<16xf32>,
    %max3A_210 = arith.constant 0.000000e+00 : f32
    %max3A_211 = vector.broadcast %max3A_210 : f32 to vector<16xf32>
    %max3A_212 = arith.maximumf %get3A_209, %max3A_211 : vector<16xf32>
    %swap3A_213 = arith.constant 480 : index
    %swap3A_214 = tpu.vector_load %arg5[%swap3A_213] {strides = array<i32>} : memref<800xf32, #tpu.memory_space<vmem>>, vector<16xf32>,
    tpu.vector_store %arg5[%swap3A_213], %max3A_212 {strides = array<i32>} : memref<800xf32, #tpu.memory_space<vmem>>, vector<16xf32>,
    %get3A_215 = arith.constant 496 : index
    %get3A_216 = tpu.vector_load %arg5[%get3A_215] {strides = array<i32>} : memref<800xf32, #tpu.memory_space<vmem>>, vector<16xf32>,
    %max3A_217 = arith.constant 0.000000e+00 : f32
    %max3A_218 = vector.broadcast %max3A_217 : f32 to vector<16xf32>
    %max3A_219 = arith.maximumf %get3A_216, %max3A_218 : vector<16xf32>
    %swap3A_220 = arith.constant 496 : index
    %swap3A_221 = tpu.vector_load %arg5[%swap3A_220] {strides = array<i32>} : memref<800xf32, #tpu.memory_space<vmem>>, vector<16xf32>,
    tpu.vector_store %arg5[%swap3A_220], %max3A_219 {strides = array<i32>} : memref<800xf32, #tpu.memory_space<vmem>>, vector<16xf32>,
    %get3A_222 = arith.constant 512 : index
    %get3A_223 = tpu.vector_load %arg5[%get3A_222] {strides = array<i32>} : memref<800xf32, #tpu.memory_space<vmem>>, vector<16xf32>,
    %max3A_224 = arith.constant 0.000000e+00 : f32
    %max3A_225 = vector.broadcast %max3A_224 : f32 to vector<16xf32>
    %max3A_226 = arith.maximumf %get3A_223, %max3A_225 : vector<16xf32>
    %swap3A_227 = arith.constant 512 : index
    %swap3A_228 = tpu.vector_load %arg5[%swap3A_227] {strides = array<i32>} : memref<800xf32, #tpu.memory_space<vmem>>, vector<16xf32>,
    tpu.vector_store %arg5[%swap3A_227], %max3A_226 {strides = array<i32>} : memref<800xf32, #tpu.memory_space<vmem>>, vector<16xf32>,
    %get3A_229 = arith.constant 528 : index
    %get3A_230 = tpu.vector_load %arg5[%get3A_229] {strides = array<i32>} : memref<800xf32, #tpu.memory_space<vmem>>, vector<16xf32>,
    %max3A_231 = arith.constant 0.000000e+00 : f32
    %max3A_232 = vector.broadcast %max3A_231 : f32 to vector<16xf32>
    %max3A_233 = arith.maximumf %get3A_230, %max3A_232 : vector<16xf32>
    %swap3A_234 = arith.constant 528 : index
    %swap3A_235 = tpu.vector_load %arg5[%swap3A_234] {strides = array<i32>} : memref<800xf32, #tpu.memory_space<vmem>>, vector<16xf32>,
    tpu.vector_store %arg5[%swap3A_234], %max3A_233 {strides = array<i32>} : memref<800xf32, #tpu.memory_space<vmem>>, vector<16xf32>,
    %get3A_236 = arith.constant 544 : index
    %get3A_237 = tpu.vector_load %arg5[%get3A_236] {strides = array<i32>} : memref<800xf32, #tpu.memory_space<vmem>>, vector<16xf32>,
    %max3A_238 = arith.constant 0.000000e+00 : f32
    %max3A_239 = vector.broadcast %max3A_238 : f32 to vector<16xf32>
    %max3A_240 = arith.maximumf %get3A_237, %max3A_239 : vector<16xf32>
    %swap3A_241 = arith.constant 544 : index
    %swap3A_242 = tpu.vector_load %arg5[%swap3A_241] {strides = array<i32>} : memref<800xf32, #tpu.memory_space<vmem>>, vector<16xf32>,
    tpu.vector_store %arg5[%swap3A_241], %max3A_240 {strides = array<i32>} : memref<800xf32, #tpu.memory_space<vmem>>, vector<16xf32>,
    %get3A_243 = arith.constant 560 : index
    %get3A_244 = tpu.vector_load %arg5[%get3A_243] {strides = array<i32>} : memref<800xf32, #tpu.memory_space<vmem>>, vector<16xf32>,
    %max3A_245 = arith.constant 0.000000e+00 : f32
    %max3A_246 = vector.broadcast %max3A_245 : f32 to vector<16xf32>
    %max3A_247 = arith.maximumf %get3A_244, %max3A_246 : vector<16xf32>
    %swap3A_248 = arith.constant 560 : index
    %swap3A_249 = tpu.vector_load %arg5[%swap3A_248] {strides = array<i32>} : memref<800xf32, #tpu.memory_space<vmem>>, vector<16xf32>,
    tpu.vector_store %arg5[%swap3A_248], %max3A_247 {strides = array<i32>} : memref<800xf32, #tpu.memory_space<vmem>>, vector<16xf32>,
    %get3A_250 = arith.constant 576 : index
    %get3A_251 = tpu.vector_load %arg5[%get3A_250] {strides = array<i32>} : memref<800xf32, #tpu.memory_space<vmem>>, vector<16xf32>,
    %max3A_252 = arith.constant 0.000000e+00 : f32
    %max3A_253 = vector.broadcast %max3A_252 : f32 to vector<16xf32>
    %max3A_254 = arith.maximumf %get3A_251, %max3A_253 : vector<16xf32>
    %swap3A_255 = arith.constant 576 : index
    %swap3A_256 = tpu.vector_load %arg5[%swap3A_255] {strides = array<i32>} : memref<800xf32, #tpu.memory_space<vmem>>, vector<16xf32>,
    tpu.vector_store %arg5[%swap3A_255], %max3A_254 {strides = array<i32>} : memref<800xf32, #tpu.memory_space<vmem>>, vector<16xf32>,
    %get3A_257 = arith.constant 592 : index
    %get3A_258 = tpu.vector_load %arg5[%get3A_257] {strides = array<i32>} : memref<800xf32, #tpu.memory_space<vmem>>, vector<16xf32>,
    %max3A_259 = arith.constant 0.000000e+00 : f32
    %max3A_260 = vector.broadcast %max3A_259 : f32 to vector<16xf32>
    %max3A_261 = arith.maximumf %get3A_258, %max3A_260 : vector<16xf32>
    %swap3A_262 = arith.constant 592 : index
    %swap3A_263 = tpu.vector_load %arg5[%swap3A_262] {strides = array<i32>} : memref<800xf32, #tpu.memory_space<vmem>>, vector<16xf32>,
    tpu.vector_store %arg5[%swap3A_262], %max3A_261 {strides = array<i32>} : memref<800xf32, #tpu.memory_space<vmem>>, vector<16xf32>,
    %get3A_264 = arith.constant 608 : index
    %get3A_265 = tpu.vector_load %arg5[%get3A_264] {strides = array<i32>} : memref<800xf32, #tpu.memory_space<vmem>>, vector<16xf32>,
    %max3A_266 = arith.constant 0.000000e+00 : f32
    %max3A_267 = vector.broadcast %max3A_266 : f32 to vector<16xf32>
    %max3A_268 = arith.maximumf %get3A_265, %max3A_267 : vector<16xf32>
    %swap3A_269 = arith.constant 608 : index
    %swap3A_270 = tpu.vector_load %arg5[%swap3A_269] {strides = array<i32>} : memref<800xf32, #tpu.memory_space<vmem>>, vector<16xf32>,
    tpu.vector_store %arg5[%swap3A_269], %max3A_268 {strides = array<i32>} : memref<800xf32, #tpu.memory_space<vmem>>, vector<16xf32>,
    %get3A_271 = arith.constant 624 : index
    %get3A_272 = tpu.vector_load %arg5[%get3A_271] {strides = array<i32>} : memref<800xf32, #tpu.memory_space<vmem>>, vector<16xf32>,
    %max3A_273 = arith.constant 0.000000e+00 : f32
    %max3A_274 = vector.broadcast %max3A_273 : f32 to vector<16xf32>
    %max3A_275 = arith.maximumf %get3A_272, %max3A_274 : vector<16xf32>
    %swap3A_276 = arith.constant 624 : index
    %swap3A_277 = tpu.vector_load %arg5[%swap3A_276] {strides = array<i32>} : memref<800xf32, #tpu.memory_space<vmem>>, vector<16xf32>,
    tpu.vector_store %arg5[%swap3A_276], %max3A_275 {strides = array<i32>} : memref<800xf32, #tpu.memory_space<vmem>>, vector<16xf32>,
    %get3A_278 = arith.constant 640 : index
    %get3A_279 = tpu.vector_load %arg5[%get3A_278] {strides = array<i32>} : memref<800xf32, #tpu.memory_space<vmem>>, vector<16xf32>,
    %max3A_280 = arith.constant 0.000000e+00 : f32
    %max3A_281 = vector.broadcast %max3A_280 : f32 to vector<16xf32>
    %max3A_282 = arith.maximumf %get3A_279, %max3A_281 : vector<16xf32>
    %swap3A_283 = arith.constant 640 : index
    %swap3A_284 = tpu.vector_load %arg5[%swap3A_283] {strides = array<i32>} : memref<800xf32, #tpu.memory_space<vmem>>, vector<16xf32>,
    tpu.vector_store %arg5[%swap3A_283], %max3A_282 {strides = array<i32>} : memref<800xf32, #tpu.memory_space<vmem>>, vector<16xf32>,
    %get3A_285 = arith.constant 656 : index
    %get3A_286 = tpu.vector_load %arg5[%get3A_285] {strides = array<i32>} : memref<800xf32, #tpu.memory_space<vmem>>, vector<16xf32>,
    %max3A_287 = arith.constant 0.000000e+00 : f32
    %max3A_288 = vector.broadcast %max3A_287 : f32 to vector<16xf32>
    %max3A_289 = arith.maximumf %get3A_286, %max3A_288 : vector<16xf32>
    %swap3A_290 = arith.constant 656 : index
    %swap3A_291 = tpu.vector_load %arg5[%swap3A_290] {strides = array<i32>} : memref<800xf32, #tpu.memory_space<vmem>>, vector<16xf32>,
    tpu.vector_store %arg5[%swap3A_290], %max3A_289 {strides = array<i32>} : memref<800xf32, #tpu.memory_space<vmem>>, vector<16xf32>,
    %get3A_292 = arith.constant 672 : index
    %get3A_293 = tpu.vector_load %arg5[%get3A_292] {strides = array<i32>} : memref<800xf32, #tpu.memory_space<vmem>>, vector<16xf32>,
    %max3A_294 = arith.constant 0.000000e+00 : f32
    %max3A_295 = vector.broadcast %max3A_294 : f32 to vector<16xf32>
    %max3A_296 = arith.maximumf %get3A_293, %max3A_295 : vector<16xf32>
    %swap3A_297 = arith.constant 672 : index
    %swap3A_298 = tpu.vector_load %arg5[%swap3A_297] {strides = array<i32>} : memref<800xf32, #tpu.memory_space<vmem>>, vector<16xf32>,
    tpu.vector_store %arg5[%swap3A_297], %max3A_296 {strides = array<i32>} : memref<800xf32, #tpu.memory_space<vmem>>, vector<16xf32>,
    %get3A_299 = arith.constant 688 : index
    %get3A_300 = tpu.vector_load %arg5[%get3A_299] {strides = array<i32>} : memref<800xf32, #tpu.memory_space<vmem>>, vector<16xf32>,
    %max3A_301 = arith.constant 0.000000e+00 : f32
    %max3A_302 = vector.broadcast %max3A_301 : f32 to vector<16xf32>
    %max3A_303 = arith.maximumf %get3A_300, %max3A_302 : vector<16xf32>
    %swap3A_304 = arith.constant 688 : index
    %swap3A_305 = tpu.vector_load %arg5[%swap3A_304] {strides = array<i32>} : memref<800xf32, #tpu.memory_space<vmem>>, vector<16xf32>,
    tpu.vector_store %arg5[%swap3A_304], %max3A_303 {strides = array<i32>} : memref<800xf32, #tpu.memory_space<vmem>>, vector<16xf32>,
    %get3A_306 = arith.constant 704 : index
    %get3A_307 = tpu.vector_load %arg5[%get3A_306] {strides = array<i32>} : memref<800xf32, #tpu.memory_space<vmem>>, vector<16xf32>,
    %max3A_308 = arith.constant 0.000000e+00 : f32
    %max3A_309 = vector.broadcast %max3A_308 : f32 to vector<16xf32>
    %max3A_310 = arith.maximumf %get3A_307, %max3A_309 : vector<16xf32>
    %swap3A_311 = arith.constant 704 : index
    %swap3A_312 = tpu.vector_load %arg5[%swap3A_311] {strides = array<i32>} : memref<800xf32, #tpu.memory_space<vmem>>, vector<16xf32>,
    tpu.vector_store %arg5[%swap3A_311], %max3A_310 {strides = array<i32>} : memref<800xf32, #tpu.memory_space<vmem>>, vector<16xf32>,
    %get3A_313 = arith.constant 720 : index
    %get3A_314 = tpu.vector_load %arg5[%get3A_313] {strides = array<i32>} : memref<800xf32, #tpu.memory_space<vmem>>, vector<16xf32>,
    %max3A_315 = arith.constant 0.000000e+00 : f32
    %max3A_316 = vector.broadcast %max3A_315 : f32 to vector<16xf32>
    %max3A_317 = arith.maximumf %get3A_314, %max3A_316 : vector<16xf32>
    %swap3A_318 = arith.constant 720 : index
    %swap3A_319 = tpu.vector_load %arg5[%swap3A_318] {strides = array<i32>} : memref<800xf32, #tpu.memory_space<vmem>>, vector<16xf32>,
    tpu.vector_store %arg5[%swap3A_318], %max3A_317 {strides = array<i32>} : memref<800xf32, #tpu.memory_space<vmem>>, vector<16xf32>,
    %get3A_320 = arith.constant 736 : index
    %get3A_321 = tpu.vector_load %arg5[%get3A_320] {strides = array<i32>} : memref<800xf32, #tpu.memory_space<vmem>>, vector<16xf32>,
    %max3A_322 = arith.constant 0.000000e+00 : f32
    %max3A_323 = vector.broadcast %max3A_322 : f32 to vector<16xf32>
    %max3A_324 = arith.maximumf %get3A_321, %max3A_323 : vector<16xf32>
    %swap3A_325 = arith.constant 736 : index
    %swap3A_326 = tpu.vector_load %arg5[%swap3A_325] {strides = array<i32>} : memref<800xf32, #tpu.memory_space<vmem>>, vector<16xf32>,
    tpu.vector_store %arg5[%swap3A_325], %max3A_324 {strides = array<i32>} : memref<800xf32, #tpu.memory_space<vmem>>, vector<16xf32>,
    %get3A_327 = arith.constant 752 : index
    %get3A_328 = tpu.vector_load %arg5[%get3A_327] {strides = array<i32>} : memref<800xf32, #tpu.memory_space<vmem>>, vector<16xf32>,
    %max3A_329 = arith.constant 0.000000e+00 : f32
    %max3A_330 = vector.broadcast %max3A_329 : f32 to vector<16xf32>
    %max3A_331 = arith.maximumf %get3A_328, %max3A_330 : vector<16xf32>
    %swap3A_332 = arith.constant 752 : index
    %swap3A_333 = tpu.vector_load %arg5[%swap3A_332] {strides = array<i32>} : memref<800xf32, #tpu.memory_space<vmem>>, vector<16xf32>,
    tpu.vector_store %arg5[%swap3A_332], %max3A_331 {strides = array<i32>} : memref<800xf32, #tpu.memory_space<vmem>>, vector<16xf32>,
    %get3A_334 = arith.constant 768 : index
    %get3A_335 = tpu.vector_load %arg5[%get3A_334] {strides = array<i32>} : memref<800xf32, #tpu.memory_space<vmem>>, vector<16xf32>,
    %max3A_336 = arith.constant 0.000000e+00 : f32
    %max3A_337 = vector.broadcast %max3A_336 : f32 to vector<16xf32>
    %max3A_338 = arith.maximumf %get3A_335, %max3A_337 : vector<16xf32>
    %swap3A_339 = arith.constant 768 : index
    %swap3A_340 = tpu.vector_load %arg5[%swap3A_339] {strides = array<i32>} : memref<800xf32, #tpu.memory_space<vmem>>, vector<16xf32>,
    tpu.vector_store %arg5[%swap3A_339], %max3A_338 {strides = array<i32>} : memref<800xf32, #tpu.memory_space<vmem>>, vector<16xf32>,
    %get3A_341 = arith.constant 784 : index
    %get3A_342 = tpu.vector_load %arg5[%get3A_341] {strides = array<i32>} : memref<800xf32, #tpu.memory_space<vmem>>, vector<16xf32>,
    %max3A_343 = arith.constant 0.000000e+00 : f32
    %max3A_344 = vector.broadcast %max3A_343 : f32 to vector<16xf32>
    %max3A_345 = arith.maximumf %get3A_342, %max3A_344 : vector<16xf32>
    %swap3A_346 = arith.constant 784 : index
    %swap3A_347 = tpu.vector_load %arg5[%swap3A_346] {strides = array<i32>} : memref<800xf32, #tpu.memory_space<vmem>>, vector<16xf32>,
    tpu.vector_store %arg5[%swap3A_346], %max3A_345 {strides = array<i32>} : memref<800xf32, #tpu.memory_space<vmem>>, vector<16xf32>,
    %iota3A = tpu.iota {dimensions = array<i32: 0>} : vector<16xi32>
    %mul3A_348 = arith.constant 16 : i32
    %mul3A_349 = vector.broadcast %mul3A_348 : i32 to vector<16xi32>
    %mul3A_350 = arith.muli %iota3A, %mul3A_349 : vector<16xi32>
    %mul3A_351 = arith.constant 102400 : i32
    %mul3A_352 = arith.muli %add3A, %mul3A_351 : i32
    %add3A_353 = arith.constant 0 : i32
    %add3A_354 = arith.addi %mul3A_352, %add3A_353 : i32
    %dma_start3A = tpu.memref_slice %arg2[%add3A_354] : memref<3276800xi32, #tpu.memory_space<hbm>> -> memref<3200xi32, #tpu.memory_space<hbm>>
    %dma_start3A_355 = tpu.memref_slice %arg2[%add3A_354] : memref<3276800xi32, #tpu.memory_space<hbm>> -> memref<3200xi32, #tpu.memory_space<hbm>>
    tpu.enqueue_dma source(%dma_start3A_355 : memref<3200xi32, #tpu.memory_space<hbm>>) target(%arg6 : memref<3200xi32, #tpu.memory_space<vmem>>) target_semaphore(%arg10 : memref<!tpu.dma_semaphore, #tpu.memory_space<semaphore_mem>>)
    %mul3A_356 = arith.constant 102400 : i32
    %mul3A_357 = arith.muli %add3A, %mul3A_356 : i32
    %add3A_358 = arith.constant 3200 : i32
    %add3A_359 = arith.addi %mul3A_357, %add3A_358 : i32
    %dma_start3A_360 = tpu.memref_slice %arg2[%add3A_359] : memref<3276800xi32, #tpu.memory_space<hbm>> -> memref<3200xi32, #tpu.memory_space<hbm>>
    %dma_start3A_361 = tpu.memref_slice %arg2[%add3A_359] : memref<3276800xi32, #tpu.memory_space<hbm>> -> memref<3200xi32, #tpu.memory_space<hbm>>
    tpu.enqueue_dma source(%dma_start3A_361 : memref<3200xi32, #tpu.memory_space<hbm>>) target(%arg7 : memref<3200xi32, #tpu.memory_space<vmem>>) target_semaphore(%arg11 : memref<!tpu.dma_semaphore, #tpu.memory_space<semaphore_mem>>)
    %scan3A = arith.constant 0 : i32
    %scan3A_362 = arith.constant 16 : i32
    %scan3A_363 = arith.addi %scan3A, %scan3A_362 : i32
    %scan3A_364 = arith.constant 1 : i32
    scf.for %scan3A_397 = %scan3A to %scan3A_363 step %scan3A_364  : i32 {
      %mul3A_398 = arith.constant 1 : i32
      %mul3A_399 = arith.muli %scan3A_397, %mul3A_398 : i32
      %add3A_400 = arith.constant 0 : i32
      %add3A_401 = arith.addi %add3A_400, %mul3A_399 : i32
      %mul3A_402 = arith.constant 2 : i32
      %mul3A_403 = arith.muli %add3A_401, %mul3A_402 : i32
      %add3A_404 = arith.constant 0 : i32
      %add3A_405 = arith.addi %mul3A_403, %add3A_404 : i32
      %dma_wait3A_406 = arith.constant 0 : i32
      %dma_wait3A_407 = tpu.memref_slice %arg2[%dma_wait3A_406] : memref<3276800xi32, #tpu.memory_space<hbm>> -> memref<3200xi32, #tpu.memory_space<hbm>>
      %dma_wait3A_408 = arith.constant 0 : i32
      %dma_wait3A_409 = tpu.memref_slice %arg2[%dma_wait3A_408] : memref<3276800xi32, #tpu.memory_space<hbm>> -> memref<3200xi32, #tpu.memory_space<hbm>>
      tpu.wait_dma2 semaphore(%arg10 : memref<!tpu.dma_semaphore, #tpu.memory_space<semaphore_mem>>) src(%dma_wait3A_409 : memref<3200xi32, #tpu.memory_space<hbm>>) dst(%arg6 : memref<3200xi32, #tpu.memory_space<vmem>>)
      %ge3A = arith.constant 2 : i32
      %ge3A_410 = arith.cmpi sge, %add3A_405, %ge3A : i32
      %convert_element_type3A = arith.extui %ge3A_410 : i1 to i32
      %cond3A = arith.constant 0 : i32
      %cond3A_411 = arith.cmpi ne, %convert_element_type3A, %cond3A : i32
      scf.if %cond3A_411 {
        %dma_wait3A_499 = arith.constant 0 : i32
        %dma_wait3A_500 = tpu.memref_slice %arg8[%dma_wait3A_499] : memref<51200xf32, #tpu.memory_space<vmem>> -> memref<25600xf32, #tpu.memory_space<vmem>>
        %dma_wait3A_501 = arith.constant 0 : i32
        %dma_wait3A_502 = tpu.memref_slice %arg4[%dma_wait3A_501] : memref<52428800xf32, #tpu.memory_space<hbm>> -> memref<25600xf32, #tpu.memory_space<hbm>>
        %dma_wait3A_503 = arith.constant 0 : i32
        %dma_wait3A_504 = tpu.memref_slice %arg4[%dma_wait3A_503] : memref<52428800xf32, #tpu.memory_space<hbm>> -> memref<25600xf32, #tpu.memory_space<hbm>>
        %dma_wait3A_505 = arith.constant 0 : i32
        %dma_wait3A_506 = tpu.memref_slice %arg8[%dma_wait3A_505] : memref<51200xf32, #tpu.memory_space<vmem>> -> memref<25600xf32, #tpu.memory_space<vmem>>
        tpu.wait_dma2 semaphore(%arg12 : memref<!tpu.dma_semaphore, #tpu.memory_space<semaphore_mem>>) src(%dma_wait3A_506 : memref<25600xf32, #tpu.memory_space<vmem>>) dst(%dma_wait3A_504 : memref<25600xf32, #tpu.memory_space<hbm>>)
        %dma_wait3A_507 = arith.constant 25600 : i32
        %dma_wait3A_508 = tpu.memref_slice %arg8[%dma_wait3A_507] : memref<51200xf32, #tpu.memory_space<vmem>> -> memref<25600xf32, #tpu.memory_space<vmem>>
        %dma_wait3A_509 = arith.constant 0 : i32
        %dma_wait3A_510 = tpu.memref_slice %arg4[%dma_wait3A_509] : memref<52428800xf32, #tpu.memory_space<hbm>> -> memref<25600xf32, #tpu.memory_space<hbm>>
        %dma_wait3A_511 = arith.constant 0 : i32
        %dma_wait3A_512 = tpu.memref_slice %arg4[%dma_wait3A_511] : memref<52428800xf32, #tpu.memory_space<hbm>> -> memref<25600xf32, #tpu.memory_space<hbm>>
        %dma_wait3A_513 = arith.constant 25600 : i32
        %dma_wait3A_514 = tpu.memref_slice %arg8[%dma_wait3A_513] : memref<51200xf32, #tpu.memory_space<vmem>> -> memref<25600xf32, #tpu.memory_space<vmem>>
        tpu.wait_dma2 semaphore(%arg12 : memref<!tpu.dma_semaphore, #tpu.memory_space<semaphore_mem>>) src(%dma_wait3A_514 : memref<25600xf32, #tpu.memory_space<vmem>>) dst(%dma_wait3A_512 : memref<25600xf32, #tpu.memory_space<hbm>>)
      } else {
      }
      %parallel_loop3A = arith.constant 0 : i32
      %parallel_loop3A_412 = arith.constant 200 : i32
      %parallel_loop3A_413 = arith.constant 1 : i32
      scf.for %parallel_loop3A_499 = %parallel_loop3A to %parallel_loop3A_412 step %parallel_loop3A_413  : i32 {
        %parallel_loop3A_500 = arith.constant 16 : i32
        %parallel_loop3A_501 = arith.muli %parallel_loop3A_499, %parallel_loop3A_500 : i32
        %parallel_loop3A_502 = arith.index_cast %parallel_loop3A_501 : i32 to index
        %parallel_loop3A_503 = tpu.vector_load %arg6[%parallel_loop3A_502] {strides = array<i32>} : memref<3200xi32, #tpu.memory_space<vmem>>, vector<16xi32>,
        %parallel_loop3A_504 = arith.constant 16 : i32
        %parallel_loop3A_505 = vector.broadcast %parallel_loop3A_504 : i32 to vector<16xi32>
        %parallel_loop3A_506 = arith.muli %parallel_loop3A_503, %parallel_loop3A_505 : vector<16xi32>
        %parallel_loop3A_507 = arith.constant 256 : i32
        %parallel_loop3A_508 = arith.muli %parallel_loop3A_499, %parallel_loop3A_507 : i32
        %parallel_loop3A_509 = vector.broadcast %parallel_loop3A_508 : i32 to vector<16xi32>
        %parallel_loop3A_510 = arith.addi %parallel_loop3A_509, %mul3A_350 : vector<16xi32>
        %parallel_loop3A_511 = arith.constant 0 : i32
        %parallel_loop3A_512 = vector.broadcast %parallel_loop3A_511 : i32 to vector<16xi32>
        %parallel_loop3A_513 = arith.addi %parallel_loop3A_506, %parallel_loop3A_512 : vector<16xi32>
        %parallel_loop3A_514 = tpu.vector_load_idx %arg5[%parallel_loop3A_513] : memref<800xf32, #tpu.memory_space<vmem>>[vector<16xi32>], vector<16xf32>,
        %parallel_loop3A_515 = arith.constant 0 : i32
        %parallel_loop3A_516 = vector.broadcast %parallel_loop3A_515 : i32 to vector<16xi32>
        %parallel_loop3A_517 = arith.addi %parallel_loop3A_510, %parallel_loop3A_516 : vector<16xi32>
        tpu.vector_store_idx %arg8[%parallel_loop3A_517], %parallel_loop3A_514 : memref<51200xf32, #tpu.memory_space<vmem>>[vector<16xi32>], vector<16xf32>,
        %parallel_loop3A_518 = arith.constant 1 : i32
        %parallel_loop3A_519 = vector.broadcast %parallel_loop3A_518 : i32 to vector<16xi32>
        %parallel_loop3A_520 = arith.addi %parallel_loop3A_506, %parallel_loop3A_519 : vector<16xi32>
        %parallel_loop3A_521 = tpu.vector_load_idx %arg5[%parallel_loop3A_520] : memref<800xf32, #tpu.memory_space<vmem>>[vector<16xi32>], vector<16xf32>,
        %parallel_loop3A_522 = arith.constant 1 : i32
        %parallel_loop3A_523 = vector.broadcast %parallel_loop3A_522 : i32 to vector<16xi32>
        %parallel_loop3A_524 = arith.addi %parallel_loop3A_510, %parallel_loop3A_523 : vector<16xi32>
        tpu.vector_store_idx %arg8[%parallel_loop3A_524], %parallel_loop3A_521 : memref<51200xf32, #tpu.memory_space<vmem>>[vector<16xi32>], vector<16xf32>,
        %parallel_loop3A_525 = arith.constant 2 : i32
        %parallel_loop3A_526 = vector.broadcast %parallel_loop3A_525 : i32 to vector<16xi32>
        %parallel_loop3A_527 = arith.addi %parallel_loop3A_506, %parallel_loop3A_526 : vector<16xi32>
        %parallel_loop3A_528 = tpu.vector_load_idx %arg5[%parallel_loop3A_527] : memref<800xf32, #tpu.memory_space<vmem>>[vector<16xi32>], vector<16xf32>,
        %parallel_loop3A_529 = arith.constant 2 : i32
        %parallel_loop3A_530 = vector.broadcast %parallel_loop3A_529 : i32 to vector<16xi32>
        %parallel_loop3A_531 = arith.addi %parallel_loop3A_510, %parallel_loop3A_530 : vector<16xi32>
        tpu.vector_store_idx %arg8[%parallel_loop3A_531], %parallel_loop3A_528 : memref<51200xf32, #tpu.memory_space<vmem>>[vector<16xi32>], vector<16xf32>,
        %parallel_loop3A_532 = arith.constant 3 : i32
        %parallel_loop3A_533 = vector.broadcast %parallel_loop3A_532 : i32 to vector<16xi32>
        %parallel_loop3A_534 = arith.addi %parallel_loop3A_506, %parallel_loop3A_533 : vector<16xi32>
        %parallel_loop3A_535 = tpu.vector_load_idx %arg5[%parallel_loop3A_534] : memref<800xf32, #tpu.memory_space<vmem>>[vector<16xi32>], vector<16xf32>,
        %parallel_loop3A_536 = arith.constant 3 : i32
        %parallel_loop3A_537 = vector.broadcast %parallel_loop3A_536 : i32 to vector<16xi32>
        %parallel_loop3A_538 = arith.addi %parallel_loop3A_510, %parallel_loop3A_537 : vector<16xi32>
        tpu.vector_store_idx %arg8[%parallel_loop3A_538], %parallel_loop3A_535 : memref<51200xf32, #tpu.memory_space<vmem>>[vector<16xi32>], vector<16xf32>,
        %parallel_loop3A_539 = arith.constant 4 : i32
        %parallel_loop3A_540 = vector.broadcast %parallel_loop3A_539 : i32 to vector<16xi32>
        %parallel_loop3A_541 = arith.addi %parallel_loop3A_506, %parallel_loop3A_540 : vector<16xi32>
        %parallel_loop3A_542 = tpu.vector_load_idx %arg5[%parallel_loop3A_541] : memref<800xf32, #tpu.memory_space<vmem>>[vector<16xi32>], vector<16xf32>,
        %parallel_loop3A_543 = arith.constant 4 : i32
        %parallel_loop3A_544 = vector.broadcast %parallel_loop3A_543 : i32 to vector<16xi32>
        %parallel_loop3A_545 = arith.addi %parallel_loop3A_510, %parallel_loop3A_544 : vector<16xi32>
        tpu.vector_store_idx %arg8[%parallel_loop3A_545], %parallel_loop3A_542 : memref<51200xf32, #tpu.memory_space<vmem>>[vector<16xi32>], vector<16xf32>,
        %parallel_loop3A_546 = arith.constant 5 : i32
        %parallel_loop3A_547 = vector.broadcast %parallel_loop3A_546 : i32 to vector<16xi32>
        %parallel_loop3A_548 = arith.addi %parallel_loop3A_506, %parallel_loop3A_547 : vector<16xi32>
        %parallel_loop3A_549 = tpu.vector_load_idx %arg5[%parallel_loop3A_548] : memref<800xf32, #tpu.memory_space<vmem>>[vector<16xi32>], vector<16xf32>,
        %parallel_loop3A_550 = arith.constant 5 : i32
        %parallel_loop3A_551 = vector.broadcast %parallel_loop3A_550 : i32 to vector<16xi32>
        %parallel_loop3A_552 = arith.addi %parallel_loop3A_510, %parallel_loop3A_551 : vector<16xi32>
        tpu.vector_store_idx %arg8[%parallel_loop3A_552], %parallel_loop3A_549 : memref<51200xf32, #tpu.memory_space<vmem>>[vector<16xi32>], vector<16xf32>,
        %parallel_loop3A_553 = arith.constant 6 : i32
        %parallel_loop3A_554 = vector.broadcast %parallel_loop3A_553 : i32 to vector<16xi32>
        %parallel_loop3A_555 = arith.addi %parallel_loop3A_506, %parallel_loop3A_554 : vector<16xi32>
        %parallel_loop3A_556 = tpu.vector_load_idx %arg5[%parallel_loop3A_555] : memref<800xf32, #tpu.memory_space<vmem>>[vector<16xi32>], vector<16xf32>,
        %parallel_loop3A_557 = arith.constant 6 : i32
        %parallel_loop3A_558 = vector.broadcast %parallel_loop3A_557 : i32 to vector<16xi32>
        %parallel_loop3A_559 = arith.addi %parallel_loop3A_510, %parallel_loop3A_558 : vector<16xi32>
        tpu.vector_store_idx %arg8[%parallel_loop3A_559], %parallel_loop3A_556 : memref<51200xf32, #tpu.memory_space<vmem>>[vector<16xi32>], vector<16xf32>,
        %parallel_loop3A_560 = arith.constant 7 : i32
        %parallel_loop3A_561 = vector.broadcast %parallel_loop3A_560 : i32 to vector<16xi32>
        %parallel_loop3A_562 = arith.addi %parallel_loop3A_506, %parallel_loop3A_561 : vector<16xi32>
        %parallel_loop3A_563 = tpu.vector_load_idx %arg5[%parallel_loop3A_562] : memref<800xf32, #tpu.memory_space<vmem>>[vector<16xi32>], vector<16xf32>,
        %parallel_loop3A_564 = arith.constant 7 : i32
        %parallel_loop3A_565 = vector.broadcast %parallel_loop3A_564 : i32 to vector<16xi32>
        %parallel_loop3A_566 = arith.addi %parallel_loop3A_510, %parallel_loop3A_565 : vector<16xi32>
        tpu.vector_store_idx %arg8[%parallel_loop3A_566], %parallel_loop3A_563 : memref<51200xf32, #tpu.memory_space<vmem>>[vector<16xi32>], vector<16xf32>,
        %parallel_loop3A_567 = arith.constant 8 : i32
        %parallel_loop3A_568 = vector.broadcast %parallel_loop3A_567 : i32 to vector<16xi32>
        %parallel_loop3A_569 = arith.addi %parallel_loop3A_506, %parallel_loop3A_568 : vector<16xi32>
        %parallel_loop3A_570 = tpu.vector_load_idx %arg5[%parallel_loop3A_569] : memref<800xf32, #tpu.memory_space<vmem>>[vector<16xi32>], vector<16xf32>,
        %parallel_loop3A_571 = arith.constant 8 : i32
        %parallel_loop3A_572 = vector.broadcast %parallel_loop3A_571 : i32 to vector<16xi32>
        %parallel_loop3A_573 = arith.addi %parallel_loop3A_510, %parallel_loop3A_572 : vector<16xi32>
        tpu.vector_store_idx %arg8[%parallel_loop3A_573], %parallel_loop3A_570 : memref<51200xf32, #tpu.memory_space<vmem>>[vector<16xi32>], vector<16xf32>,
        %parallel_loop3A_574 = arith.constant 9 : i32
        %parallel_loop3A_575 = vector.broadcast %parallel_loop3A_574 : i32 to vector<16xi32>
        %parallel_loop3A_576 = arith.addi %parallel_loop3A_506, %parallel_loop3A_575 : vector<16xi32>
        %parallel_loop3A_577 = tpu.vector_load_idx %arg5[%parallel_loop3A_576] : memref<800xf32, #tpu.memory_space<vmem>>[vector<16xi32>], vector<16xf32>,
        %parallel_loop3A_578 = arith.constant 9 : i32
        %parallel_loop3A_579 = vector.broadcast %parallel_loop3A_578 : i32 to vector<16xi32>
        %parallel_loop3A_580 = arith.addi %parallel_loop3A_510, %parallel_loop3A_579 : vector<16xi32>
        tpu.vector_store_idx %arg8[%parallel_loop3A_580], %parallel_loop3A_577 : memref<51200xf32, #tpu.memory_space<vmem>>[vector<16xi32>], vector<16xf32>,
        %parallel_loop3A_581 = arith.constant 10 : i32
        %parallel_loop3A_582 = vector.broadcast %parallel_loop3A_581 : i32 to vector<16xi32>
        %parallel_loop3A_583 = arith.addi %parallel_loop3A_506, %parallel_loop3A_582 : vector<16xi32>
        %parallel_loop3A_584 = tpu.vector_load_idx %arg5[%parallel_loop3A_583] : memref<800xf32, #tpu.memory_space<vmem>>[vector<16xi32>], vector<16xf32>,
        %parallel_loop3A_585 = arith.constant 10 : i32
        %parallel_loop3A_586 = vector.broadcast %parallel_loop3A_585 : i32 to vector<16xi32>
        %parallel_loop3A_587 = arith.addi %parallel_loop3A_510, %parallel_loop3A_586 : vector<16xi32>
        tpu.vector_store_idx %arg8[%parallel_loop3A_587], %parallel_loop3A_584 : memref<51200xf32, #tpu.memory_space<vmem>>[vector<16xi32>], vector<16xf32>,
        %parallel_loop3A_588 = arith.constant 11 : i32
        %parallel_loop3A_589 = vector.broadcast %parallel_loop3A_588 : i32 to vector<16xi32>
        %parallel_loop3A_590 = arith.addi %parallel_loop3A_506, %parallel_loop3A_589 : vector<16xi32>
        %parallel_loop3A_591 = tpu.vector_load_idx %arg5[%parallel_loop3A_590] : memref<800xf32, #tpu.memory_space<vmem>>[vector<16xi32>], vector<16xf32>,
        %parallel_loop3A_592 = arith.constant 11 : i32
        %parallel_loop3A_593 = vector.broadcast %parallel_loop3A_592 : i32 to vector<16xi32>
        %parallel_loop3A_594 = arith.addi %parallel_loop3A_510, %parallel_loop3A_593 : vector<16xi32>
        tpu.vector_store_idx %arg8[%parallel_loop3A_594], %parallel_loop3A_591 : memref<51200xf32, #tpu.memory_space<vmem>>[vector<16xi32>], vector<16xf32>,
        %parallel_loop3A_595 = arith.constant 12 : i32
        %parallel_loop3A_596 = vector.broadcast %parallel_loop3A_595 : i32 to vector<16xi32>
        %parallel_loop3A_597 = arith.addi %parallel_loop3A_506, %parallel_loop3A_596 : vector<16xi32>
        %parallel_loop3A_598 = tpu.vector_load_idx %arg5[%parallel_loop3A_597] : memref<800xf32, #tpu.memory_space<vmem>>[vector<16xi32>], vector<16xf32>,
        %parallel_loop3A_599 = arith.constant 12 : i32
        %parallel_loop3A_600 = vector.broadcast %parallel_loop3A_599 : i32 to vector<16xi32>
        %parallel_loop3A_601 = arith.addi %parallel_loop3A_510, %parallel_loop3A_600 : vector<16xi32>
        tpu.vector_store_idx %arg8[%parallel_loop3A_601], %parallel_loop3A_598 : memref<51200xf32, #tpu.memory_space<vmem>>[vector<16xi32>], vector<16xf32>,
        %parallel_loop3A_602 = arith.constant 13 : i32
        %parallel_loop3A_603 = vector.broadcast %parallel_loop3A_602 : i32 to vector<16xi32>
        %parallel_loop3A_604 = arith.addi %parallel_loop3A_506, %parallel_loop3A_603 : vector<16xi32>
        %parallel_loop3A_605 = tpu.vector_load_idx %arg5[%parallel_loop3A_604] : memref<800xf32, #tpu.memory_space<vmem>>[vector<16xi32>], vector<16xf32>,
        %parallel_loop3A_606 = arith.constant 13 : i32
        %parallel_loop3A_607 = vector.broadcast %parallel_loop3A_606 : i32 to vector<16xi32>
        %parallel_loop3A_608 = arith.addi %parallel_loop3A_510, %parallel_loop3A_607 : vector<16xi32>
        tpu.vector_store_idx %arg8[%parallel_loop3A_608], %parallel_loop3A_605 : memref<51200xf32, #tpu.memory_space<vmem>>[vector<16xi32>], vector<16xf32>,
        %parallel_loop3A_609 = arith.constant 14 : i32
        %parallel_loop3A_610 = vector.broadcast %parallel_loop3A_609 : i32 to vector<16xi32>
        %parallel_loop3A_611 = arith.addi %parallel_loop3A_506, %parallel_loop3A_610 : vector<16xi32>
        %parallel_loop3A_612 = tpu.vector_load_idx %arg5[%parallel_loop3A_611] : memref<800xf32, #tpu.memory_space<vmem>>[vector<16xi32>], vector<16xf32>,
        %parallel_loop3A_613 = arith.constant 14 : i32
        %parallel_loop3A_614 = vector.broadcast %parallel_loop3A_613 : i32 to vector<16xi32>
        %parallel_loop3A_615 = arith.addi %parallel_loop3A_510, %parallel_loop3A_614 : vector<16xi32>
        tpu.vector_store_idx %arg8[%parallel_loop3A_615], %parallel_loop3A_612 : memref<51200xf32, #tpu.memory_space<vmem>>[vector<16xi32>], vector<16xf32>,
        %parallel_loop3A_616 = arith.constant 15 : i32
        %parallel_loop3A_617 = vector.broadcast %parallel_loop3A_616 : i32 to vector<16xi32>
        %parallel_loop3A_618 = arith.addi %parallel_loop3A_506, %parallel_loop3A_617 : vector<16xi32>
        %parallel_loop3A_619 = tpu.vector_load_idx %arg5[%parallel_loop3A_618] : memref<800xf32, #tpu.memory_space<vmem>>[vector<16xi32>], vector<16xf32>,
        %parallel_loop3A_620 = arith.constant 15 : i32
        %parallel_loop3A_621 = vector.broadcast %parallel_loop3A_620 : i32 to vector<16xi32>
        %parallel_loop3A_622 = arith.addi %parallel_loop3A_510, %parallel_loop3A_621 : vector<16xi32>
        tpu.vector_store_idx %arg8[%parallel_loop3A_622], %parallel_loop3A_619 : memref<51200xf32, #tpu.memory_space<vmem>>[vector<16xi32>], vector<16xf32>,
      } {sc.loop_unroll_factor = 8 : i64, sc.parallel_access}
      %mul3A_414 = arith.constant 102400 : i32
      %mul3A_415 = arith.muli %add3A, %mul3A_414 : i32
      %mul3A_416 = arith.constant 3200 : i32
      %mul3A_417 = arith.muli %add3A_405, %mul3A_416 : i32
      %add3A_418 = arith.addi %mul3A_415, %mul3A_417 : i32
      %mul3A_419 = arith.constant 16 : i32
      %mul3A_420 = arith.muli %add3A_418, %mul3A_419 : i32
      %dma_start3A_421 = arith.constant 0 : i32
      %dma_start3A_422 = tpu.memref_slice %arg8[%dma_start3A_421] : memref<51200xf32, #tpu.memory_space<vmem>> -> memref<25600xf32, #tpu.memory_space<vmem>>
      %dma_start3A_423 = tpu.memref_slice %arg4[%mul3A_420] : memref<52428800xf32, #tpu.memory_space<hbm>> -> memref<25600xf32, #tpu.memory_space<hbm>>
      %dma_start3A_424 = tpu.memref_slice %arg4[%mul3A_420] : memref<52428800xf32, #tpu.memory_space<hbm>> -> memref<25600xf32, #tpu.memory_space<hbm>>
      %dma_start3A_425 = arith.constant 0 : i32
      %dma_start3A_426 = tpu.memref_slice %arg8[%dma_start3A_425] : memref<51200xf32, #tpu.memory_space<vmem>> -> memref<25600xf32, #tpu.memory_space<vmem>>
      tpu.enqueue_dma source(%dma_start3A_426 : memref<25600xf32, #tpu.memory_space<vmem>>) target(%dma_start3A_424 : memref<25600xf32, #tpu.memory_space<hbm>>) target_semaphore(%arg12 : memref<!tpu.dma_semaphore, #tpu.memory_space<semaphore_mem>>)
      %mul3A_427 = arith.constant 102400 : i32
      %mul3A_428 = arith.muli %add3A, %mul3A_427 : i32
      %mul3A_429 = arith.constant 3200 : i32
      %mul3A_430 = arith.muli %add3A_405, %mul3A_429 : i32
      %add3A_431 = arith.addi %mul3A_428, %mul3A_430 : i32
      %mul3A_432 = arith.constant 16 : i32
      %mul3A_433 = arith.muli %add3A_431, %mul3A_432 : i32
      %add3A_434 = arith.constant 25600 : i32
      %add3A_435 = arith.addi %mul3A_433, %add3A_434 : i32
      %dma_start3A_436 = arith.constant 25600 : i32
      %dma_start3A_437 = tpu.memref_slice %arg8[%dma_start3A_436] : memref<51200xf32, #tpu.memory_space<vmem>> -> memref<25600xf32, #tpu.memory_space<vmem>>
      %dma_start3A_438 = tpu.memref_slice %arg4[%add3A_435] : memref<52428800xf32, #tpu.memory_space<hbm>> -> memref<25600xf32, #tpu.memory_space<hbm>>
      %dma_start3A_439 = tpu.memref_slice %arg4[%add3A_435] : memref<52428800xf32, #tpu.memory_space<hbm>> -> memref<25600xf32, #tpu.memory_space<hbm>>
      %dma_start3A_440 = arith.constant 25600 : i32
      %dma_start3A_441 = tpu.memref_slice %arg8[%dma_start3A_440] : memref<51200xf32, #tpu.memory_space<vmem>> -> memref<25600xf32, #tpu.memory_space<vmem>>
      tpu.enqueue_dma source(%dma_start3A_441 : memref<25600xf32, #tpu.memory_space<vmem>>) target(%dma_start3A_439 : memref<25600xf32, #tpu.memory_space<hbm>>) target_semaphore(%arg12 : memref<!tpu.dma_semaphore, #tpu.memory_space<semaphore_mem>>)
      %add3A_442 = arith.constant 2 : i32
      %add3A_443 = arith.addi %add3A_405, %add3A_442 : i32
      %lt3A = arith.constant 32 : i32
      %lt3A_444 = arith.cmpi slt, %add3A_443, %lt3A : i32
      %convert_element_type3A_445 = arith.extui %lt3A_444 : i1 to i32
      %cond3A_446 = arith.constant 0 : i32
      %cond3A_447 = arith.cmpi ne, %convert_element_type3A_445, %cond3A_446 : i32
      scf.if %cond3A_447 {
        %add3A_499 = arith.constant 2 : i32
        %add3A_500 = arith.addi %add3A_405, %add3A_499 : i32
        %mul3A_501 = arith.constant 102400 : i32
        %mul3A_502 = arith.muli %add3A, %mul3A_501 : i32
        %mul3A_503 = arith.constant 3200 : i32
        %mul3A_504 = arith.muli %add3A_500, %mul3A_503 : i32
        %add3A_505 = arith.addi %mul3A_502, %mul3A_504 : i32
        %dma_start3A_506 = tpu.memref_slice %arg2[%add3A_505] : memref<3276800xi32, #tpu.memory_space<hbm>> -> memref<3200xi32, #tpu.memory_space<hbm>>
        %dma_start3A_507 = tpu.memref_slice %arg2[%add3A_505] : memref<3276800xi32, #tpu.memory_space<hbm>> -> memref<3200xi32, #tpu.memory_space<hbm>>
        tpu.enqueue_dma source(%dma_start3A_507 : memref<3200xi32, #tpu.memory_space<hbm>>) target(%arg6 : memref<3200xi32, #tpu.memory_space<vmem>>) target_semaphore(%arg10 : memref<!tpu.dma_semaphore, #tpu.memory_space<semaphore_mem>>)
      } else {
      }
      %mul3A_448 = arith.constant 2 : i32
      %mul3A_449 = arith.muli %add3A_401, %mul3A_448 : i32
      %add3A_450 = arith.constant 1 : i32
      %add3A_451 = arith.addi %mul3A_449, %add3A_450 : i32
      %dma_wait3A_452 = arith.constant 0 : i32
      %dma_wait3A_453 = tpu.memref_slice %arg2[%dma_wait3A_452] : memref<3276800xi32, #tpu.memory_space<hbm>> -> memref<3200xi32, #tpu.memory_space<hbm>>
      %dma_wait3A_454 = arith.constant 0 : i32
      %dma_wait3A_455 = tpu.memref_slice %arg2[%dma_wait3A_454] : memref<3276800xi32, #tpu.memory_space<hbm>> -> memref<3200xi32, #tpu.memory_space<hbm>>
      tpu.wait_dma2 semaphore(%arg11 : memref<!tpu.dma_semaphore, #tpu.memory_space<semaphore_mem>>) src(%dma_wait3A_455 : memref<3200xi32, #tpu.memory_space<hbm>>) dst(%arg7 : memref<3200xi32, #tpu.memory_space<vmem>>)
      %ge3A_456 = arith.constant 2 : i32
      %ge3A_457 = arith.cmpi sge, %add3A_451, %ge3A_456 : i32
      %convert_element_type3A_458 = arith.extui %ge3A_457 : i1 to i32
      %cond3A_459 = arith.constant 0 : i32
      %cond3A_460 = arith.cmpi ne, %convert_element_type3A_458, %cond3A_459 : i32
      scf.if %cond3A_460 {
        %dma_wait3A_499 = arith.constant 0 : i32
        %dma_wait3A_500 = tpu.memref_slice %arg9[%dma_wait3A_499] : memref<51200xf32, #tpu.memory_space<vmem>> -> memref<25600xf32, #tpu.memory_space<vmem>>
        %dma_wait3A_501 = arith.constant 0 : i32
        %dma_wait3A_502 = tpu.memref_slice %arg4[%dma_wait3A_501] : memref<52428800xf32, #tpu.memory_space<hbm>> -> memref<25600xf32, #tpu.memory_space<hbm>>
        %dma_wait3A_503 = arith.constant 0 : i32
        %dma_wait3A_504 = tpu.memref_slice %arg4[%dma_wait3A_503] : memref<52428800xf32, #tpu.memory_space<hbm>> -> memref<25600xf32, #tpu.memory_space<hbm>>
        %dma_wait3A_505 = arith.constant 0 : i32
        %dma_wait3A_506 = tpu.memref_slice %arg9[%dma_wait3A_505] : memref<51200xf32, #tpu.memory_space<vmem>> -> memref<25600xf32, #tpu.memory_space<vmem>>
        tpu.wait_dma2 semaphore(%arg13 : memref<!tpu.dma_semaphore, #tpu.memory_space<semaphore_mem>>) src(%dma_wait3A_506 : memref<25600xf32, #tpu.memory_space<vmem>>) dst(%dma_wait3A_504 : memref<25600xf32, #tpu.memory_space<hbm>>)
        %dma_wait3A_507 = arith.constant 25600 : i32
        %dma_wait3A_508 = tpu.memref_slice %arg9[%dma_wait3A_507] : memref<51200xf32, #tpu.memory_space<vmem>> -> memref<25600xf32, #tpu.memory_space<vmem>>
        %dma_wait3A_509 = arith.constant 0 : i32
        %dma_wait3A_510 = tpu.memref_slice %arg4[%dma_wait3A_509] : memref<52428800xf32, #tpu.memory_space<hbm>> -> memref<25600xf32, #tpu.memory_space<hbm>>
        %dma_wait3A_511 = arith.constant 0 : i32
        %dma_wait3A_512 = tpu.memref_slice %arg4[%dma_wait3A_511] : memref<52428800xf32, #tpu.memory_space<hbm>> -> memref<25600xf32, #tpu.memory_space<hbm>>
        %dma_wait3A_513 = arith.constant 25600 : i32
        %dma_wait3A_514 = tpu.memref_slice %arg9[%dma_wait3A_513] : memref<51200xf32, #tpu.memory_space<vmem>> -> memref<25600xf32, #tpu.memory_space<vmem>>
        tpu.wait_dma2 semaphore(%arg13 : memref<!tpu.dma_semaphore, #tpu.memory_space<semaphore_mem>>) src(%dma_wait3A_514 : memref<25600xf32, #tpu.memory_space<vmem>>) dst(%dma_wait3A_512 : memref<25600xf32, #tpu.memory_space<hbm>>)
      } else {
      }
      %parallel_loop3A_461 = arith.constant 0 : i32
      %parallel_loop3A_462 = arith.constant 200 : i32
      %parallel_loop3A_463 = arith.constant 1 : i32
      scf.for %parallel_loop3A_499 = %parallel_loop3A_461 to %parallel_loop3A_462 step %parallel_loop3A_463  : i32 {
        %parallel_loop3A_500 = arith.constant 16 : i32
        %parallel_loop3A_501 = arith.muli %parallel_loop3A_499, %parallel_loop3A_500 : i32
        %parallel_loop3A_502 = arith.index_cast %parallel_loop3A_501 : i32 to index
        %parallel_loop3A_503 = tpu.vector_load %arg7[%parallel_loop3A_502] {strides = array<i32>} : memref<3200xi32, #tpu.memory_space<vmem>>, vector<16xi32>,
        %parallel_loop3A_504 = arith.constant 16 : i32
        %parallel_loop3A_505 = vector.broadcast %parallel_loop3A_504 : i32 to vector<16xi32>
        %parallel_loop3A_506 = arith.muli %parallel_loop3A_503, %parallel_loop3A_505 : vector<16xi32>
        %parallel_loop3A_507 = arith.constant 256 : i32
        %parallel_loop3A_508 = arith.muli %parallel_loop3A_499, %parallel_loop3A_507 : i32
        %parallel_loop3A_509 = vector.broadcast %parallel_loop3A_508 : i32 to vector<16xi32>
        %parallel_loop3A_510 = arith.addi %parallel_loop3A_509, %mul3A_350 : vector<16xi32>
        %parallel_loop3A_511 = arith.constant 0 : i32
        %parallel_loop3A_512 = vector.broadcast %parallel_loop3A_511 : i32 to vector<16xi32>
        %parallel_loop3A_513 = arith.addi %parallel_loop3A_506, %parallel_loop3A_512 : vector<16xi32>
        %parallel_loop3A_514 = tpu.vector_load_idx %arg5[%parallel_loop3A_513] : memref<800xf32, #tpu.memory_space<vmem>>[vector<16xi32>], vector<16xf32>,
        %parallel_loop3A_515 = arith.constant 0 : i32
        %parallel_loop3A_516 = vector.broadcast %parallel_loop3A_515 : i32 to vector<16xi32>
        %parallel_loop3A_517 = arith.addi %parallel_loop3A_510, %parallel_loop3A_516 : vector<16xi32>
        tpu.vector_store_idx %arg9[%parallel_loop3A_517], %parallel_loop3A_514 : memref<51200xf32, #tpu.memory_space<vmem>>[vector<16xi32>], vector<16xf32>,
        %parallel_loop3A_518 = arith.constant 1 : i32
        %parallel_loop3A_519 = vector.broadcast %parallel_loop3A_518 : i32 to vector<16xi32>
        %parallel_loop3A_520 = arith.addi %parallel_loop3A_506, %parallel_loop3A_519 : vector<16xi32>
        %parallel_loop3A_521 = tpu.vector_load_idx %arg5[%parallel_loop3A_520] : memref<800xf32, #tpu.memory_space<vmem>>[vector<16xi32>], vector<16xf32>,
        %parallel_loop3A_522 = arith.constant 1 : i32
        %parallel_loop3A_523 = vector.broadcast %parallel_loop3A_522 : i32 to vector<16xi32>
        %parallel_loop3A_524 = arith.addi %parallel_loop3A_510, %parallel_loop3A_523 : vector<16xi32>
        tpu.vector_store_idx %arg9[%parallel_loop3A_524], %parallel_loop3A_521 : memref<51200xf32, #tpu.memory_space<vmem>>[vector<16xi32>], vector<16xf32>,
        %parallel_loop3A_525 = arith.constant 2 : i32
        %parallel_loop3A_526 = vector.broadcast %parallel_loop3A_525 : i32 to vector<16xi32>
        %parallel_loop3A_527 = arith.addi %parallel_loop3A_506, %parallel_loop3A_526 : vector<16xi32>
        %parallel_loop3A_528 = tpu.vector_load_idx %arg5[%parallel_loop3A_527] : memref<800xf32, #tpu.memory_space<vmem>>[vector<16xi32>], vector<16xf32>,
        %parallel_loop3A_529 = arith.constant 2 : i32
        %parallel_loop3A_530 = vector.broadcast %parallel_loop3A_529 : i32 to vector<16xi32>
        %parallel_loop3A_531 = arith.addi %parallel_loop3A_510, %parallel_loop3A_530 : vector<16xi32>
        tpu.vector_store_idx %arg9[%parallel_loop3A_531], %parallel_loop3A_528 : memref<51200xf32, #tpu.memory_space<vmem>>[vector<16xi32>], vector<16xf32>,
        %parallel_loop3A_532 = arith.constant 3 : i32
        %parallel_loop3A_533 = vector.broadcast %parallel_loop3A_532 : i32 to vector<16xi32>
        %parallel_loop3A_534 = arith.addi %parallel_loop3A_506, %parallel_loop3A_533 : vector<16xi32>
        %parallel_loop3A_535 = tpu.vector_load_idx %arg5[%parallel_loop3A_534] : memref<800xf32, #tpu.memory_space<vmem>>[vector<16xi32>], vector<16xf32>,
        %parallel_loop3A_536 = arith.constant 3 : i32
        %parallel_loop3A_537 = vector.broadcast %parallel_loop3A_536 : i32 to vector<16xi32>
        %parallel_loop3A_538 = arith.addi %parallel_loop3A_510, %parallel_loop3A_537 : vector<16xi32>
        tpu.vector_store_idx %arg9[%parallel_loop3A_538], %parallel_loop3A_535 : memref<51200xf32, #tpu.memory_space<vmem>>[vector<16xi32>], vector<16xf32>,
        %parallel_loop3A_539 = arith.constant 4 : i32
        %parallel_loop3A_540 = vector.broadcast %parallel_loop3A_539 : i32 to vector<16xi32>
        %parallel_loop3A_541 = arith.addi %parallel_loop3A_506, %parallel_loop3A_540 : vector<16xi32>
        %parallel_loop3A_542 = tpu.vector_load_idx %arg5[%parallel_loop3A_541] : memref<800xf32, #tpu.memory_space<vmem>>[vector<16xi32>], vector<16xf32>,
        %parallel_loop3A_543 = arith.constant 4 : i32
        %parallel_loop3A_544 = vector.broadcast %parallel_loop3A_543 : i32 to vector<16xi32>
        %parallel_loop3A_545 = arith.addi %parallel_loop3A_510, %parallel_loop3A_544 : vector<16xi32>
        tpu.vector_store_idx %arg9[%parallel_loop3A_545], %parallel_loop3A_542 : memref<51200xf32, #tpu.memory_space<vmem>>[vector<16xi32>], vector<16xf32>,
        %parallel_loop3A_546 = arith.constant 5 : i32
        %parallel_loop3A_547 = vector.broadcast %parallel_loop3A_546 : i32 to vector<16xi32>
        %parallel_loop3A_548 = arith.addi %parallel_loop3A_506, %parallel_loop3A_547 : vector<16xi32>
        %parallel_loop3A_549 = tpu.vector_load_idx %arg5[%parallel_loop3A_548] : memref<800xf32, #tpu.memory_space<vmem>>[vector<16xi32>], vector<16xf32>,
        %parallel_loop3A_550 = arith.constant 5 : i32
        %parallel_loop3A_551 = vector.broadcast %parallel_loop3A_550 : i32 to vector<16xi32>
        %parallel_loop3A_552 = arith.addi %parallel_loop3A_510, %parallel_loop3A_551 : vector<16xi32>
        tpu.vector_store_idx %arg9[%parallel_loop3A_552], %parallel_loop3A_549 : memref<51200xf32, #tpu.memory_space<vmem>>[vector<16xi32>], vector<16xf32>,
        %parallel_loop3A_553 = arith.constant 6 : i32
        %parallel_loop3A_554 = vector.broadcast %parallel_loop3A_553 : i32 to vector<16xi32>
        %parallel_loop3A_555 = arith.addi %parallel_loop3A_506, %parallel_loop3A_554 : vector<16xi32>
        %parallel_loop3A_556 = tpu.vector_load_idx %arg5[%parallel_loop3A_555] : memref<800xf32, #tpu.memory_space<vmem>>[vector<16xi32>], vector<16xf32>,
        %parallel_loop3A_557 = arith.constant 6 : i32
        %parallel_loop3A_558 = vector.broadcast %parallel_loop3A_557 : i32 to vector<16xi32>
        %parallel_loop3A_559 = arith.addi %parallel_loop3A_510, %parallel_loop3A_558 : vector<16xi32>
        tpu.vector_store_idx %arg9[%parallel_loop3A_559], %parallel_loop3A_556 : memref<51200xf32, #tpu.memory_space<vmem>>[vector<16xi32>], vector<16xf32>,
        %parallel_loop3A_560 = arith.constant 7 : i32
        %parallel_loop3A_561 = vector.broadcast %parallel_loop3A_560 : i32 to vector<16xi32>
        %parallel_loop3A_562 = arith.addi %parallel_loop3A_506, %parallel_loop3A_561 : vector<16xi32>
        %parallel_loop3A_563 = tpu.vector_load_idx %arg5[%parallel_loop3A_562] : memref<800xf32, #tpu.memory_space<vmem>>[vector<16xi32>], vector<16xf32>,
        %parallel_loop3A_564 = arith.constant 7 : i32
        %parallel_loop3A_565 = vector.broadcast %parallel_loop3A_564 : i32 to vector<16xi32>
        %parallel_loop3A_566 = arith.addi %parallel_loop3A_510, %parallel_loop3A_565 : vector<16xi32>
        tpu.vector_store_idx %arg9[%parallel_loop3A_566], %parallel_loop3A_563 : memref<51200xf32, #tpu.memory_space<vmem>>[vector<16xi32>], vector<16xf32>,
        %parallel_loop3A_567 = arith.constant 8 : i32
        %parallel_loop3A_568 = vector.broadcast %parallel_loop3A_567 : i32 to vector<16xi32>
        %parallel_loop3A_569 = arith.addi %parallel_loop3A_506, %parallel_loop3A_568 : vector<16xi32>
        %parallel_loop3A_570 = tpu.vector_load_idx %arg5[%parallel_loop3A_569] : memref<800xf32, #tpu.memory_space<vmem>>[vector<16xi32>], vector<16xf32>,
        %parallel_loop3A_571 = arith.constant 8 : i32
        %parallel_loop3A_572 = vector.broadcast %parallel_loop3A_571 : i32 to vector<16xi32>
        %parallel_loop3A_573 = arith.addi %parallel_loop3A_510, %parallel_loop3A_572 : vector<16xi32>
        tpu.vector_store_idx %arg9[%parallel_loop3A_573], %parallel_loop3A_570 : memref<51200xf32, #tpu.memory_space<vmem>>[vector<16xi32>], vector<16xf32>,
        %parallel_loop3A_574 = arith.constant 9 : i32
        %parallel_loop3A_575 = vector.broadcast %parallel_loop3A_574 : i32 to vector<16xi32>
        %parallel_loop3A_576 = arith.addi %parallel_loop3A_506, %parallel_loop3A_575 : vector<16xi32>
        %parallel_loop3A_577 = tpu.vector_load_idx %arg5[%parallel_loop3A_576] : memref<800xf32, #tpu.memory_space<vmem>>[vector<16xi32>], vector<16xf32>,
        %parallel_loop3A_578 = arith.constant 9 : i32
        %parallel_loop3A_579 = vector.broadcast %parallel_loop3A_578 : i32 to vector<16xi32>
        %parallel_loop3A_580 = arith.addi %parallel_loop3A_510, %parallel_loop3A_579 : vector<16xi32>
        tpu.vector_store_idx %arg9[%parallel_loop3A_580], %parallel_loop3A_577 : memref<51200xf32, #tpu.memory_space<vmem>>[vector<16xi32>], vector<16xf32>,
        %parallel_loop3A_581 = arith.constant 10 : i32
        %parallel_loop3A_582 = vector.broadcast %parallel_loop3A_581 : i32 to vector<16xi32>
        %parallel_loop3A_583 = arith.addi %parallel_loop3A_506, %parallel_loop3A_582 : vector<16xi32>
        %parallel_loop3A_584 = tpu.vector_load_idx %arg5[%parallel_loop3A_583] : memref<800xf32, #tpu.memory_space<vmem>>[vector<16xi32>], vector<16xf32>,
        %parallel_loop3A_585 = arith.constant 10 : i32
        %parallel_loop3A_586 = vector.broadcast %parallel_loop3A_585 : i32 to vector<16xi32>
        %parallel_loop3A_587 = arith.addi %parallel_loop3A_510, %parallel_loop3A_586 : vector<16xi32>
        tpu.vector_store_idx %arg9[%parallel_loop3A_587], %parallel_loop3A_584 : memref<51200xf32, #tpu.memory_space<vmem>>[vector<16xi32>], vector<16xf32>,
        %parallel_loop3A_588 = arith.constant 11 : i32
        %parallel_loop3A_589 = vector.broadcast %parallel_loop3A_588 : i32 to vector<16xi32>
        %parallel_loop3A_590 = arith.addi %parallel_loop3A_506, %parallel_loop3A_589 : vector<16xi32>
        %parallel_loop3A_591 = tpu.vector_load_idx %arg5[%parallel_loop3A_590] : memref<800xf32, #tpu.memory_space<vmem>>[vector<16xi32>], vector<16xf32>,
        %parallel_loop3A_592 = arith.constant 11 : i32
        %parallel_loop3A_593 = vector.broadcast %parallel_loop3A_592 : i32 to vector<16xi32>
        %parallel_loop3A_594 = arith.addi %parallel_loop3A_510, %parallel_loop3A_593 : vector<16xi32>
        tpu.vector_store_idx %arg9[%parallel_loop3A_594], %parallel_loop3A_591 : memref<51200xf32, #tpu.memory_space<vmem>>[vector<16xi32>], vector<16xf32>,
        %parallel_loop3A_595 = arith.constant 12 : i32
        %parallel_loop3A_596 = vector.broadcast %parallel_loop3A_595 : i32 to vector<16xi32>
        %parallel_loop3A_597 = arith.addi %parallel_loop3A_506, %parallel_loop3A_596 : vector<16xi32>
        %parallel_loop3A_598 = tpu.vector_load_idx %arg5[%parallel_loop3A_597] : memref<800xf32, #tpu.memory_space<vmem>>[vector<16xi32>], vector<16xf32>,
        %parallel_loop3A_599 = arith.constant 12 : i32
        %parallel_loop3A_600 = vector.broadcast %parallel_loop3A_599 : i32 to vector<16xi32>
        %parallel_loop3A_601 = arith.addi %parallel_loop3A_510, %parallel_loop3A_600 : vector<16xi32>
        tpu.vector_store_idx %arg9[%parallel_loop3A_601], %parallel_loop3A_598 : memref<51200xf32, #tpu.memory_space<vmem>>[vector<16xi32>], vector<16xf32>,
        %parallel_loop3A_602 = arith.constant 13 : i32
        %parallel_loop3A_603 = vector.broadcast %parallel_loop3A_602 : i32 to vector<16xi32>
        %parallel_loop3A_604 = arith.addi %parallel_loop3A_506, %parallel_loop3A_603 : vector<16xi32>
        %parallel_loop3A_605 = tpu.vector_load_idx %arg5[%parallel_loop3A_604] : memref<800xf32, #tpu.memory_space<vmem>>[vector<16xi32>], vector<16xf32>,
        %parallel_loop3A_606 = arith.constant 13 : i32
        %parallel_loop3A_607 = vector.broadcast %parallel_loop3A_606 : i32 to vector<16xi32>
        %parallel_loop3A_608 = arith.addi %parallel_loop3A_510, %parallel_loop3A_607 : vector<16xi32>
        tpu.vector_store_idx %arg9[%parallel_loop3A_608], %parallel_loop3A_605 : memref<51200xf32, #tpu.memory_space<vmem>>[vector<16xi32>], vector<16xf32>,
        %parallel_loop3A_609 = arith.constant 14 : i32
        %parallel_loop3A_610 = vector.broadcast %parallel_loop3A_609 : i32 to vector<16xi32>
        %parallel_loop3A_611 = arith.addi %parallel_loop3A_506, %parallel_loop3A_610 : vector<16xi32>
        %parallel_loop3A_612 = tpu.vector_load_idx %arg5[%parallel_loop3A_611] : memref<800xf32, #tpu.memory_space<vmem>>[vector<16xi32>], vector<16xf32>,
        %parallel_loop3A_613 = arith.constant 14 : i32
        %parallel_loop3A_614 = vector.broadcast %parallel_loop3A_613 : i32 to vector<16xi32>
        %parallel_loop3A_615 = arith.addi %parallel_loop3A_510, %parallel_loop3A_614 : vector<16xi32>
        tpu.vector_store_idx %arg9[%parallel_loop3A_615], %parallel_loop3A_612 : memref<51200xf32, #tpu.memory_space<vmem>>[vector<16xi32>], vector<16xf32>,
        %parallel_loop3A_616 = arith.constant 15 : i32
        %parallel_loop3A_617 = vector.broadcast %parallel_loop3A_616 : i32 to vector<16xi32>
        %parallel_loop3A_618 = arith.addi %parallel_loop3A_506, %parallel_loop3A_617 : vector<16xi32>
        %parallel_loop3A_619 = tpu.vector_load_idx %arg5[%parallel_loop3A_618] : memref<800xf32, #tpu.memory_space<vmem>>[vector<16xi32>], vector<16xf32>,
        %parallel_loop3A_620 = arith.constant 15 : i32
        %parallel_loop3A_621 = vector.broadcast %parallel_loop3A_620 : i32 to vector<16xi32>
        %parallel_loop3A_622 = arith.addi %parallel_loop3A_510, %parallel_loop3A_621 : vector<16xi32>
        tpu.vector_store_idx %arg9[%parallel_loop3A_622], %parallel_loop3A_619 : memref<51200xf32, #tpu.memory_space<vmem>>[vector<16xi32>], vector<16xf32>,
      } {sc.loop_unroll_factor = 8 : i64, sc.parallel_access}
      %mul3A_464 = arith.constant 102400 : i32
      %mul3A_465 = arith.muli %add3A, %mul3A_464 : i32
      %mul3A_466 = arith.constant 3200 : i32
      %mul3A_467 = arith.muli %add3A_451, %mul3A_466 : i32
      %add3A_468 = arith.addi %mul3A_465, %mul3A_467 : i32
      %mul3A_469 = arith.constant 16 : i32
      %mul3A_470 = arith.muli %add3A_468, %mul3A_469 : i32
      %dma_start3A_471 = arith.constant 0 : i32
      %dma_start3A_472 = tpu.memref_slice %arg9[%dma_start3A_471] : memref<51200xf32, #tpu.memory_space<vmem>> -> memref<25600xf32, #tpu.memory_space<vmem>>
      %dma_start3A_473 = tpu.memref_slice %arg4[%mul3A_470] : memref<52428800xf32, #tpu.memory_space<hbm>> -> memref<25600xf32, #tpu.memory_space<hbm>>
      %dma_start3A_474 = tpu.memref_slice %arg4[%mul3A_470] : memref<52428800xf32, #tpu.memory_space<hbm>> -> memref<25600xf32, #tpu.memory_space<hbm>>
      %dma_start3A_475 = arith.constant 0 : i32
      %dma_start3A_476 = tpu.memref_slice %arg9[%dma_start3A_475] : memref<51200xf32, #tpu.memory_space<vmem>> -> memref<25600xf32, #tpu.memory_space<vmem>>
      tpu.enqueue_dma source(%dma_start3A_476 : memref<25600xf32, #tpu.memory_space<vmem>>) target(%dma_start3A_474 : memref<25600xf32, #tpu.memory_space<hbm>>) target_semaphore(%arg13 : memref<!tpu.dma_semaphore, #tpu.memory_space<semaphore_mem>>)
      %mul3A_477 = arith.constant 102400 : i32
      %mul3A_478 = arith.muli %add3A, %mul3A_477 : i32
      %mul3A_479 = arith.constant 3200 : i32
      %mul3A_480 = arith.muli %add3A_451, %mul3A_479 : i32
      %add3A_481 = arith.addi %mul3A_478, %mul3A_480 : i32
      %mul3A_482 = arith.constant 16 : i32
      %mul3A_483 = arith.muli %add3A_481, %mul3A_482 : i32
      %add3A_484 = arith.constant 25600 : i32
      %add3A_485 = arith.addi %mul3A_483, %add3A_484 : i32
      %dma_start3A_486 = arith.constant 25600 : i32
      %dma_start3A_487 = tpu.memref_slice %arg9[%dma_start3A_486] : memref<51200xf32, #tpu.memory_space<vmem>> -> memref<25600xf32, #tpu.memory_space<vmem>>
      %dma_start3A_488 = tpu.memref_slice %arg4[%add3A_485] : memref<52428800xf32, #tpu.memory_space<hbm>> -> memref<25600xf32, #tpu.memory_space<hbm>>
      %dma_start3A_489 = tpu.memref_slice %arg4[%add3A_485] : memref<52428800xf32, #tpu.memory_space<hbm>> -> memref<25600xf32, #tpu.memory_space<hbm>>
      %dma_start3A_490 = arith.constant 25600 : i32
      %dma_start3A_491 = tpu.memref_slice %arg9[%dma_start3A_490] : memref<51200xf32, #tpu.memory_space<vmem>> -> memref<25600xf32, #tpu.memory_space<vmem>>
      tpu.enqueue_dma source(%dma_start3A_491 : memref<25600xf32, #tpu.memory_space<vmem>>) target(%dma_start3A_489 : memref<25600xf32, #tpu.memory_space<hbm>>) target_semaphore(%arg13 : memref<!tpu.dma_semaphore, #tpu.memory_space<semaphore_mem>>)
      %add3A_492 = arith.constant 2 : i32
      %add3A_493 = arith.addi %add3A_451, %add3A_492 : i32
      %lt3A_494 = arith.constant 32 : i32
      %lt3A_495 = arith.cmpi slt, %add3A_493, %lt3A_494 : i32
      %convert_element_type3A_496 = arith.extui %lt3A_495 : i1 to i32
      %cond3A_497 = arith.constant 0 : i32
      %cond3A_498 = arith.cmpi ne, %convert_element_type3A_496, %cond3A_497 : i32
      scf.if %cond3A_498 {
        %add3A_499 = arith.constant 2 : i32
        %add3A_500 = arith.addi %add3A_451, %add3A_499 : i32
        %mul3A_501 = arith.constant 102400 : i32
        %mul3A_502 = arith.muli %add3A, %mul3A_501 : i32
        %mul3A_503 = arith.constant 3200 : i32
        %mul3A_504 = arith.muli %add3A_500, %mul3A_503 : i32
        %add3A_505 = arith.addi %mul3A_502, %mul3A_504 : i32
        %dma_start3A_506 = tpu.memref_slice %arg2[%add3A_505] : memref<3276800xi32, #tpu.memory_space<hbm>> -> memref<3200xi32, #tpu.memory_space<hbm>>
        %dma_start3A_507 = tpu.memref_slice %arg2[%add3A_505] : memref<3276800xi32, #tpu.memory_space<hbm>> -> memref<3200xi32, #tpu.memory_space<hbm>>
        tpu.enqueue_dma source(%dma_start3A_507 : memref<3200xi32, #tpu.memory_space<hbm>>) target(%arg7 : memref<3200xi32, #tpu.memory_space<vmem>>) target_semaphore(%arg11 : memref<!tpu.dma_semaphore, #tpu.memory_space<semaphore_mem>>)
      } else {
      }
    }
    %scan3A_365 = arith.constant 16 : i32
    %dma_wait3A = arith.constant 0 : i32
    %dma_wait3A_366 = tpu.memref_slice %arg8[%dma_wait3A] : memref<51200xf32, #tpu.memory_space<vmem>> -> memref<25600xf32, #tpu.memory_space<vmem>>
    %dma_wait3A_367 = arith.constant 0 : i32
    %dma_wait3A_368 = tpu.memref_slice %arg4[%dma_wait3A_367] : memref<52428800xf32, #tpu.memory_space<hbm>> -> memref<25600xf32, #tpu.memory_space<hbm>>
    %dma_wait3A_369 = arith.constant 0 : i32
    %dma_wait3A_370 = tpu.memref_slice %arg4[%dma_wait3A_369] : memref<52428800xf32, #tpu.memory_space<hbm>> -> memref<25600xf32, #tpu.memory_space<hbm>>
    %dma_wait3A_371 = arith.constant 0 : i32
    %dma_wait3A_372 = tpu.memref_slice %arg8[%dma_wait3A_371] : memref<51200xf32, #tpu.memory_space<vmem>> -> memref<25600xf32, #tpu.memory_space<vmem>>
    tpu.wait_dma2 semaphore(%arg12 : memref<!tpu.dma_semaphore, #tpu.memory_space<semaphore_mem>>) src(%dma_wait3A_372 : memref<25600xf32, #tpu.memory_space<vmem>>) dst(%dma_wait3A_370 : memref<25600xf32, #tpu.memory_space<hbm>>)
    %dma_wait3A_373 = arith.constant 25600 : i32
    %dma_wait3A_374 = tpu.memref_slice %arg8[%dma_wait3A_373] : memref<51200xf32, #tpu.memory_space<vmem>> -> memref<25600xf32, #tpu.memory_space<vmem>>
    %dma_wait3A_375 = arith.constant 0 : i32
    %dma_wait3A_376 = tpu.memref_slice %arg4[%dma_wait3A_375] : memref<52428800xf32, #tpu.memory_space<hbm>> -> memref<25600xf32, #tpu.memory_space<hbm>>
    %dma_wait3A_377 = arith.constant 0 : i32
    %dma_wait3A_378 = tpu.memref_slice %arg4[%dma_wait3A_377] : memref<52428800xf32, #tpu.memory_space<hbm>> -> memref<25600xf32, #tpu.memory_space<hbm>>
    %dma_wait3A_379 = arith.constant 25600 : i32
    %dma_wait3A_380 = tpu.memref_slice %arg8[%dma_wait3A_379] : memref<51200xf32, #tpu.memory_space<vmem>> -> memref<25600xf32, #tpu.memory_space<vmem>>
    tpu.wait_dma2 semaphore(%arg12 : memref<!tpu.dma_semaphore, #tpu.memory_space<semaphore_mem>>) src(%dma_wait3A_380 : memref<25600xf32, #tpu.memory_space<vmem>>) dst(%dma_wait3A_378 : memref<25600xf32, #tpu.memory_space<hbm>>)
    %dma_wait3A_381 = arith.constant 0 : i32
    %dma_wait3A_382 = tpu.memref_slice %arg9[%dma_wait3A_381] : memref<51200xf32, #tpu.memory_space<vmem>> -> memref<25600xf32, #tpu.memory_space<vmem>>
    %dma_wait3A_383 = arith.constant 0 : i32
    %dma_wait3A_384 = tpu.memref_slice %arg4[%dma_wait3A_383] : memref<52428800xf32, #tpu.memory_space<hbm>> -> memref<25600xf32, #tpu.memory_space<hbm>>
    %dma_wait3A_385 = arith.constant 0 : i32
    %dma_wait3A_386 = tpu.memref_slice %arg4[%dma_wait3A_385] : memref<52428800xf32, #tpu.memory_space<hbm>> -> memref<25600xf32, #tpu.memory_space<hbm>>
    %dma_wait3A_387 = arith.constant 0 : i32
    %dma_wait3A_388 = tpu.memref_slice %arg9[%dma_wait3A_387] : memref<51200xf32, #tpu.memory_space<vmem>> -> memref<25600xf32, #tpu.memory_space<vmem>>
    tpu.wait_dma2 semaphore(%arg13 : memref<!tpu.dma_semaphore, #tpu.memory_space<semaphore_mem>>) src(%dma_wait3A_388 : memref<25600xf32, #tpu.memory_space<vmem>>) dst(%dma_wait3A_386 : memref<25600xf32, #tpu.memory_space<hbm>>)
    %dma_wait3A_389 = arith.constant 25600 : i32
    %dma_wait3A_390 = tpu.memref_slice %arg9[%dma_wait3A_389] : memref<51200xf32, #tpu.memory_space<vmem>> -> memref<25600xf32, #tpu.memory_space<vmem>>
    %dma_wait3A_391 = arith.constant 0 : i32
    %dma_wait3A_392 = tpu.memref_slice %arg4[%dma_wait3A_391] : memref<52428800xf32, #tpu.memory_space<hbm>> -> memref<25600xf32, #tpu.memory_space<hbm>>
    %dma_wait3A_393 = arith.constant 0 : i32
    %dma_wait3A_394 = tpu.memref_slice %arg4[%dma_wait3A_393] : memref<52428800xf32, #tpu.memory_space<hbm>> -> memref<25600xf32, #tpu.memory_space<hbm>>
    %dma_wait3A_395 = arith.constant 25600 : i32
    %dma_wait3A_396 = tpu.memref_slice %arg9[%dma_wait3A_395] : memref<51200xf32, #tpu.memory_space<vmem>> -> memref<25600xf32, #tpu.memory_space<vmem>>
    tpu.wait_dma2 semaphore(%arg13 : memref<!tpu.dma_semaphore, #tpu.memory_space<semaphore_mem>>) src(%dma_wait3A_396 : memref<25600xf32, #tpu.memory_space<vmem>>) dst(%dma_wait3A_394 : memref<25600xf32, #tpu.memory_space<hbm>>)
    return
  }
}

</mosaic_0001>

<sc_bundles>
// kernel: _run.3.cloned.1.call-start
scs
__scs_entry_jumppad:
0x0: {  	(pc) =	sbr.rel $0x88, $3  }
0x1: {  	(tag) =	ssettag $0x0;
	lr =	simm.s32 $0x1  }
0x2: {  	[smem:$0x3F9F] =	sst lr;
	_ =	strace $0xD0000000  }
0x3: {  	_ = 	snop  }
0x4: {  	_ = 	snop  }
0x5: {  	_ = 	snop  }
0x6: {  	_ = 	snop  }
0x7: {  	_ = 	snop  }
__scs_overlays_trampoline_lowered:
0x8: {  	[smem:$0x3FAE] =	sst s0  }
0x9: {  	[smem:$0x3FAF] =	sst s1  }
0xa: {  	[smem:$0x3FB0] =	sst s2  }
0xb: {  	[smem:$0x3FB1] =	sst s3  }
0xc: {  	[smem:$0x3FB2] =	sst s4  }
0xd: {  	[smem:$0x3FB3] =	sst s5  }
0xe: {  	[smem:$0x3FB4] =	sst s6  }
0xf: {  	[smem:$0x3FB5] =	sst s7  }
0x10: {  	[smem:$0x3FB6] =	sst s8  }
0x11: {  	[smem:$0x3FB7] =	sst s9;
	s0 =	simm.s32 @!p0 $0x0  }
0x12: {  	s1 =	sld [smem:$0x3F9D];
	s0 =	simm.s32 @p0 $0x1  }
0x13: {  	[smem:$0x3FB8] =	sst s0;
	s0 =	simm.s32 @!p1 $0x0  }
0x14: {  	s2 =	sld [smem:$0x3F9C];
	s0 =	simm.s32 @p1 $0x1  }
0x15: {  	[smem:$0x3FB9] =	sst s0;
	s0 =	simm.s32 @!p2 $0x0  }
0x16: {  	s3 =	sld [smem:$0x3FDB];
	s0 =	simm.s32 @p2 $0x1  }
0x17: {  	s4 =	simm.s32 $0x1BF5;
	[smem:$0x3FBB] =	sst s0  }
0x18: {  	s0 =	sld [smem:$0x3F9E];
	_ =	swait.ge [sflag:s4], $0x0  }
0x19: {  	s7 =	sld [smem:$0x3F9F]  }
0x1a: {  	s8 =	sadd.s32 $0xFFFFE003, lr  }
0x1b: {  	s9 =	sadd.s32 $0xFFFFFEF7, lr;
	s5 =	simm.s32 $0xFFFFFFFF;
	p2 =	slt.u32 s8, $0xFFFFF086  }
0x1c: {  	p1 =	slt.u32 s9, $0xF7A;
	s5 =	simm.s32 @!p2 $0x0  }
0x1d: {  	s5 =	simm.s32 @p1 $0x1;
	p0 =	seq.s32 s7, s2  }
0x1e: {  	s7 =	smul.u32 @!p0 $0xF7A, s2;
	p2 =	seq.s32 @!p0 s5, $0x0  }
0x1f: {  	s9 =	smul.u32 $0xF7A, s1;
	s8 =	simm.s32 @!p0 $0x1BF5;
	p2 =	por !p2, p0  }
0x20: {  	[sflag:s8] =	ssyncset.s32 @!p0 $0xFFFFF086;
	s6 =	sadd.s32 @!p0 s3, s7;
	s7 =	simm.s32 @!p0 $0x108  }
0x21: {  	s3 =	sadd.s32 s3, s9;
	s6 =	sadd.s32 @!p0 $0x88, s6;
	s7 =	simm.s32 @p2 $0x1082  }
0x22: {  	[simem:s7], [sflag:s8] =	dma.local @!p0 [hbm:s6], $0xF7A  }
0x23: {  	s9 =	sor.u32 $0xD0000000, s2;
	s6 =	simm.s32 $0x108;
	_ =	swait.ge @!p0 [sflag:s8], $0x0  }
0x24: {  	s3 =	sadd.s32 $0x88, s3;
	s6 =	simm.s32 @!p1 $0x1082;
	[sflag:s4] =	ssyncset.s32 $0xFFFFF086  }
0x25: {  	[simem:s6], [sflag:s4] =	dma.local [hbm:s3], $0xF7A  }
0x26: {  	[smem:$0x3F9F] =	sst s1;
	(tag) =	ssettag s2;
	_ =	strace s9  }
0x27: {  	s1 =	sld [smem:$0x3FAF]  }
0x28: {  	s2 =	sld [smem:$0x3FB0]  }
0x29: {  	s4 =	sld [smem:$0x3FB2]  }
0x2a: {  	p0 =	seq.s32 s5, $0x0;
	s5 =	sld [smem:$0x3FB3]  }
0x2b: {  	s6 =	sld [smem:$0x3FB4]  }
0x2c: {  	s7 =	sld [smem:$0x3FB5]  }
0x2d: {  	s3 =	simm.s32 $0x108;
	s8 =	sld [smem:$0x3FB6]  }
0x2e: {  	s3 =	simm.s32 @!p0 $0x1082;
	s9 =	sld [smem:$0x3FB7]  }
0x2f: {  	lr =	sadd.s32 s0, s3;
	s0 =	sld [smem:$0x3FAE]  }
0x30: {  	s3 =	sld [smem:$0x3FB1]  }
0x31: {  	[smem:$0x3FBA] =	sst s10  }
0x32: {  	s10 =	sld [smem:$0x3FB8];
	_ =	sdelay $0x3  }
0x33: {  	p0 =	seq.s32 s10, $0x1;
	s10 =	sld [smem:$0x3FBA];
	_ =	sdelay $0x3  }
0x34: {  	[smem:$0x3FBA] =	sst s10  }
0x35: {  	s10 =	sld [smem:$0x3FB9];
	_ =	sdelay $0x3  }
0x36: {  	p1 =	seq.s32 s10, $0x1;
	s10 =	sld [smem:$0x3FBA];
	_ =	sdelay $0x3  }
0x37: {  	[smem:$0x3FBA] =	sst s10  }
0x38: {  	s10 =	sld [smem:$0x3FBB]  }
0x39: {  	_ = 	snop;
	(pc) =	sbr.ind lr, $3  }
0x3a: {  	_ = 	snop  }
0x3b: {  	_ = 	snop  }
0x3c: {  	p2 =	seq.s32 s10, $0x1;
	s10 =	sld [smem:$0x3FBA]  }
0x3d: {  	_ =	shalt  }
0x3e: {  	_ =	shalt  }
0x3f: {  	_ =	shalt  }
0x40: {  	_ =	shalt  }
0x41: {  	_ =	shalt  }
0x42: {  	_ =	shalt  }
0x43: {  	_ =	shalt  }
0x44: {  	_ =	shalt  }
0x45: {  	_ =	shalt  }
0x46: {  	_ =	shalt  }
0x47: {  	_ =	shalt  }
0x48: {  	_ =	shalt  }
0x49: {  	_ =	shalt  }
0x4a: {  	_ =	shalt  }
0x4b: {  	_ =	shalt  }
0x4c: {  	_ =	shalt  }
0x4d: {  	_ =	shalt  }
0x4e: {  	_ =	shalt  }
0x4f: {  	_ =	shalt  }
0x50: {  	_ =	shalt  }
0x51: {  	_ =	shalt  }
0x52: {  	_ =	shalt  }
0x53: {  	_ =	shalt  }
0x54: {  	_ =	shalt  }
0x55: {  	_ =	shalt  }
0x56: {  	_ =	shalt  }
0x57: {  	_ =	shalt  }
0x58: {  	_ =	shalt  }
0x59: {  	_ =	shalt  }
0x5a: {  	_ =	shalt  }
0x5b: {  	_ =	shalt  }
0x5c: {  	_ =	shalt  }
0x5d: {  	_ =	shalt  }
0x5e: {  	_ =	shalt  }
0x5f: {  	_ =	shalt  }
0x60: {  	_ =	shalt  }
0x61: {  	_ =	shalt  }
0x62: {  	_ =	shalt  }
0x63: {  	_ =	shalt  }
0x64: {  	_ =	shalt  }
0x65: {  	_ =	shalt  }
0x66: {  	_ =	shalt  }
0x67: {  	_ =	shalt  }
0x68: {  	_ =	shalt  }
0x69: {  	_ =	shalt  }
0x6a: {  	_ =	shalt  }
0x6b: {  	_ =	shalt  }
0x6c: {  	_ =	shalt  }
0x6d: {  	_ =	shalt  }
0x6e: {  	_ =	shalt  }
0x6f: {  	_ =	shalt  }
0x70: {  	_ =	shalt  }
0x71: {  	_ =	shalt  }
0x72: {  	_ =	shalt  }
0x73: {  	_ =	shalt  }
0x74: {  	_ =	shalt  }
0x75: {  	_ =	shalt  }
0x76: {  	_ =	shalt  }
0x77: {  	_ =	shalt  }
0x78: {  	_ =	shalt  }
0x79: {  	_ =	shalt  }
0x7a: {  	_ =	shalt  }
0x7b: {  	_ =	shalt  }
0x7c: {  	_ =	shalt  }
0x7d: {  	_ =	shalt  }
0x7e: {  	_ =	shalt  }
0x7f: {  	_ =	shalt  }
0x80: {  	_ =	shalt  }
0x81: {  	_ =	shalt  }
0x82: {  	_ =	shalt  }
0x83: {  	_ =	shalt  }
0x84: {  	_ =	shalt  }
0x85: {  	_ =	shalt  }
0x86: {  	_ =	shalt  }
0x87: {  	_ =	shalt  }
.Lfunc_end0:
.L_simem_size_0:
called_computation_lowered:
.L_overlay_start_0:
0x88: {  	s2 =	sld [smem:$0x3FD9]  }
0x89: {  	s3 =	sld [smem:$0x3FFE];
	_ =	sdelay $0x1  }
0x8a: {  	s1 =	srdreg.scid  }
0x8b: {  	s0 =	sand.u32 $0x1, s1  }
0x8c: {  	s18 =	sshll.u32 s0, $0xA;
	s2 =	sadd.s32 s3, s2  }
0x8d: {  	s2 =	sadd.s32 s2, s18  }
0x8e: {  	[smem:$0x3FC6] =	sst s2  }
0x8f: {  	_ = 	snop  }
0x90: {  	s2 =	sld [smem:$0x3FC9]  }
0x91: {  	s19 =	sld [smem:$0x3FC8]  }
0x92: {  	s4 =	sld [smem:$0x3FD0];
	(tm) =	ssettm $0x1  }
0x93: {  	s5 =	sld [smem:$0x3FFB];
	_ =	sdelay $0x3  }
0x94: {  	_ =	strace s5  }
0x95: {  	s5 =	sld [smem:$0x3FFC];
	_ =	sdelay $0x3  }
0x96: {  	_ =	strace s5  }
0x97: {  	s5 =	sld [smem:$0x3FFD];
	_ =	sdelay $0x3  }
0x98: {  	_ =	strace s5  }
0x99: {  	_ =	strace $0x8FFFFFFF  }
0x9a: {  	s20 =	sld [smem:$0x3FDB];
	_ =	sdelay $0x1  }
0x9b: {  	s6 =	simm.s32 $_scs_section_size  }
0x9c: {  	s7 =	simm.s32 $_size__tile_overlayer_lowered;
	s8 =	simm.s32 $_tile_overlayer_lowered  }
0x9d: {  	s23 =	simm.s32 $0x1BFF;
	s22 =	sshll.u32 s8, $0x1;
	s5 =	sadd.s32 s6, s20  }
0x9e: {  	s9 =	simm.s32 $0x0;
	s21 =	sshll.u32 s7, $0x1;
	s7 =	sadd.s32 s22, s5  }
0x9f: {  	[timem:s9], [sflag:s23] =	dma.local [hbm:s7], s21  }
0xa0: {  	_ =	swait.ge [sflag:s23], s21  }
0xa1: {  	s6 =	ssub.s32 $0x0, s21;
	[sflag:s23] =	ssyncset.done $0x0  }
0xa2: {  	[sflag:s23] =	ssyncadd.s32 s6;
	_ =	sdelay $0x1  }
0xa3: {  	s24 =	simm.s32 $0x1B8B  }
0xa4: {  	_ =	swait.ge [sflag:s24], $0x1  }
0xa5: {  	[sflag:s24] =	ssyncset.done $0x0  }
0xa6: {  	s25 =	simm.s32 $0x1B8E;
	[sflag:s24] =	ssyncadd.s32 $0xFFFFFFFF  }
0xa7: {  	s26 =	simm.s32 $execute0_lowered;
	[smem:$0x3FD2] =	sst s25  }
0xa8: {  	s6 =	sshll.u32 s26, $0x1;
	_ =	strace $0x80000046;
	[dreg:$0x1] =	wrdreg $0xFFFFFFFF  }
0xa9: {  	s28 =	simm.s32 $_size_execute0_lowered;
	s5 =	sadd.s32 s5, s6;
	[dreg:$0x0] =	wrdreg $0x0  }
0xaa: {  	s6 =	sshll.u32 s28, $0x1;
	[dreg:$0x2] =	wrdreg s5  }
0xab: {  	[dreg:$0x3] =	wrdreg s6  }
0xac: {  	[dreg:$0x4] =	wrdreg $0xC0  }
0xad: {  	_ =	task [dreg:s9], $0x5FFFF  }
0xae: {  	[dreg:$0x1] =	wrdreg $0xFFFFFFFF  }
0xaf: {  	[dreg:$0x0] =	wrdreg $0x60  }
0xb0: {  	[dreg:$0x2] =	wrdreg s2  }
0xb1: {  	[dreg:$0x3] =	wrdreg s19  }
0xb2: {  	[dreg:$0x4] =	wrdreg s4  }
0xb3: {  	[dreg:$0x5] =	wrdreg $0x9  }
0xb4: {  	_ =	task.clear_ibuf [dreg:s9], $0x6FFFF;
	_ =	strace $0x90000046  }
0xb5: {  	s29 =	simm.s32 $0x9;
	_ =	strace $0x80000048  }
0xb6: {  	_ =	swait.ge [sflag:s29], $0x1  }
0xb7: {  	[sflag:s29] =	ssyncadd.s32 $0xFFFFFFFF  }
0xb8: {  	_ =	strace $0x90000048  }
0xb9: {  	_ =	sfence  }
0xba: {  	s30 =	sld [smem:$0x0];
	_ =	sdelay $0x2  }
0xbb: {  	s31 =	sshll.u32 s1, $0xD;
	s1 =	sshrl.u32 s1, $0x2  }
0xbc: {  	s3 =	sand.u32 $0x4000, s31;
	s1 =	sadd.s32 s1, s30  }
0xbd: {  	s0 =	sor.u32 s3, s0;
	s1 =	sshll.u32 s1, $0x11  }
0xbe: {  	s0 =	sor.u32 s1, s0  }
0xbf: {  	s0 =	sadd.s32 $0x8F2B, s0  }
0xc0: {  	[sflag:s0] =	ssyncadd.remote.s32 $0x1  }
0xc1: {  	_ =	sfence.sel $0xFFFF  }
0xc2: {  	[dreg:$0x0] =	wrdreg $0xFFFFFFFF;
	(pc) =	sbr.abs _section_cstart, $3  }
0xc3: {  	[dreg:$0x1] =	wrdreg $0xFFFFFFFF  }
0xc4: {  	_ =	task.clear_ibuf [dreg:s9], $0x2FFFF;
	_ =	strace $0x9FFFFFFF  }
0xc5: {  	(tm) =	ssettm $0x7FFFFFFF  }
tec
execute0_lowered:
.L_overlay_start_1:
0x0: {  	(tag) =	ssettag $0x1  }
0x1: {  	v0 =	vlaneseq.u32  }
0x2: {  	s1 =	rddreg [dreg:$0x0];
	s6 =	simm.s32 $0x0;
	v21 =	vmul.u32 $0x10, v0  }
0x3: {  	[smem:$0x7FF] =	sst s6  }
0x4: {  	s4 =	rddreg [dreg:$0x2];
	_ =	strace $0x80000047;
	v46 =	vor.u32 $0x1, v21;
	[tilespmem:$0x1FE80] =	vst v21  }
0x5: {  	v45 =	vor.u32 $0x2, v21;
	[tilespmem:$0x1FEA0] =	vst v46  }
0x6: {  	v54 =	vor.u32 $0x3, v21;
	[tilespmem:$0x1FEB0] =	vst v45  }
0x7: {  	v20 =	vor.u32 $0x4, v21;
	[tilespmem:$0x1FEC0] =	vst v54  }
0x8: {  	v23 =	vor.u32 $0x5, v21;
	[tilespmem:$0x1FED0] =	vst v20  }
0x9: {  	v34 =	vor.u32 $0x6, v21;
	[tilespmem:$0x1FEE0] =	vst v23  }
0xa: {  	v35 =	vor.u32 $0x7, v21;
	[tilespmem:$0x1FEF0] =	vst v34  }
0xb: {  	v36 =	vor.u32 $0x8, v21;
	[tilespmem:$0x1FF00] =	vst v35  }
0xc: {  	v37 =	vor.u32 $0x9, v21;
	[tilespmem:$0x1FF10] =	vst v36  }
0xd: {  	v38 =	vor.u32 $0xA, v21;
	[tilespmem:$0x1FF20] =	vst v37  }
0xe: {  	v39 =	vor.u32 $0xB, v21;
	[tilespmem:$0x1FF30] =	vst v38  }
0xf: {  	v41 =	vor.u32 $0xC, v21;
	[tilespmem:$0x1FF40] =	vst v39  }
0x10: {  	v1 =	vand.u32 $0x7, v0;
	v42 =	vor.u32 $0xD, v21;
	[tilespmem:$0x1FF50] =	vst v41  }
0x11: {  	s0 =	srdreg.scid;
	s2 =	stileid.u32;
	v63 =	vmul.u32 $0x10, v1;
	v43 =	vor.u32 $0xE, v21;
	[tilespmem:$0x1FF60] =	vst v42  }
0x12: {  	s15 =	simm.s32 $0x380;
	s16 =	simm.s32 $0x1000;
	s17 =	simm.s32 $0x1;
	v40 =	vor.u32 $0xF, v21;
	[tilespmem:$0x1FF70] =	vst v43  }
0x13: {  	s18 =	simm.s32 $0x1C80;
	s19 =	simm.s32 $0x8080;
	s20 =	simm.s32 $0x2;
	v22 =	vor.u32 $0xFFFFF880, v63;
	[tilespmem:$0x1FF80] =	vst v40  }
0x14: {  	s21 =	simm.s32 $0x4;
	s0 =	sand.u32 $0x1, s0;
	s2 =	sshll.u32 s2, $0x1;
	v47 =	vor.u32 $0xFFFFF980, v63;
	[tilespmem:$0x1FE90] =	vst v22  }
0x15: {  	s22 =	simm.s32 $0xE480;
	s2 =	sor.u32 s0, s2;
	s0 =	ssub.s32 $0x2, s0;
	v48 =	vor.u32 $0xFFFFFA80, v63;
	[tilespmem:$0x1FF90] =	vst v47  }
0x16: {  	s23 =	simm.s32 $0x14880;
	s5 =	smul.u32 $0x19000, s2;
	s30 =	sshrl.u32 s0, $0x1;
	v50 =	vor.u32 $0xFFFFFB80, v63;
	[tilespmem:$0x1FFA0] =	vst v48  }
.Ltmp0:
0x17: {  	s24 =	simm.s32 $0x3;
	s0 =	ssub.s32 s0, s30;
	v51 =	vor.u32 $0xFFFFFC80, v63;
	[tilespmem:$0x1FFB0] =	vst v50;
	(pc) =	sbr.rel .LBB2_1-.Ltmp0, $4  }
0x18: {  	s25 =	simm.s32 $0x0;
	v55 =	vor.u32 $0xFFFFFD80, v63;
	s3 =	sshrl.u32 s5, $0x3;
	s0 =	smax.u32 s0, $0x1;
	[tilespmem:$0x1FFC0] =	vst v51  }
0x19: {  	s9 =	sadd.s32 $0xC80, s4;
	v53 =	vor.u32 $0xFFFFFE80, v63;
	[tilespmem:$0x1FFD0] =	vst v55;
	s31 =	sadd.s32 s1, s3;
	[dreg:$0x6] =	wrdreg s0  }
0x1a: {  	v57 =	vor.u32 $0xFFFFFF80, v63;
	s10 =	sadd.s32 $0x1900, s5;
	[tilespmem:$0x1FFE0] =	vst v53;
	[dreg:$0x4] =	wrdreg s31;
	s2 =	sadd.s32 $0x190, s31  }
0x1b: {  	s11 =	sor.u32 $0xC80, s5;
	s12 =	sadd.s32 $0x2580, s5;
	[tilespmem:$0x1FFF0] =	vst v57;
	[dreg:$0x5] =	wrdreg s2  }
.LBB2_12:
0x1c: {  	_ =	swait.ge [sflag:s24], $0x6400  }
0x1d: {  	[sflag:s24] =	ssyncset.done $0x0  }
0x1e: {  	[sflag:s24] =	ssyncadd.s32 $0xFFFF9C00  }
0x1f: {  	_ =	swait.ge [sflag:s24], $0x6400  }
0x20: {  	[sflag:s24] =	ssyncset.done $0x0  }
0x21: {  	[sflag:s24] =	ssyncadd.s32 $0xFFFF9C00  }
0x22: {  	_ =	swait.ge [sflag:s21], $0x6400  }
0x23: {  	[sflag:s21] =	ssyncset.done $0x0  }
0x24: {  	[sflag:s21] =	ssyncadd.s32 $0xFFFF9C00  }
0x25: {  	_ =	swait.ge [sflag:s21], $0x6400  }
0x26: {  	v20 =	vld [tilespmem:$0x1FED0]  }
0x27: {  	v23 =	vld [tilespmem:$0x1FEE0]  }
0x28: {  	v34 =	vld [tilespmem:$0x1FEF0]  }
0x29: {  	v35 =	vld [tilespmem:$0x1FF00]  }
0x2a: {  	v36 =	vld [tilespmem:$0x1FF10]  }
0x2b: {  	s25 =	sadd.s32 $0x1, s25;
	s0 =	rddreg [dreg:$0x6];
	v37 =	vld [tilespmem:$0x1FF20]  }
0x2c: {  	v38 =	vld [tilespmem:$0x1FF30];
	p0 =	sne.s32 s25, s0  }
.Ltmp1:
0x2d: {  	v39 =	vld [tilespmem:$0x1FF40];
	(pc) =	sbr.rel @!p0 .LBB2_13-.Ltmp1, $4  }
0x2e: {  	v41 =	vld [tilespmem:$0x1FF50]  }
0x2f: {  	v42 =	vld [tilespmem:$0x1FF60]  }
0x30: {  	[sflag:s21] =	ssyncset.done $0x0;
	v43 =	vld [tilespmem:$0x1FF70]  }
0x31: {  	v40 =	vld [tilespmem:$0x1FF80];
	[sflag:s21] =	ssyncadd.s32 $0xFFFF9C00  }
.LBB2_1:
0x32: {  	s0 =	rddreg [dreg:$0x1];
	s29 =	simm.s32 $0x5  }
0x33: {  	[tilespmem:s6], [sflag:$0x5] =	stream.linear.gather [hbm4b:s0+s6], $0x380, $0x38;
	[tilespmem:$0x1AC80] =	vst v63  }
0x34: {  	_ =	swait.ge [sflag:s29], $0x380  }
0x35: {  	[sflag:s29] =	ssyncset.done $0x0  }
0x36: {  	[sflag:s29] =	ssyncadd.s32 $0xFFFFFC80  }
0x37: {  	v0 =	vld [tilespmem:$0x0]  }
0x38: {  	v1 =	vld [tilespmem:$0x10]  }
0x39: {  	v2 =	vld [tilespmem:$0x20]  }
0x3a: {  	v3 =	vld [tilespmem:$0x30]  }
0x3b: {  	v4 =	vld [tilespmem:$0x40]  }
0x3c: {  	v5 =	vld [tilespmem:$0x50];
	v0 =	vmax.f32 v0, $0.0e+00  }
0x3d: {  	v63 =	vld [tilespmem:$0x60];
	v62 =	vmax.f32 v1, $0.0e+00;
	[tilespmem:$0x0] =	vst v0  }
0x3e: {  	v9 =	vld [tilespmem:$0x70];
	v8 =	vmax.f32 v2, $0.0e+00;
	[tilespmem:$0x10] =	vst v62  }
0x3f: {  	v11 =	vld [tilespmem:$0x80];
	v10 =	vmax.f32 v3, $0.0e+00;
	[tilespmem:$0x20] =	vst v8  }
0x40: {  	v13 =	vld [tilespmem:$0x90];
	v12 =	vmax.f32 v4, $0.0e+00;
	[tilespmem:$0x30] =	vst v10  }
0x41: {  	v15 =	vld [tilespmem:$0xA0];
	v14 =	vmax.f32 v5, $0.0e+00;
	[tilespmem:$0x40] =	vst v12  }
0x42: {  	v17 =	vld [tilespmem:$0xB0];
	v16 =	vmax.f32 v63, $0.0e+00;
	[tilespmem:$0x50] =	vst v14  }
0x43: {  	v25 =	vld [tilespmem:$0xC0];
	v24 =	vmax.f32 v9, $0.0e+00;
	[tilespmem:$0x60] =	vst v16  }
0x44: {  	v27 =	vld [tilespmem:$0xD0];
	v26 =	vmax.f32 v11, $0.0e+00;
	[tilespmem:$0x70] =	vst v24  }
0x45: {  	v29 =	vld [tilespmem:$0xE0];
	v28 =	vmax.f32 v13, $0.0e+00;
	[tilespmem:$0x80] =	vst v26  }
0x46: {  	v31 =	vld [tilespmem:$0xF0];
	v30 =	vmax.f32 v15, $0.0e+00;
	[tilespmem:$0x90] =	vst v28  }
0x47: {  	v33 =	vld [tilespmem:$0x100];
	v32 =	vmax.f32 v17, $0.0e+00;
	[tilespmem:$0xA0] =	vst v30  }
0x48: {  	v49 =	vld [tilespmem:$0x110];
	v44 =	vmax.f32 v25, $0.0e+00;
	[tilespmem:$0xB0] =	vst v32  }
0x49: {  	v56 =	vld [tilespmem:$0x120];
	v52 =	vmax.f32 v27, $0.0e+00;
	[tilespmem:$0xC0] =	vst v44  }
0x4a: {  	v59 =	vld [tilespmem:$0x130];
	v58 =	vmax.f32 v29, $0.0e+00;
	[tilespmem:$0xD0] =	vst v52  }
0x4b: {  	v61 =	vld [tilespmem:$0x140];
	v60 =	vmax.f32 v31, $0.0e+00;
	[tilespmem:$0xE0] =	vst v58  }
0x4c: {  	v63 =	vld [tilespmem:$0x150];
	[tilespmem:$0xF0] =	vst v60;
	v62 =	vmax.f32 v33, $0.0e+00  }
0x4d: {  	v9 =	vld [tilespmem:$0x160];
	v8 =	vmax.f32 v49, $0.0e+00;
	[tilespmem:$0x100] =	vst v62  }
0x4e: {  	v11 =	vld [tilespmem:$0x170];
	v10 =	vmax.f32 v56, $0.0e+00;
	[tilespmem:$0x110] =	vst v8  }
0x4f: {  	v13 =	vld [tilespmem:$0x180];
	v12 =	vmax.f32 v59, $0.0e+00;
	[tilespmem:$0x120] =	vst v10  }
0x50: {  	v15 =	vld [tilespmem:$0x190];
	v14 =	vmax.f32 v61, $0.0e+00;
	[tilespmem:$0x130] =	vst v12  }
0x51: {  	v17 =	vld [tilespmem:$0x1A0];
	[tilespmem:$0x140] =	vst v14;
	v16 =	vmax.f32 v63, $0.0e+00  }
0x52: {  	v25 =	vld [tilespmem:$0x1B0];
	v24 =	vmax.f32 v9, $0.0e+00;
	[tilespmem:$0x150] =	vst v16  }
0x53: {  	v27 =	vld [tilespmem:$0x1C0];
	v26 =	vmax.f32 v11, $0.0e+00;
	[tilespmem:$0x160] =	vst v24  }
0x54: {  	v29 =	vld [tilespmem:$0x1D0];
	v28 =	vmax.f32 v13, $0.0e+00;
	[tilespmem:$0x170] =	vst v26  }
0x55: {  	v31 =	vld [tilespmem:$0x1E0];
	v30 =	vmax.f32 v15, $0.0e+00;
	[tilespmem:$0x180] =	vst v28  }
0x56: {  	v33 =	vld [tilespmem:$0x1F0];
	v32 =	vmax.f32 v17, $0.0e+00;
	[tilespmem:$0x190] =	vst v30  }
0x57: {  	v49 =	vld [tilespmem:$0x200];
	v44 =	vmax.f32 v25, $0.0e+00;
	[tilespmem:$0x1A0] =	vst v32  }
0x58: {  	v56 =	vld [tilespmem:$0x210];
	v52 =	vmax.f32 v27, $0.0e+00;
	[tilespmem:$0x1B0] =	vst v44  }
0x59: {  	v59 =	vld [tilespmem:$0x220];
	v58 =	vmax.f32 v29, $0.0e+00;
	[tilespmem:$0x1C0] =	vst v52  }
0x5a: {  	v61 =	vld [tilespmem:$0x230];
	v60 =	vmax.f32 v31, $0.0e+00;
	[tilespmem:$0x1D0] =	vst v58  }
0x5b: {  	v8 =	vld [tilespmem:$0x250];
	[tilespmem:$0x1E0] =	vst v60;
	v62 =	vmax.f32 v33, $0.0e+00  }
0x5c: {  	v10 =	vld [tilespmem:$0x260];
	v7 =	vmax.f32 v49, $0.0e+00;
	[tilespmem:$0x1F0] =	vst v62  }
0x5d: {  	v12 =	vld [tilespmem:$0x270];
	v9 =	vmax.f32 v56, $0.0e+00;
	[tilespmem:$0x200] =	vst v7  }
0x5e: {  	v14 =	vld [tilespmem:$0x280];
	v11 =	vmax.f32 v59, $0.0e+00;
	[tilespmem:$0x210] =	vst v9  }
0x5f: {  	v63 =	vld [tilespmem:$0x240];
	v13 =	vmax.f32 v61, $0.0e+00;
	[tilespmem:$0x220] =	vst v11  }
0x60: {  	v16 =	vld [tilespmem:$0x290];
	[tilespmem:$0x230] =	vst v13;
	v17 =	vmax.f32 v8, $0.0e+00  }
0x61: {  	v24 =	vld [tilespmem:$0x2A0];
	v25 =	vmax.f32 v10, $0.0e+00;
	[tilespmem:$0x250] =	vst v17  }
0x62: {  	v26 =	vld [tilespmem:$0x2B0];
	v27 =	vmax.f32 v12, $0.0e+00;
	[tilespmem:$0x260] =	vst v25  }
0x63: {  	v28 =	vld [tilespmem:$0x2C0];
	v29 =	vmax.f32 v14, $0.0e+00;
	[tilespmem:$0x270] =	vst v27  }
0x64: {  	v30 =	vld [tilespmem:$0x2D0];
	[tilespmem:$0x280] =	vst v29;
	v15 =	vmax.f32 v63, $0.0e+00  }
0x65: {  	v32 =	vld [tilespmem:$0x2E0];
	[tilespmem:$0x240] =	vst v15;
	v31 =	vmax.f32 v16, $0.0e+00  }
0x66: {  	v44 =	vld [tilespmem:$0x2F0];
	v33 =	vmax.f32 v24, $0.0e+00;
	[tilespmem:$0x290] =	vst v31  }
0x67: {  	v52 =	vld [tilespmem:$0x300];
	v49 =	vmax.f32 v26, $0.0e+00;
	[tilespmem:$0x2A0] =	vst v33  }
0x68: {  	v58 =	vld [tilespmem:$0x310];
	v56 =	vmax.f32 v28, $0.0e+00;
	[tilespmem:$0x2B0] =	vst v49  }
0x69: {  	v59 =	vmax.f32 v30, $0.0e+00;
	[tilespmem:$0x2C0] =	vst v56  }
0x6a: {  	v60 =	vmax.f32 v32, $0.0e+00;
	[tilespmem:$0x2D0] =	vst v59  }
0x6b: {  	v61 =	vmax.f32 v44, $0.0e+00;
	[tilespmem:$0x2E0] =	vst v60  }
0x6c: {  	v62 =	vmax.f32 v52, $0.0e+00;
	[tilespmem:$0x2F0] =	vst v61  }
0x6d: {  	v63 =	vmax.f32 v58, $0.0e+00;
	[tilespmem:$0x300] =	vst v62  }
0x6e: {  	s30 =	rddreg [dreg:$0x4];
	[tilespmem:$0x310] =	vst v63  }
0x6f: {  	[tilespmem:s15], [sflag:$0x1] =	stream.linear.gather [hbm4b:s30+s6], $0xC80, $0x38;
	[tilespmem:$0x1AC80] =	vst v63  }
0x70: {  	s26 =	simm.s32 $0x0;
	s31 =	rddreg [dreg:$0x5]  }
0x71: {  	[tilespmem:s16], [sflag:$0x2] =	stream.linear.gather [hbm4b:s31+s6], $0xC80, $0x38;
	[tilespmem:$0x1AC80] =	vst v63  }
.LBB2_2:
0x72: {  	_ =	swait.ge [sflag:s17], $0xC80  }
0x73: {  	p0 =	seq.s32 s26, $0x0;
	[sflag:s17] =	ssyncset.done $0x0  }
0x74: {  	s0 =	simm.s32 @!p0 $0x3;
	[sflag:s17] =	ssyncadd.s32 $0xFFFFF380  }
0x75: {  	_ =	swait.ge @!p0 [sflag:s0], $0x6400  }
0x76: {  	[sflag:s0] =	ssyncset.done @!p0 $0x0  }
0x77: {  	[sflag:s0] =	ssyncadd.s32 @!p0 $0xFFFF9C00  }
0x78: {  	_ =	swait.ge @!p0 [sflag:s0], $0x6400  }
0x79: {  	[sflag:s0] =	ssyncset.done @!p0 $0x0  }
0x7a: {  	s13 =	simm.s32 $0x3C0;
	[sflag:s0] =	ssyncadd.s32 @!p0 $0xFFFF9C00  }
0x7b: {  	v0 =	vld [tilespmem:s13+$0x30]  }
0x7c: {  	v1 =	vld [tilespmem:s13+$0xFFFFFFD0]  }
0x7d: {  	v3 =	vld [tilespmem:s13+$0xFFFFFFF0]  }
0x7e: {  	v2 =	vld [tilespmem:s13+$0xFFFFFFE0]  }
0x7f: {  	v4 =	vld [tilespmem:s13+$0x0]  }
0x80: {  	v5 =	vld [tilespmem:s13+$0x10];
	v31 =	vshll.u32 v0, $0x4  }
0x81: {  	v29 =	vshll.u32 v1, $0x4  }
0x82: {  	v0 =	vld [tilespmem:s13+$0xFFFFFFC0];
	v27 =	vshll.u32 v3, $0x4  }
0x83: {  	s28 =	simm.s32 $0x700;
	v28 =	vshll.u32 v2, $0x4;
	v1 =	vld [tilespmem:s13+$0x20]  }
0x84: {  	v26 =	vshll.u32 v4, $0x4;
	v2 =	vor.u32 s28, v21  }
0x85: {  	s31 =	simm.s32 $0x300;
	v24 =	vshll.u32 v5, $0x4;
	v2 =	vand.u32 v57, v2;
	v3 =	vld.idx.msk [tilespmem:v31+s6+$0x0], $0xffff  }
0x86: {  	s14 =	simm.s32 $0x100;
	v9 =	vor.u32 s31, v21;
	v5 =	vor.u32 $0x1, v31;
	v4 =	vld.idx.msk [tilespmem:v29+s6+$0x0], $0xffff  }
0x87: {  	s3 =	simm.s32 $0x200;
	v9 =	vand.u32 v50, v9;
	v30 =	vshll.u32 v0, $0x4;
	v0 =	vor.u32 s14, v21;
	v7 =	vld.idx.msk [tilespmem:v27+s6+$0x0], $0xffff  }
0x88: {  	s2 =	simm.s32 $0x400;
	v6 =	vld.idx.msk [tilespmem:v28+s6+$0x0], $0xffff;
	v25 =	vshll.u32 v1, $0x4;
	v1 =	vor.u32 s3, v21;
	v0 =	vand.u32 v47, v0  }
0x89: {  	v14 =	vor.u32 s2, v21;
	v8 =	vor.u32 $0x1, v29;
	v10 =	vld.idx.msk [tilespmem:v26+s6+$0x0], $0xffff;
	v1 =	vand.u32 v48, v1  }
0x8a: {  	s8 =	simm.s32 $0x0;
	v14 =	vand.u32 v51, v14;
	v11 =	vor.u32 $0x1, v28;
	v12 =	vld.idx.msk [tilespmem:v24+s6+$0x0], $0xffff;
	[tilespmem:v2+s18+$0x0] =	vst.idx.msk $0xffff, v3  }
0x8b: {  	s29 =	simm.s32 $0x500;
	v13 =	vor.u32 s28, v46;
	v2 =	vor.u32 $0x1, v27;
	v3 =	vor.u32 s8, v21;
	v5 =	vld.idx.msk [tilespmem:v5+s6+$0x0], $0xffff  }
0x8c: {  	s30 =	simm.s32 $0x600;
	v17 =	vor.u32 s29, v21;
	v16 =	vor.u32 $0x2, v31;
	v15 =	vld.idx.msk [tilespmem:v30+s6+$0x0], $0xffff;
	[tilespmem:v9+s18+$0x0] =	vst.idx.msk $0xffff, v7;
	v3 =	vand.u32 v22, v3  }
0x8d: {  	v17 =	vand.u32 v55, v17;
	v19 =	vor.u32 $0x1, v30;
	v18 =	vld.idx.msk [tilespmem:v25+s6+$0x0], $0xffff;
	[tilespmem:v0+s18+$0x0] =	vst.idx.msk $0xffff, v4;
	v4 =	vor.u32 s30, v21  }
0x8e: {  	v0 =	vor.u32 $0x1, v26;
	[tilespmem:v1+s18+$0x0] =	vst.idx.msk $0xffff, v6;
	v8 =	vld.idx.msk [tilespmem:v8+s6+$0x0], $0xffff;
	v4 =	vand.u32 v53, v4  }
0x8f: {  	v58 =	vor.u32 s14, v46;
	[tilespmem:v14+s18+$0x0] =	vst.idx.msk $0xffff, v10;
	v1 =	vor.u32 $0x1, v24;
	v6 =	vld.idx.msk [tilespmem:v11+s6+$0x0], $0xffff  }
0x90: {  	v59 =	vor.u32 s3, v46;
	v7 =	vor.u32 $0x1, v25;
	v2 =	vld.idx.msk [tilespmem:v2+s6+$0x0], $0xffff;
	[tilespmem:v13+s18+$0x0] =	vst.idx.msk $0xffff, v5  }
0x91: {  	v60 =	vor.u32 s28, v45;
	v5 =	vor.u32 $0x2, v29;
	[tilespmem:v3+s18+$0x0] =	vst.idx.msk $0xffff, v15;
	v3 =	vld.idx.msk [tilespmem:v16+s6+$0x0], $0xffff  }
0x92: {  	v14 =	vor.u32 s8, v46;
	[tilespmem:v17+s18+$0x0] =	vst.idx.msk $0xffff, v12;
	v13 =	vor.u32 $0x2, v28;
	v15 =	vld.idx.msk [tilespmem:v19+s6+$0x0], $0xffff  }
0x93: {  	v12 =	vor.u32 $0x3, v31;
	v0 =	vld.idx.msk [tilespmem:v0+s6+$0x0], $0xffff;
	[tilespmem:v4+s18+$0x0] =	vst.idx.msk $0xffff, v18;
	v18 =	vor.u32 s2, v46  }
0x94: {  	v17 =	vor.u32 $0x2, v30;
	v1 =	vld.idx.msk [tilespmem:v1+s6+$0x0], $0xffff;
	v16 =	vor.u32 s31, v46;
	[tilespmem:v58+s18+$0x0] =	vst.idx.msk $0xffff, v8  }
0x95: {  	v4 =	vor.u32 $0x2, v27;
	v8 =	vor.u32 s29, v46;
	[tilespmem:v59+s18+$0x0] =	vst.idx.msk $0xffff, v6;
	v7 =	vld.idx.msk [tilespmem:v7+s6+$0x0], $0xffff  }
0x96: {  	v61 =	vor.u32 $0x2, v26;
	v6 =	vor.u32 s30, v46;
	v5 =	vld.idx.msk [tilespmem:v5+s6+$0x0], $0xffff;
	[tilespmem:v60+s18+$0x0] =	vst.idx.msk $0xffff, v3  }
0x97: {  	v63 =	vor.u32 s14, v45;
	v62 =	vor.u32 $0x2, v24;
	v13 =	vld.idx.msk [tilespmem:v13+s6+$0x0], $0xffff;
	[tilespmem:v14+s18+$0x0] =	vst.idx.msk $0xffff, v15  }
0x98: {  	v3 =	vor.u32 $0x2, v25;
	[tilespmem:v18+s18+$0x0] =	vst.idx.msk $0xffff, v0;
	v18 =	vor.u32 s3, v45;
	v12 =	vld.idx.msk [tilespmem:v12+s6+$0x0], $0xffff  }
0x99: {  	v14 =	vor.u32 $0x3, v29;
	[tilespmem:v16+s18+$0x0] =	vst.idx.msk $0xffff, v2;
	v2 =	vor.u32 s28, v54;
	v15 =	vld.idx.msk [tilespmem:v17+s6+$0x0], $0xffff  }
0x9a: {  	v16 =	vor.u32 s8, v45;
	[tilespmem:v8+s18+$0x0] =	vst.idx.msk $0xffff, v1;
	v8 =	vor.u32 $0x3, v28;
	v4 =	vld.idx.msk [tilespmem:v4+s6+$0x0], $0xffff  }
0x9b: {  	v0 =	vor.u32 $0x4, v31;
	v9 =	vld.idx.msk [tilespmem:v61+s6+$0x0], $0xffff;
	[tilespmem:v6+s18+$0x0] =	vst.idx.msk $0xffff, v7;
	v6 =	vor.u32 s2, v45  }
0x9c: {  	v1 =	vor.u32 s31, v45;
	v17 =	vor.u32 $0x3, v30;
	v11 =	vld.idx.msk [tilespmem:v62+s6+$0x0], $0xffff;
	[tilespmem:v63+s18+$0x0] =	vst.idx.msk $0xffff, v5  }
0x9d: {  	v7 =	vor.u32 $0x3, v27;
	v5 =	vor.u32 s29, v45;
	v3 =	vld.idx.msk [tilespmem:v3+s6+$0x0], $0xffff;
	[tilespmem:v18+s18+$0x0] =	vst.idx.msk $0xffff, v13  }
0x9e: {  	v32 =	vor.u32 $0x3, v26;
	v14 =	vld.idx.msk [tilespmem:v14+s6+$0x0], $0xffff;
	v18 =	vor.u32 s14, v54;
	[tilespmem:v2+s18+$0x0] =	vst.idx.msk $0xffff, v12  }
0x9f: {  	v2 =	vor.u32 s30, v45;
	v12 =	vor.u32 $0x3, v24;
	[tilespmem:v16+s18+$0x0] =	vst.idx.msk $0xffff, v15;
	v8 =	vld.idx.msk [tilespmem:v8+s6+$0x0], $0xffff  }
0xa0: {  	v13 =	vor.u32 s28, v20;
	[tilespmem:v6+s18+$0x0] =	vst.idx.msk $0xffff, v9;
	v6 =	vor.u32 $0x4, v29;
	v0 =	vld.idx.msk [tilespmem:v0+s6+$0x0], $0xffff  }
0xa1: {  	v15 =	vor.u32 $0x3, v25;
	[tilespmem:v1+s18+$0x0] =	vst.idx.msk $0xffff, v4;
	v16 =	vld.idx.msk [tilespmem:v17+s6+$0x0], $0xffff;
	v17 =	vor.u32 s8, v54  }
0xa2: {  	v33 =	vor.u32 s3, v54;
	v1 =	vor.u32 $0x5, v31;
	v7 =	vld.idx.msk [tilespmem:v7+s6+$0x0], $0xffff;
	[tilespmem:v5+s18+$0x0] =	vst.idx.msk $0xffff, v11  }
0xa3: {  	v4 =	vor.u32 $0x4, v30;
	v10 =	vld.idx.msk [tilespmem:v32+s6+$0x0], $0xffff;
	v5 =	vor.u32 s31, v54;
	[tilespmem:v18+s18+$0x0] =	vst.idx.msk $0xffff, v14  }
0xa4: {  	v44 =	vor.u32 $0x4, v28;
	v12 =	vld.idx.msk [tilespmem:v12+s6+$0x0], $0xffff;
	[tilespmem:v2+s18+$0x0] =	vst.idx.msk $0xffff, v3;
	v2 =	vor.u32 s2, v54  }
0xa5: {  	v3 =	vor.u32 $0x4, v27;
	v6 =	vld.idx.msk [tilespmem:v6+s6+$0x0], $0xffff;
	[tilespmem:v13+s18+$0x0] =	vst.idx.msk $0xffff, v0;
	v0 =	vor.u32 s29, v54  }
0xa6: {  	v15 =	vld.idx.msk [tilespmem:v15+s6+$0x0], $0xffff;
	v13 =	vor.u32 $0x4, v26;
	[tilespmem:v17+s18+$0x0] =	vst.idx.msk $0xffff, v16;
	v17 =	vor.u32 s30, v54  }
0xa7: {  	v14 =	vor.u32 s28, v23;
	[tilespmem:v33+s18+$0x0] =	vst.idx.msk $0xffff, v8;
	v16 =	vor.u32 $0x4, v24;
	v1 =	vld.idx.msk [tilespmem:v1+s6+$0x0], $0xffff  }
0xa8: {  	v49 =	vor.u32 $0x4, v25;
	v18 =	vor.u32 s8, v20;
	v4 =	vld.idx.msk [tilespmem:v4+s6+$0x0], $0xffff;
	[tilespmem:v5+s18+$0x0] =	vst.idx.msk $0xffff, v7  }
0xa9: {  	v8 =	vor.u32 $0x6, v31;
	v11 =	vld.idx.msk [tilespmem:v44+s6+$0x0], $0xffff;
	[tilespmem:v2+s18+$0x0] =	vst.idx.msk $0xffff, v10  }
0xaa: {  	v5 =	vor.u32 s14, v20;
	v7 =	vor.u32 $0x5, v30;
	v3 =	vld.idx.msk [tilespmem:v3+s6+$0x0], $0xffff;
	[tilespmem:v0+s18+$0x0] =	vst.idx.msk $0xffff, v12  }
0xab: {  	v52 =	vor.u32 $0x5, v29;
	v2 =	vor.u32 s3, v20;
	v13 =	vld.idx.msk [tilespmem:v13+s6+$0x0], $0xffff;
	[tilespmem:v17+s18+$0x0] =	vst.idx.msk $0xffff, v15  }
0xac: {  	v0 =	vor.u32 s31, v20;
	v12 =	vor.u32 $0x5, v28;
	v16 =	vld.idx.msk [tilespmem:v16+s6+$0x0], $0xffff;
	[tilespmem:v14+s18+$0x0] =	vst.idx.msk $0xffff, v1  }
0xad: {  	v1 =	vor.u32 s2, v20;
	v14 =	vor.u32 $0x5, v27;
	[tilespmem:v18+s18+$0x0] =	vst.idx.msk $0xffff, v4;
	v4 =	vld.idx.msk [tilespmem:v49+s6+$0x0], $0xffff  }
0xae: {  	v15 =	vor.u32 $0x5, v26;
	v17 =	vor.u32 s29, v20;
	v8 =	vld.idx.msk [tilespmem:v8+s6+$0x0], $0xffff  }
0xaf: {  	v56 =	vor.u32 s28, v34;
	v18 =	vor.u32 $0x5, v24;
	v7 =	vld.idx.msk [tilespmem:v7+s6+$0x0], $0xffff;
	[tilespmem:v5+s18+$0x0] =	vst.idx.msk $0xffff, v6  }
0xb0: {  	v5 =	vor.u32 $0x7, v31;
	v6 =	vor.u32 s30, v20;
	v10 =	vld.idx.msk [tilespmem:v52+s6+$0x0], $0xffff;
	[tilespmem:v2+s18+$0x0] =	vst.idx.msk $0xffff, v11  }
0xb1: {  	v58 =	vor.u32 s8, v23;
	v2 =	vor.u32 $0x5, v25;
	v12 =	vld.idx.msk [tilespmem:v12+s6+$0x0], $0xffff;
	[tilespmem:v0+s18+$0x0] =	vst.idx.msk $0xffff, v3  }
0xb2: {  	v0 =	vor.u32 $0x6, v30;
	v3 =	vor.u32 s14, v23;
	v14 =	vld.idx.msk [tilespmem:v14+s6+$0x0], $0xffff;
	[tilespmem:v1+s18+$0x0] =	vst.idx.msk $0xffff, v13  }
0xb3: {  	v1 =	vor.u32 $0x6, v29;
	v13 =	vor.u32 s3, v23;
	[tilespmem:v17+s18+$0x0] =	vst.idx.msk $0xffff, v16;
	v15 =	vld.idx.msk [tilespmem:v15+s6+$0x0], $0xffff  }
0xb4: {  	v59 =	vor.u32 $0x6, v28;
	[tilespmem:v56+s18+$0x0] =	vst.idx.msk $0xffff, v8;
	v8 =	vor.u32 s31, v23;
	v17 =	vld.idx.msk [tilespmem:v18+s6+$0x0], $0xffff  }
0xb5: {  	v16 =	vor.u32 $0x6, v27;
	[tilespmem:v6+s18+$0x0] =	vst.idx.msk $0xffff, v4;
	v6 =	vor.u32 s2, v23;
	v5 =	vld.idx.msk [tilespmem:v5+s6+$0x0], $0xffff  }
0xb6: {  	v4 =	vor.u32 s28, v35;
	[tilespmem:v58+s18+$0x0] =	vst.idx.msk $0xffff, v7;
	v18 =	vor.u32 $0x6, v26;
	v2 =	vld.idx.msk [tilespmem:v2+s6+$0x0], $0xffff  }
0xb7: {  	v60 =	vor.u32 s29, v23;
	v7 =	vor.u32 $0x8, v31;
	v0 =	vld.idx.msk [tilespmem:v0+s6+$0x0], $0xffff;
	[tilespmem:v3+s18+$0x0] =	vst.idx.msk $0xffff, v10  }
0xb8: {  	v61 =	vor.u32 $0x6, v24;
	v3 =	vor.u32 s30, v23;
	v1 =	vld.idx.msk [tilespmem:v1+s6+$0x0], $0xffff;
	[tilespmem:v13+s18+$0x0] =	vst.idx.msk $0xffff, v12  }
0xb9: {  	v12 =	vor.u32 s8, v34;
	v13 =	vor.u32 $0x6, v25;
	v9 =	vld.idx.msk [tilespmem:v59+s6+$0x0], $0xffff;
	[tilespmem:v8+s18+$0x0] =	vst.idx.msk $0xffff, v14  }
0xba: {  	v8 =	vor.u32 s14, v34;
	v14 =	vor.u32 $0x7, v30;
	[tilespmem:v6+s18+$0x0] =	vst.idx.msk $0xffff, v15;
	v16 =	vld.idx.msk [tilespmem:v16+s6+$0x0], $0xffff  }
0xbb: {  	[tilespmem:v4+s18+$0x0] =	vst.idx.msk $0xffff, v5;
	v4 =	vor.u32 s3, v34;
	v5 =	vor.u32 $0x7, v29;
	v15 =	vld.idx.msk [tilespmem:v18+s6+$0x0], $0xffff  }
0xbc: {  	[tilespmem:v60+s18+$0x0] =	vst.idx.msk $0xffff, v17;
	v17 =	vor.u32 s31, v34;
	v6 =	vld.idx.msk [tilespmem:v7+s6+$0x0], $0xffff;
	v7 =	vor.u32 $0x7, v28  }
0xbd: {  	v62 =	vor.u32 s28, v36;
	v10 =	vld.idx.msk [tilespmem:v61+s6+$0x0], $0xffff;
	v18 =	vor.u32 $0x7, v27;
	[tilespmem:v3+s18+$0x0] =	vst.idx.msk $0xffff, v2  }
0xbe: {  	v2 =	vor.u32 $0x9, v31;
	v3 =	vor.u32 s2, v34;
	[tilespmem:v12+s18+$0x0] =	vst.idx.msk $0xffff, v0;
	v0 =	vld.idx.msk [tilespmem:v13+s6+$0x0], $0xffff  }
0xbf: {  	v12 =	vor.u32 s29, v34;
	v13 =	vor.u32 $0x7, v26;
	v14 =	vld.idx.msk [tilespmem:v14+s6+$0x0], $0xffff;
	[tilespmem:v8+s18+$0x0] =	vst.idx.msk $0xffff, v1  }
0xc0: {  	v1 =	vor.u32 s30, v34;
	v8 =	vor.u32 $0x7, v24;
	v5 =	vld.idx.msk [tilespmem:v5+s6+$0x0], $0xffff;
	[tilespmem:v4+s18+$0x0] =	vst.idx.msk $0xffff, v9  }
0xc1: {  	v63 =	vor.u32 $0x7, v25;
	v4 =	vor.u32 s8, v35;
	[tilespmem:v17+s18+$0x0] =	vst.idx.msk $0xffff, v16;
	v7 =	vld.idx.msk [tilespmem:v7+s6+$0x0], $0xffff  }
0xc2: {  	v32 =	vor.u32 s14, v35;
	[tilespmem:v62+s18+$0x0] =	vst.idx.msk $0xffff, v6;
	v6 =	vor.u32 $0x8, v30;
	v17 =	vld.idx.msk [tilespmem:v18+s6+$0x0], $0xffff  }
0xc3: {  	v16 =	vor.u32 $0x8, v29;
	v2 =	vld.idx.msk [tilespmem:v2+s6+$0x0], $0xffff;
	[tilespmem:v3+s18+$0x0] =	vst.idx.msk $0xffff, v15;
	v3 =	vor.u32 s28, v37  }
0xc4: {  	v33 =	vor.u32 $0xA, v31;
	v15 =	vor.u32 s3, v35;
	v13 =	vld.idx.msk [tilespmem:v13+s6+$0x0], $0xffff;
	[tilespmem:v12+s18+$0x0] =	vst.idx.msk $0xffff, v10  }
0xc5: {  	v18 =	vor.u32 $0x8, v28;
	v12 =	vor.u32 s31, v35;
	v8 =	vld.idx.msk [tilespmem:v8+s6+$0x0], $0xffff;
	[tilespmem:v1+s18+$0x0] =	vst.idx.msk $0xffff, v0  }
0xc6: {  	v0 =	vor.u32 s2, v35;
	v1 =	vor.u32 $0x8, v27;
	[tilespmem:v4+s18+$0x0] =	vst.idx.msk $0xffff, v14;
	v4 =	vld.idx.msk [tilespmem:v63+s6+$0x0], $0xffff  }
0xc7: {  	v44 =	vor.u32 s29, v35;
	v14 =	vor.u32 $0x8, v26;
	[tilespmem:v32+s18+$0x0] =	vst.idx.msk $0xffff, v5;
	v6 =	vld.idx.msk [tilespmem:v6+s6+$0x0], $0xffff  }
0xc8: {  	v49 =	vor.u32 $0x8, v24;
	v5 =	vor.u32 s30, v35;
	v16 =	vld.idx.msk [tilespmem:v16+s6+$0x0], $0xffff;
	[tilespmem:v3+s18+$0x0] =	vst.idx.msk $0xffff, v2  }
0xc9: {  	v2 =	vor.u32 s8, v36;
	v3 =	vor.u32 $0x8, v25;
	[tilespmem:v15+s18+$0x0] =	vst.idx.msk $0xffff, v7;
	v7 =	vld.idx.msk [tilespmem:v33+s6+$0x0], $0xffff  }
0xca: {  	v52 =	vor.u32 $0x9, v30;
	v15 =	vld.idx.msk [tilespmem:v18+s6+$0x0], $0xffff;
	[tilespmem:v12+s18+$0x0] =	vst.idx.msk $0xffff, v17;
	v12 =	vor.u32 s28, v38  }
0xcb: {  	v17 =	vor.u32 s14, v36;
	v1 =	vld.idx.msk [tilespmem:v1+s6+$0x0], $0xffff;
	[tilespmem:v0+s18+$0x0] =	vst.idx.msk $0xffff, v13;
	v0 =	vor.u32 $0xB, v31  }
0xcc: {  	v18 =	vor.u32 $0x9, v29;
	v13 =	vor.u32 s3, v36;
	[tilespmem:v44+s18+$0x0] =	vst.idx.msk $0xffff, v8;
	v14 =	vld.idx.msk [tilespmem:v14+s6+$0x0], $0xffff  }
0xcd: {  	v56 =	vor.u32 $0x9, v28;
	v8 =	vor.u32 s31, v36;
	v11 =	vld.idx.msk [tilespmem:v49+s6+$0x0], $0xffff;
	[tilespmem:v5+s18+$0x0] =	vst.idx.msk $0xffff, v4  }
0xce: {  	v4 =	vor.u32 s2, v36;
	v5 =	vor.u32 $0x9, v27;
	[tilespmem:v2+s18+$0x0] =	vst.idx.msk $0xffff, v6;
	v2 =	vld.idx.msk [tilespmem:v3+s6+$0x0], $0xffff  }
0xcf: {  	v3 =	vor.u32 s29, v36;
	v6 =	vor.u32 $0x9, v26;
	v10 =	vld.idx.msk [tilespmem:v52+s6+$0x0], $0xffff;
	[tilespmem:v12+s18+$0x0] =	vst.idx.msk $0xffff, v7  }
0xd0: {  	v7 =	vor.u32 s30, v36;
	v12 =	vor.u32 $0x9, v24;
	[tilespmem:v17+s18+$0x0] =	vst.idx.msk $0xffff, v16;
	v0 =	vld.idx.msk [tilespmem:v0+s6+$0x0], $0xffff  }
0xd1: {  	v16 =	vor.u32 $0x9, v25;
	v17 =	vld.idx.msk [tilespmem:v18+s6+$0x0], $0xffff;
	[tilespmem:v13+s18+$0x0] =	vst.idx.msk $0xffff, v15;
	v13 =	vor.u32 s28, v39  }
0xd2: {  	v15 =	vor.u32 s8, v37;
	[tilespmem:v8+s18+$0x0] =	vst.idx.msk $0xffff, v1;
	v1 =	vor.u32 $0xC, v31;
	v9 =	vld.idx.msk [tilespmem:v56+s6+$0x0], $0xffff  }
0xd3: {  	v8 =	vor.u32 $0xA, v30;
	v18 =	vor.u32 s14, v37;
	v5 =	vld.idx.msk [tilespmem:v5+s6+$0x0], $0xffff;
	[tilespmem:v4+s18+$0x0] =	vst.idx.msk $0xffff, v14  }
0xd4: {  	v4 =	vor.u32 s3, v37;
	v14 =	vor.u32 $0xA, v29;
	v6 =	vld.idx.msk [tilespmem:v6+s6+$0x0], $0xffff;
	[tilespmem:v3+s18+$0x0] =	vst.idx.msk $0xffff, v11  }
0xd5: {  	v58 =	vor.u32 $0xA, v28;
	v3 =	vor.u32 s31, v37;
	v12 =	vld.idx.msk [tilespmem:v12+s6+$0x0], $0xffff;
	[tilespmem:v7+s18+$0x0] =	vst.idx.msk $0xffff, v2  }
0xd6: {  	v2 =	vor.u32 s2, v37;
	v7 =	vor.u32 $0xA, v27;
	v16 =	vld.idx.msk [tilespmem:v16+s6+$0x0], $0xffff;
	[tilespmem:v13+s18+$0x0] =	vst.idx.msk $0xffff, v0  }
0xd7: {  	v0 =	vor.u32 s29, v37;
	v13 =	vor.u32 $0xA, v26;
	[tilespmem:v15+s18+$0x0] =	vst.idx.msk $0xffff, v10;
	v1 =	vld.idx.msk [tilespmem:v1+s6+$0x0], $0xffff  }
0xd8: {  	v59 =	vor.u32 $0xA, v24;
	[tilespmem:v18+s18+$0x0] =	vst.idx.msk $0xffff, v17;
	v17 =	vor.u32 s30, v37;
	v8 =	vld.idx.msk [tilespmem:v8+s6+$0x0], $0xffff  }
0xd9: {  	v60 =	vor.u32 $0xA, v25;
	v18 =	vor.u32 s8, v38;
	v14 =	vld.idx.msk [tilespmem:v14+s6+$0x0], $0xffff;
	[tilespmem:v4+s18+$0x0] =	vst.idx.msk $0xffff, v9  }
0xda: {  	v15 =	vor.u32 s28, v41;
	v11 =	vld.idx.msk [tilespmem:v58+s6+$0x0], $0xffff;
	[tilespmem:v3+s18+$0x0] =	vst.idx.msk $0xffff, v5  }
0xdb: {  	v4 =	vor.u32 $0xD, v31;
	v7 =	vld.idx.msk [tilespmem:v7+s6+$0x0], $0xffff;
	[tilespmem:v2+s18+$0x0] =	vst.idx.msk $0xffff, v6  }
0xdc: {  	v3 =	vor.u32 $0xB, v30;
	v5 =	vor.u32 s14, v38;
	v13 =	vld.idx.msk [tilespmem:v13+s6+$0x0], $0xffff;
	[tilespmem:v0+s18+$0x0] =	vst.idx.msk $0xffff, v12  }
0xdd: {  	v2 =	vor.u32 $0xB, v29;
	v6 =	vor.u32 s3, v38;
	[tilespmem:v17+s18+$0x0] =	vst.idx.msk $0xffff, v16;
	v10 =	vld.idx.msk [tilespmem:v59+s6+$0x0], $0xffff  }
0xde: {  	s7 =	simm.s32 $0x440;
	v0 =	vor.u32 s31, v38;
	v12 =	vor.u32 $0xB, v28;
	[tilespmem:v18+s18+$0x0] =	vst.idx.msk $0xffff, v8;
	v8 =	vld.idx.msk [tilespmem:v60+s6+$0x0], $0xffff  }
0xdf: {  	[tilespmem:v15+s18+$0x0] =	vst.idx.msk $0xffff, v1;
	v1 =	vor.u32 s2, v38;
	v15 =	vor.u32 $0xB, v27;
	v60 =	vld [tilespmem:s7+$0xFFFFFFD0]  }
0xe0: {  	v16 =	vor.u32 $0xB, v26;
	v17 =	vor.u32 s29, v38;
	v4 =	vld.idx.msk [tilespmem:v4+s6+$0x0], $0xffff  }
0xe1: {  	v61 =	vor.u32 s28, v42;
	v18 =	vor.u32 $0xB, v24;
	v3 =	vld.idx.msk [tilespmem:v3+s6+$0x0], $0xffff;
	[tilespmem:v5+s18+$0x0] =	vst.idx.msk $0xffff, v14  }
0xe2: {  	v5 =	vor.u32 $0xE, v31;
	v14 =	vor.u32 s30, v38;
	v2 =	vld.idx.msk [tilespmem:v2+s6+$0x0], $0xffff;
	[tilespmem:v6+s18+$0x0] =	vst.idx.msk $0xffff, v11  }
0xe3: {  	v62 =	vor.u32 $0xB, v25;
	v6 =	vor.u32 s8, v39;
	v12 =	vld.idx.msk [tilespmem:v12+s6+$0x0], $0xffff;
	[tilespmem:v0+s18+$0x0] =	vst.idx.msk $0xffff, v7  }
0xe4: {  	v15 =	vld.idx.msk [tilespmem:v15+s6+$0x0], $0xffff;
	[tilespmem:v1+s18+$0x0] =	vst.idx.msk $0xffff, v13  }
0xe5: {  	v0 =	vor.u32 s14, v39;
	v7 =	vor.u32 $0xC, v30;
	[tilespmem:v17+s18+$0x0] =	vst.idx.msk $0xffff, v10;
	v16 =	vld.idx.msk [tilespmem:v16+s6+$0x0], $0xffff  }
0xe6: {  	v1 =	vor.u32 s3, v39;
	v13 =	vor.u32 $0xC, v29;
	[tilespmem:v61+s18+$0x0] =	vst.idx.msk $0xffff, v4;
	v17 =	vld.idx.msk [tilespmem:v18+s6+$0x0], $0xffff  }
0xe7: {  	v63 =	vor.u32 $0xC, v28;
	v5 =	vld.idx.msk [tilespmem:v5+s6+$0x0], $0xffff;
	[tilespmem:v14+s18+$0x0] =	vst.idx.msk $0xffff, v8  }
0xe8: {  	v4 =	vor.u32 s31, v39;
	[tilespmem:v6+s18+$0x0] =	vst.idx.msk $0xffff, v3;
	v3 =	vld.idx.msk [tilespmem:v62+s6+$0x0], $0xffff  }
0xe9: {  	v32 =	vor.u32 $0xC, v27;
	v8 =	vor.u32 s28, v43;
	v62 =	vld [tilespmem:s7+$0xFFFFFFE0]  }
0xea: {  	v14 =	vor.u32 s2, v39;
	v6 =	vor.u32 $0xF, v31;
	v7 =	vld.idx.msk [tilespmem:v7+s6+$0x0], $0xffff;
	[tilespmem:v0+s18+$0x0] =	vst.idx.msk $0xffff, v2  }
0xeb: {  	v33 =	vor.u32 s29, v39;
	v18 =	vor.u32 $0xC, v26;
	v13 =	vld.idx.msk [tilespmem:v13+s6+$0x0], $0xffff;
	[tilespmem:v1+s18+$0x0] =	vst.idx.msk $0xffff, v12  }
0xec: {  	v0 =	vor.u32 s30, v39;
	v2 =	vor.u32 $0xC, v24;
	v9 =	vld.idx.msk [tilespmem:v63+s6+$0x0], $0xffff  }
0xed: {  	v1 =	vor.u32 $0xC, v25;
	v12 =	vor.u32 s8, v41;
	[tilespmem:v4+s18+$0x0] =	vst.idx.msk $0xffff, v15;
	v63 =	vld [tilespmem:s7+$0x20]  }
0xee: {  	v4 =	vor.u32 $0xD, v30;
	v15 =	vor.u32 s14, v41;
	v10 =	vld.idx.msk [tilespmem:v32+s6+$0x0], $0xffff;
	[tilespmem:v8+s18+$0x0] =	vst.idx.msk $0xffff, v5  }
0xef: {  	v5 =	vor.u32 s3, v41;
	v8 =	vor.u32 $0xD, v29;
	[tilespmem:v14+s18+$0x0] =	vst.idx.msk $0xffff, v16;
	v6 =	vld.idx.msk [tilespmem:v6+s6+$0x0], $0xffff  }
0xf0: {  	[tilespmem:v33+s18+$0x0] =	vst.idx.msk $0xffff, v17;
	v14 =	vor.u32 s31, v41;
	v16 =	vor.u32 $0xD, v28;
	v18 =	vld.idx.msk [tilespmem:v18+s6+$0x0], $0xffff  }
0xf1: {  	v44 =	vor.u32 s2, v41;
	v17 =	vor.u32 $0xD, v27;
	v2 =	vld.idx.msk [tilespmem:v2+s6+$0x0], $0xffff;
	[tilespmem:v0+s18+$0x0] =	vst.idx.msk $0xffff, v3  }
0xf2: {  	v0 =	vor.u32 s29, v41;
	v3 =	vor.u32 $0xD, v26;
	[tilespmem:v12+s18+$0x0] =	vst.idx.msk $0xffff, v7;
	v1 =	vld.idx.msk [tilespmem:v1+s6+$0x0], $0xffff  }
0xf3: {  	v7 =	vor.u32 s30, v41;
	v12 =	vor.u32 $0xD, v24;
	v4 =	vld.idx.msk [tilespmem:v4+s6+$0x0], $0xffff;
	[tilespmem:v15+s18+$0x0] =	vst.idx.msk $0xffff, v13  }
0xf4: {  	v13 =	vor.u32 s8, v42;
	v15 =	vor.u32 $0xD, v25;
	v8 =	vld.idx.msk [tilespmem:v8+s6+$0x0], $0xffff;
	[tilespmem:v5+s18+$0x0] =	vst.idx.msk $0xffff, v9  }
0xf5: {  	v49 =	vor.u32 $0xE, v30;
	v5 =	vor.u32 s14, v42;
	[tilespmem:v14+s18+$0x0] =	vst.idx.msk $0xffff, v10;
	v16 =	vld.idx.msk [tilespmem:v16+s6+$0x0], $0xffff  }
0xf6: {  	v52 =	vor.u32 s3, v42;
	v14 =	vor.u32 $0xE, v29;
	v17 =	vld.idx.msk [tilespmem:v17+s6+$0x0], $0xffff;
	[tilespmem:v44+s18+$0x0] =	vst.idx.msk $0xffff, v18  }
0xf7: {  	v56 =	vor.u32 s31, v42;
	v18 =	vor.u32 $0xE, v28;
	v3 =	vld.idx.msk [tilespmem:v3+s6+$0x0], $0xffff;
	[tilespmem:v0+s18+$0x0] =	vst.idx.msk $0xffff, v2  }
0xf8: {  	v0 =	vor.u32 s2, v42;
	v2 =	vor.u32 $0xE, v27;
	v12 =	vld.idx.msk [tilespmem:v12+s6+$0x0], $0xffff;
	[tilespmem:v7+s18+$0x0] =	vst.idx.msk $0xffff, v1  }
0xf9: {  	v1 =	vor.u32 s29, v42;
	v7 =	vor.u32 $0xE, v26;
	[tilespmem:v13+s18+$0x0] =	vst.idx.msk $0xffff, v4;
	v4 =	vld.idx.msk [tilespmem:v15+s6+$0x0], $0xffff  }
0xfa: {  	v13 =	vor.u32 s30, v42;
	v15 =	vor.u32 $0xE, v24;
	v9 =	vld.idx.msk [tilespmem:v49+s6+$0x0], $0xffff;
	[tilespmem:v5+s18+$0x0] =	vst.idx.msk $0xffff, v8  }
0xfb: {  	v8 =	vor.u32 $0xE, v25;
	v14 =	vld.idx.msk [tilespmem:v14+s6+$0x0], $0xffff;
	[tilespmem:v52+s18+$0x0] =	vst.idx.msk $0xffff, v16  }
0xfc: {  	v5 =	vor.u32 s8, v43;
	[tilespmem:v56+s18+$0x0] =	vst.idx.msk $0xffff, v17;
	v18 =	vld.idx.msk [tilespmem:v18+s6+$0x0], $0xffff  }
0xfd: {  	v58 =	vor.u32 $0xF, v30;
	v2 =	vld.idx.msk [tilespmem:v2+s6+$0x0], $0xffff;
	[tilespmem:v0+s18+$0x0] =	vst.idx.msk $0xffff, v3  }
0xfe: {  	v16 =	vor.u32 s14, v43;
	v3 =	vld.idx.msk [tilespmem:v7+s6+$0x0], $0xffff;
	[tilespmem:v1+s18+$0x0] =	vst.idx.msk $0xffff, v12  }
0xff: {  	v1 =	vld.idx.msk [tilespmem:v15+s6+$0x0], $0xffff;
	[tilespmem:v13+s18+$0x0] =	vst.idx.msk $0xffff, v4  }
0x100: {  	v17 =	vor.u32 $0xF, v29;
	v4 =	vld.idx.msk [tilespmem:v8+s6+$0x0], $0xffff  }
0x101: {  	v59 =	vor.u32 s3, v43;
	[tilespmem:v5+s18+$0x0] =	vst.idx.msk $0xffff, v9;
	v8 =	vld [tilespmem:s7+$0x30]  }
0x102: {  	v61 =	vor.u32 s31, v43;
	v5 =	vld.idx.msk [tilespmem:v58+s6+$0x0], $0xffff  }
0x103: {  	v0 =	vor.u32 $0xF, v28;
	[tilespmem:v16+s18+$0x0] =	vst.idx.msk $0xffff, v14;
	v14 =	vld [tilespmem:s7+$0xFFFFFFF0]  }
0x104: {  	v12 =	vor.u32 s2, v43;
	v13 =	vor.u32 $0xF, v27;
	v16 =	vld [tilespmem:s7+$0x0]  }
0x105: {  	v15 =	vor.u32 $0xF, v26;
	v7 =	vld.idx.msk [tilespmem:v17+s6+$0x0], $0xffff;
	v17 =	vor.u32 s28, v40  }
0x106: {  	v19 =	vor.u32 s30, v43;
	[tilespmem:v59+s18+$0x0] =	vst.idx.msk $0xffff, v18;
	v18 =	vld [tilespmem:s7+$0x10];
	v33 =	vshll.u32 v8, $0x4  }
0x107: {  	v31 =	vshll.u32 v62, $0x4;
	[tilespmem:v61+s18+$0x0] =	vst.idx.msk $0xffff, v2;
	v2 =	vld [tilespmem:s7+$0xFFFFFFC0];
	v8 =	vor.u32 s29, v43  }
0x108: {  	v44 =	vor.u32 s8, v40;
	v26 =	vshll.u32 v60, $0x4;
	v0 =	vld.idx.msk [tilespmem:v0+s6+$0x0], $0xffff  }
0x109: {  	v49 =	vor.u32 s14, v40;
	v27 =	vshll.u32 v63, $0x4;
	s28 =	simm.s32 $0xF00;
	[tilespmem:v12+s18+$0x0] =	vst.idx.msk $0xffff, v3;
	v3 =	vld.idx.msk [tilespmem:v13+s6+$0x0], $0xffff  }
0x10a: {  	v12 =	vld.idx.msk [tilespmem:v15+s6+$0x0], $0xffff;
	v13 =	vor.u32 s3, v40;
	v28 =	vshll.u32 v14, $0x4;
	[tilespmem:v17+s18+$0x0] =	vst.idx.msk $0xffff, v6;
	v6 =	vor.u32 s28, v21  }
0x10b: {  	s0 =	simm.s32 $0x900;
	[tilespmem:v19+s18+$0x0] =	vst.idx.msk $0xffff, v4;
	v29 =	vshll.u32 v16, $0x4;
	v52 =	vor.u32 $0x1, v33;
	v6 =	vand.u32 v57, v6;
	v14 =	vld.idx.msk [tilespmem:v33+s6+$0x0], $0xffff  }
0x10c: {  	v4 =	vld.idx.msk [tilespmem:v31+s6+$0x0], $0xffff;
	v32 =	vshll.u32 v2, $0x4;
	v2 =	vor.u32 s0, v21;
	[tilespmem:v8+s18+$0x0] =	vst.idx.msk $0xffff, v1;
	v8 =	vor.u32 s31, v40  }
0x10d: {  	v56 =	vor.u32 $0xF, v24;
	v15 =	vor.u32 s2, v40;
	s2 =	simm.s32 $0xA00;
	[tilespmem:v44+s18+$0x0] =	vst.idx.msk $0xffff, v5;
	v2 =	vand.u32 v47, v2;
	v1 =	vld.idx.msk [tilespmem:v26+s6+$0x0], $0xffff  }
0x10e: {  	s3 =	simm.s32 $0xB00;
	v30 =	vshll.u32 v18, $0x4;
	[tilespmem:v49+s18+$0x0] =	vst.idx.msk $0xffff, v7;
	v7 =	vor.u32 s2, v21;
	v18 =	vld.idx.msk [tilespmem:v27+s6+$0x0], $0xffff  }
0x10f: {  	v7 =	vand.u32 v48, v7;
	[tilespmem:v13+s18+$0x0] =	vst.idx.msk $0xffff, v0;
	v13 =	vor.u32 s3, v21;
	v5 =	vld.idx.msk [tilespmem:v28+s6+$0x0], $0xffff  }
0x110: {  	s13 =	simm.s32 $0xC00;
	v17 =	vor.u32 $0x1, v31;
	v13 =	vand.u32 v50, v13;
	v58 =	vld.idx.msk [tilespmem:v29+s6+$0x0], $0xffff;
	[tilespmem:v6+s18+$0x0] =	vst.idx.msk $0xffff, v14  }
0x111: {  	s8 =	simm.s32 $0x800;
	v59 =	vor.u32 s13, v21;
	v0 =	vor.u32 $0x1, v26;
	[tilespmem:v8+s18+$0x0] =	vst.idx.msk $0xffff, v3;
	v8 =	vor.u32 s28, v46;
	v3 =	vld.idx.msk [tilespmem:v52+s6+$0x0], $0xffff  }
0x112: {  	s7 =	simm.s32 $0xD00;
	v24 =	vld.idx.msk [tilespmem:v56+s6+$0x0], $0xffff;
	v6 =	vor.u32 $0x1, v28;
	v14 =	vor.u32 s8, v21;
	[tilespmem:v2+s18+$0x0] =	vst.idx.msk $0xffff, v1;
	v2 =	vand.u32 v51, v59  }
0x113: {  	s14 =	simm.s32 $0xE00;
	[tilespmem:v15+s18+$0x0] =	vst.idx.msk $0xffff, v12;
	v15 =	vor.u32 $0x2, v33;
	v12 =	vld.idx.msk [tilespmem:v32+s6+$0x0], $0xffff;
	v1 =	vor.u32 s7, v21;
	v14 =	vand.u32 v22, v14  }
0x114: {  	v60 =	vor.u32 $0x1, v32;
	v16 =	vld.idx.msk [tilespmem:v30+s6+$0x0], $0xffff;
	[tilespmem:v7+s18+$0x0] =	vst.idx.msk $0xffff, v4;
	v7 =	vor.u32 s14, v21;
	v1 =	vand.u32 v55, v1  }
0x115: {  	v4 =	vor.u32 $0x1, v29;
	v7 =	vand.u32 v53, v7;
	v61 =	vld.idx.msk [tilespmem:v17+s6+$0x0], $0xffff;
	[tilespmem:v13+s18+$0x0] =	vst.idx.msk $0xffff, v5  }
0x116: {  	v0 =	vld.idx.msk [tilespmem:v0+s6+$0x0], $0xffff;
	v5 =	vor.u32 $0x1, v30;
	[tilespmem:v8+s18+$0x0] =	vst.idx.msk $0xffff, v3;
	v8 =	vor.u32 s0, v46  }
0x117: {  	v13 =	vor.u32 s2, v46;
	v6 =	vld.idx.msk [tilespmem:v6+s6+$0x0], $0xffff;
	[tilespmem:v2+s18+$0x0] =	vst.idx.msk $0xffff, v58;
	v3 =	vor.u32 $0x1, v27  }
0x118: {  	v62 =	vor.u32 s28, v45;
	[tilespmem:v14+s18+$0x0] =	vst.idx.msk $0xffff, v12;
	v12 =	vor.u32 $0x2, v26;
	v14 =	vld.idx.msk [tilespmem:v15+s6+$0x0], $0xffff  }
0x119: {  	[tilespmem:v1+s18+$0x0] =	vst.idx.msk $0xffff, v16;
	v1 =	vor.u32 s8, v46;
	v9 =	vld.idx.msk [tilespmem:v60+s6+$0x0], $0xffff;
	v15 =	vor.u32 $0x3, v33  }
0x11a: {  	[tilespmem:v7+s18+$0x0] =	vst.idx.msk $0xffff, v18;
	v7 =	vor.u32 s3, v46;
	v4 =	vld.idx.msk [tilespmem:v4+s6+$0x0], $0xffff;
	v16 =	vor.u32 $0x2, v32  }
0x11b: {  	v2 =	vor.u32 $0x2, v31;
	v5 =	vld.idx.msk [tilespmem:v5+s6+$0x0], $0xffff;
	[tilespmem:v8+s18+$0x0] =	vst.idx.msk $0xffff, v0;
	v8 =	vor.u32 s13, v46  }
0x11c: {  	v63 =	vor.u32 s7, v46;
	[tilespmem:v13+s18+$0x0] =	vst.idx.msk $0xffff, v61;
	v0 =	vor.u32 $0x2, v28;
	v3 =	vld.idx.msk [tilespmem:v3+s6+$0x0], $0xffff  }
0x11d: {  	v44 =	vor.u32 s14, v46;
	v13 =	vor.u32 $0x2, v29;
	v12 =	vld.idx.msk [tilespmem:v12+s6+$0x0], $0xffff;
	[tilespmem:v62+s18+$0x0] =	vst.idx.msk $0xffff, v14  }
0x11e: {  	v49 =	vor.u32 s0, v45;
	v14 =	vor.u32 $0x2, v30;
	[tilespmem:v1+s18+$0x0] =	vst.idx.msk $0xffff, v9;
	v15 =	vld.idx.msk [tilespmem:v15+s6+$0x0], $0xffff  }
0x11f: {  	[tilespmem:v7+s18+$0x0] =	vst.idx.msk $0xffff, v6;
	v1 =	vor.u32 $0x2, v27;
	v7 =	vld.idx.msk [tilespmem:v16+s6+$0x0], $0xffff;
	v16 =	vor.u32 s28, v54  }
0x120: {  	v2 =	vld.idx.msk [tilespmem:v2+s6+$0x0], $0xffff;
	v6 =	vor.u32 $0x3, v26;
	[tilespmem:v8+s18+$0x0] =	vst.idx.msk $0xffff, v4;
	v4 =	vor.u32 s8, v45  }
0x121: {  	v52 =	vor.u32 s2, v45;
	[tilespmem:v63+s18+$0x0] =	vst.idx.msk $0xffff, v5;
	v0 =	vld.idx.msk [tilespmem:v0+s6+$0x0], $0xffff;
	v8 =	vor.u32 $0x4, v33  }
0x122: {  	v5 =	vor.u32 $0x3, v32;
	[tilespmem:v44+s18+$0x0] =	vst.idx.msk $0xffff, v3;
	v3 =	vor.u32 s3, v45;
	v13 =	vld.idx.msk [tilespmem:v13+s6+$0x0], $0xffff  }
0x123: {  	v56 =	vor.u32 $0x3, v31;
	v58 =	vor.u32 s13, v45;
	v14 =	vld.idx.msk [tilespmem:v14+s6+$0x0], $0xffff;
	[tilespmem:v49+s18+$0x0] =	vst.idx.msk $0xffff, v12  }
0x124: {  	v12 =	vor.u32 $0x3, v28;
	v1 =	vld.idx.msk [tilespmem:v1+s6+$0x0], $0xffff;
	[tilespmem:v16+s18+$0x0] =	vst.idx.msk $0xffff, v15;
	v15 =	vor.u32 s7, v45  }
0x125: {  	v16 =	vor.u32 $0x3, v29;
	v6 =	vld.idx.msk [tilespmem:v6+s6+$0x0], $0xffff;
	[tilespmem:v4+s18+$0x0] =	vst.idx.msk $0xffff, v7;
	v4 =	vor.u32 s14, v45  }
0x126: {  	v59 =	vor.u32 s28, v20;
	[tilespmem:v52+s18+$0x0] =	vst.idx.msk $0xffff, v2;
	v7 =	vor.u32 $0x3, v30;
	v8 =	vld.idx.msk [tilespmem:v8+s6+$0x0], $0xffff  }
0x127: {  	v2 =	vor.u32 $0x3, v27;
	[tilespmem:v3+s18+$0x0] =	vst.idx.msk $0xffff, v0;
	v0 =	vor.u32 s8, v54;
	v5 =	vld.idx.msk [tilespmem:v5+s6+$0x0], $0xffff  }
0x128: {  	v60 =	vor.u32 $0x5, v33;
	v3 =	vld.idx.msk [tilespmem:v56+s6+$0x0], $0xffff;
	[tilespmem:v58+s18+$0x0] =	vst.idx.msk $0xffff, v13;
	v13 =	vor.u32 s0, v54  }
0x129: {  	v61 =	vor.u32 $0x4, v32;
	v12 =	vld.idx.msk [tilespmem:v12+s6+$0x0], $0xffff;
	[tilespmem:v15+s18+$0x0] =	vst.idx.msk $0xffff, v14;
	v15 =	vor.u32 s2, v54  }
0x12a: {  	v14 =	vor.u32 $0x4, v26;
	v16 =	vld.idx.msk [tilespmem:v16+s6+$0x0], $0xffff;
	[tilespmem:v4+s18+$0x0] =	vst.idx.msk $0xffff, v1;
	v1 =	vor.u32 s3, v54  }
0x12b: {  	v4 =	vor.u32 $0x4, v31;
	v7 =	vld.idx.msk [tilespmem:v7+s6+$0x0], $0xffff;
	[tilespmem:v59+s18+$0x0] =	vst.idx.msk $0xffff, v8;
	v8 =	vor.u32 s13, v54  }
0x12c: {  	v62 =	vor.u32 $0x4, v28;
	v2 =	vld.idx.msk [tilespmem:v2+s6+$0x0], $0xffff;
	[tilespmem:v0+s18+$0x0] =	vst.idx.msk $0xffff, v5;
	v0 =	vor.u32 s7, v54  }
0x12d: {  	v5 =	vor.u32 $0x4, v29;
	v11 =	vld.idx.msk [tilespmem:v60+s6+$0x0], $0xffff;
	[tilespmem:v13+s18+$0x0] =	vst.idx.msk $0xffff, v6;
	v13 =	vor.u32 s28, v23  }
0x12e: {  	v6 =	vor.u32 $0x4, v30;
	v9 =	vld.idx.msk [tilespmem:v61+s6+$0x0], $0xffff;
	[tilespmem:v15+s18+$0x0] =	vst.idx.msk $0xffff, v3;
	v3 =	vor.u32 s14, v54  }
0x12f: {  	v14 =	vld.idx.msk [tilespmem:v14+s6+$0x0], $0xffff;
	v15 =	vor.u32 $0x6, v33;
	[tilespmem:v1+s18+$0x0] =	vst.idx.msk $0xffff, v12;
	v12 =	vor.u32 s8, v20  }
0x130: {  	v4 =	vld.idx.msk [tilespmem:v4+s6+$0x0], $0xffff;
	[tilespmem:v8+s18+$0x0] =	vst.idx.msk $0xffff, v16;
	v8 =	vor.u32 s0, v20;
	v16 =	vor.u32 $0x5, v32  }
0x131: {  	v1 =	vor.u32 $0x4, v27;
	v10 =	vld.idx.msk [tilespmem:v62+s6+$0x0], $0xffff;
	[tilespmem:v0+s18+$0x0] =	vst.idx.msk $0xffff, v7;
	v0 =	vor.u32 s2, v20  }
0x132: {  	v63 =	vor.u32 s3, v20;
	v7 =	vor.u32 $0x5, v26;
	v5 =	vld.idx.msk [tilespmem:v5+s6+$0x0], $0xffff;
	[tilespmem:v13+s18+$0x0] =	vst.idx.msk $0xffff, v11  }
0x133: {  	v13 =	vor.u32 $0x5, v31;
	v6 =	vld.idx.msk [tilespmem:v6+s6+$0x0], $0xffff;
	[tilespmem:v3+s18+$0x0] =	vst.idx.msk $0xffff, v2;
	v2 =	vor.u32 s13, v20  }
0x134: {  	v3 =	vor.u32 $0x5, v28;
	v15 =	vld.idx.msk [tilespmem:v15+s6+$0x0], $0xffff;
	[tilespmem:v12+s18+$0x0] =	vst.idx.msk $0xffff, v9;
	v12 =	vor.u32 s28, v34  }
0x135: {  	[tilespmem:v8+s18+$0x0] =	vst.idx.msk $0xffff, v14;
	v8 =	vor.u32 s7, v20;
	v14 =	vld.idx.msk [tilespmem:v16+s6+$0x0], $0xffff;
	v16 =	vor.u32 $0x7, v33  }
0x136: {  	v1 =	vld.idx.msk [tilespmem:v1+s6+$0x0], $0xffff;
	[tilespmem:v0+s18+$0x0] =	vst.idx.msk $0xffff, v4;
	v0 =	vor.u32 s14, v20;
	v4 =	vor.u32 $0x5, v30  }
0x137: {  	v52 =	vor.u32 s8, v23;
	v44 =	vor.u32 $0x5, v29;
	v7 =	vld.idx.msk [tilespmem:v7+s6+$0x0], $0xffff;
	[tilespmem:v63+s18+$0x0] =	vst.idx.msk $0xffff, v10  }
0x138: {  	v49 =	vor.u32 $0x5, v27;
	v13 =	vld.idx.msk [tilespmem:v13+s6+$0x0], $0xffff;
	[tilespmem:v2+s18+$0x0] =	vst.idx.msk $0xffff, v5;
	v5 =	vor.u32 s0, v23  }
0x139: {  	v2 =	vor.u32 $0x6, v32;
	v3 =	vld.idx.msk [tilespmem:v3+s6+$0x0], $0xffff;
	[tilespmem:v12+s18+$0x0] =	vst.idx.msk $0xffff, v15;
	v15 =	vor.u32 s2, v23  }
0x13a: {  	v12 =	vor.u32 $0x6, v26;
	[tilespmem:v8+s18+$0x0] =	vst.idx.msk $0xffff, v6;
	v6 =	vor.u32 s3, v23;
	v16 =	vld.idx.msk [tilespmem:v16+s6+$0x0], $0xffff  }
0x13b: {  	v8 =	vor.u32 $0x6, v31;
	[tilespmem:v0+s18+$0x0] =	vst.idx.msk $0xffff, v1;
	v1 =	vld.idx.msk [tilespmem:v4+s6+$0x0], $0xffff;
	v4 =	vor.u32 s28, v35  }
0x13c: {  	v56 =	vor.u32 s13, v23;
	v9 =	vld.idx.msk [tilespmem:v44+s6+$0x0], $0xffff;
	[tilespmem:v52+s18+$0x0] =	vst.idx.msk $0xffff, v14;
	v14 =	vor.u32 $0x8, v33  }
0x13d: {  	v10 =	vld.idx.msk [tilespmem:v49+s6+$0x0], $0xffff;
	[tilespmem:v5+s18+$0x0] =	vst.idx.msk $0xffff, v7;
	v5 =	vor.u32 s7, v23;
	v7 =	vor.u32 $0x6, v29  }
0x13e: {  	v0 =	vor.u32 $0x6, v28;
	v2 =	vld.idx.msk [tilespmem:v2+s6+$0x0], $0xffff;
	[tilespmem:v15+s18+$0x0] =	vst.idx.msk $0xffff, v13;
	v13 =	vor.u32 s14, v23  }
0x13f: {  	v15 =	vor.u32 $0x6, v30;
	v12 =	vld.idx.msk [tilespmem:v12+s6+$0x0], $0xffff;
	[tilespmem:v6+s18+$0x0] =	vst.idx.msk $0xffff, v3;
	v3 =	vor.u32 s8, v34  }
0x140: {  	v6 =	vor.u32 $0x6, v27;
	v8 =	vld.idx.msk [tilespmem:v8+s6+$0x0], $0xffff;
	[tilespmem:v4+s18+$0x0] =	vst.idx.msk $0xffff, v16;
	v4 =	vor.u32 s0, v34  }
0x141: {  	v58 =	vor.u32 s2, v34;
	[tilespmem:v56+s18+$0x0] =	vst.idx.msk $0xffff, v9;
	v16 =	vor.u32 $0x7, v32;
	v14 =	vld.idx.msk [tilespmem:v14+s6+$0x0], $0xffff  }
0x142: {  	v59 =	vor.u32 $0x7, v26;
	[tilespmem:v5+s18+$0x0] =	vst.idx.msk $0xffff, v1;
	v5 =	vld.idx.msk [tilespmem:v7+s6+$0x0], $0xffff;
	v7 =	vor.u32 s28, v36  }
0x143: {  	v60 =	vor.u32 s3, v34;
	v0 =	vld.idx.msk [tilespmem:v0+s6+$0x0], $0xffff;
	v1 =	vor.u32 $0x7, v31;
	[tilespmem:v13+s18+$0x0] =	vst.idx.msk $0xffff, v10  }
0x144: {  	v13 =	vld.idx.msk [tilespmem:v15+s6+$0x0], $0xffff;
	v15 =	vor.u32 $0x9, v33;
	[tilespmem:v3+s18+$0x0] =	vst.idx.msk $0xffff, v2;
	v2 =	vor.u32 s13, v34  }
0x145: {  	v3 =	vor.u32 $0x7, v28;
	v6 =	vld.idx.msk [tilespmem:v6+s6+$0x0], $0xffff;
	[tilespmem:v4+s18+$0x0] =	vst.idx.msk $0xffff, v12;
	v4 =	vor.u32 s7, v34  }
0x146: {  	v12 =	vor.u32 $0x7, v29;
	v16 =	vld.idx.msk [tilespmem:v16+s6+$0x0], $0xffff;
	[tilespmem:v58+s18+$0x0] =	vst.idx.msk $0xffff, v8;
	v8 =	vor.u32 s14, v34  }
0x147: {  	v61 =	vor.u32 $0x7, v30;
	v11 =	vld.idx.msk [tilespmem:v59+s6+$0x0], $0xffff;
	[tilespmem:v7+s18+$0x0] =	vst.idx.msk $0xffff, v14;
	v7 =	vor.u32 s8, v35  }
0x148: {  	v62 =	vor.u32 s0, v35;
	[tilespmem:v60+s18+$0x0] =	vst.idx.msk $0xffff, v0;
	v14 =	vor.u32 $0x7, v27;
	v1 =	vld.idx.msk [tilespmem:v1+s6+$0x0], $0xffff  }
0x149: {  	v0 =	vor.u32 $0x8, v32;
	v15 =	vld.idx.msk [tilespmem:v15+s6+$0x0], $0xffff;
	[tilespmem:v2+s18+$0x0] =	vst.idx.msk $0xffff, v5;
	v5 =	vor.u32 s28, v37  }
0x14a: {  	v3 =	vld.idx.msk [tilespmem:v3+s6+$0x0], $0xffff;
	[tilespmem:v4+s18+$0x0] =	vst.idx.msk $0xffff, v13;
	v4 =	vor.u32 s2, v35;
	v13 =	vor.u32 $0xA, v33  }
0x14b: {  	v12 =	vld.idx.msk [tilespmem:v12+s6+$0x0], $0xffff;
	[tilespmem:v8+s18+$0x0] =	vst.idx.msk $0xffff, v6;
	v6 =	vor.u32 s3, v35;
	v8 =	vor.u32 $0x8, v31  }
0x14c: {  	v2 =	vor.u32 $0x8, v26;
	v9 =	vld.idx.msk [tilespmem:v61+s6+$0x0], $0xffff;
	[tilespmem:v7+s18+$0x0] =	vst.idx.msk $0xffff, v16;
	v7 =	vor.u32 s13, v35  }
0x14d: {  	v63 =	vor.u32 s7, v35;
	v16 =	vor.u32 $0x8, v28;
	v14 =	vld.idx.msk [tilespmem:v14+s6+$0x0], $0xffff;
	[tilespmem:v62+s18+$0x0] =	vst.idx.msk $0xffff, v11  }
0x14e: {  	v34 =	vor.u32 $0x8, v29;
	v0 =	vld.idx.msk [tilespmem:v0+s6+$0x0], $0xffff;
	[tilespmem:v5+s18+$0x0] =	vst.idx.msk $0xffff, v15;
	v5 =	vor.u32 s14, v35  }
0x14f: {  	v15 =	vor.u32 $0x8, v30;
	[tilespmem:v4+s18+$0x0] =	vst.idx.msk $0xffff, v1;
	v1 =	vor.u32 s8, v36;
	v13 =	vld.idx.msk [tilespmem:v13+s6+$0x0], $0xffff  }
0x150: {  	v4 =	vor.u32 $0x8, v27;
	[tilespmem:v6+s18+$0x0] =	vst.idx.msk $0xffff, v3;
	v6 =	vld.idx.msk [tilespmem:v8+s6+$0x0], $0xffff;
	v8 =	vor.u32 s28, v38  }
0x151: {  	v2 =	vld.idx.msk [tilespmem:v2+s6+$0x0], $0xffff;
	v3 =	vor.u32 $0x9, v32;
	[tilespmem:v7+s18+$0x0] =	vst.idx.msk $0xffff, v12;
	v7 =	vor.u32 s0, v36  }
0x152: {  	v44 =	vor.u32 s2, v36;
	v12 =	vld.idx.msk [tilespmem:v16+s6+$0x0], $0xffff;
	v16 =	vor.u32 $0xB, v33;
	[tilespmem:v63+s18+$0x0] =	vst.idx.msk $0xffff, v9  }
0x153: {  	v49 =	vor.u32 $0x9, v26;
	v11 =	vld.idx.msk [tilespmem:v34+s6+$0x0], $0xffff;
	[tilespmem:v5+s18+$0x0] =	vst.idx.msk $0xffff, v14;
	v5 =	vor.u32 s3, v36  }
0x154: {  	v14 =	vor.u32 $0x9, v31;
	v15 =	vld.idx.msk [tilespmem:v15+s6+$0x0], $0xffff;
	[tilespmem:v1+s18+$0x0] =	vst.idx.msk $0xffff, v0;
	v0 =	vor.u32 s13, v36  }
0x155: {  	v1 =	vor.u32 $0x9, v28;
	v4 =	vld.idx.msk [tilespmem:v4+s6+$0x0], $0xffff;
	[tilespmem:v8+s18+$0x0] =	vst.idx.msk $0xffff, v13;
	v8 =	vor.u32 s7, v36  }
0x156: {  	v13 =	vor.u32 $0x9, v29;
	v3 =	vld.idx.msk [tilespmem:v3+s6+$0x0], $0xffff;
	[tilespmem:v7+s18+$0x0] =	vst.idx.msk $0xffff, v2;
	v2 =	vor.u32 s14, v36  }
0x157: {  	v56 =	vor.u32 s28, v39;
	v7 =	vor.u32 $0x9, v30;
	[tilespmem:v44+s18+$0x0] =	vst.idx.msk $0xffff, v6;
	v16 =	vld.idx.msk [tilespmem:v16+s6+$0x0], $0xffff  }
0x158: {  	v6 =	vor.u32 $0x9, v27;
	v52 =	vld.idx.msk [tilespmem:v49+s6+$0x0], $0xffff;
	[tilespmem:v5+s18+$0x0] =	vst.idx.msk $0xffff, v12;
	v5 =	vor.u32 s8, v37  }
0x159: {  	v58 =	vor.u32 s0, v37;
	v12 =	vld.idx.msk [tilespmem:v14+s6+$0x0], $0xffff;
	v14 =	vor.u32 $0xC, v33;
	[tilespmem:v0+s18+$0x0] =	vst.idx.msk $0xffff, v11  }
0x15a: {  	v0 =	vor.u32 $0xA, v32;
	v1 =	vld.idx.msk [tilespmem:v1+s6+$0x0], $0xffff;
	[tilespmem:v8+s18+$0x0] =	vst.idx.msk $0xffff, v15;
	v8 =	vor.u32 s2, v37  }
0x15b: {  	v15 =	vor.u32 $0xA, v26;
	v13 =	vld.idx.msk [tilespmem:v13+s6+$0x0], $0xffff;
	[tilespmem:v2+s18+$0x0] =	vst.idx.msk $0xffff, v4;
	v2 =	vor.u32 s3, v37  }
0x15c: {  	v59 =	vor.u32 s13, v37;
	v4 =	vor.u32 $0xA, v31;
	v7 =	vld.idx.msk [tilespmem:v7+s6+$0x0], $0xffff;
	[tilespmem:v56+s18+$0x0] =	vst.idx.msk $0xffff, v16  }
0x15d: {  	v16 =	vor.u32 $0xA, v28;
	v6 =	vld.idx.msk [tilespmem:v6+s6+$0x0], $0xffff;
	[tilespmem:v5+s18+$0x0] =	vst.idx.msk $0xffff, v3;
	v3 =	vor.u32 s7, v37  }
0x15e: {  	v61 =	vor.u32 s28, v41;
	[tilespmem:v58+s18+$0x0] =	vst.idx.msk $0xffff, v52;
	v5 =	vor.u32 $0xA, v29;
	v14 =	vld.idx.msk [tilespmem:v14+s6+$0x0], $0xffff  }
0x15f: {  	v60 =	vor.u32 $0xA, v30;
	v0 =	vld.idx.msk [tilespmem:v0+s6+$0x0], $0xffff;
	[tilespmem:v8+s18+$0x0] =	vst.idx.msk $0xffff, v12;
	v8 =	vor.u32 s14, v37  }
0x160: {  	v12 =	vld.idx.msk [tilespmem:v15+s6+$0x0], $0xffff;
	v15 =	vor.u32 $0xD, v33;
	[tilespmem:v2+s18+$0x0] =	vst.idx.msk $0xffff, v1;
	v2 =	vor.u32 s8, v38  }
0x161: {  	v1 =	vor.u32 $0xA, v27;
	[tilespmem:v59+s18+$0x0] =	vst.idx.msk $0xffff, v13;
	v13 =	vor.u32 s0, v38;
	v4 =	vld.idx.msk [tilespmem:v4+s6+$0x0], $0xffff  }
0x162: {  	v62 =	vor.u32 $0xB, v32;
	v63 =	vor.u32 s3, v38;
	v16 =	vld.idx.msk [tilespmem:v16+s6+$0x0], $0xffff;
	[tilespmem:v3+s18+$0x0] =	vst.idx.msk $0xffff, v7  }
0x163: {  	v3 =	vor.u32 $0xB, v26;
	v7 =	vor.u32 s2, v38;
	v5 =	vld.idx.msk [tilespmem:v5+s6+$0x0], $0xffff;
	[tilespmem:v61+s18+$0x0] =	vst.idx.msk $0xffff, v14  }
0x164: {  	v14 =	vor.u32 $0xB, v31;
	v9 =	vld.idx.msk [tilespmem:v60+s6+$0x0], $0xffff;
	[tilespmem:v8+s18+$0x0] =	vst.idx.msk $0xffff, v6;
	v6 =	vor.u32 s13, v38  }
0x165: {  	v8 =	vor.u32 $0xB, v28;
	v15 =	vld.idx.msk [tilespmem:v15+s6+$0x0], $0xffff;
	[tilespmem:v2+s18+$0x0] =	vst.idx.msk $0xffff, v0;
	v2 =	vor.u32 s28, v42  }
0x166: {  	v0 =	vor.u32 $0xB, v29;
	[tilespmem:v13+s18+$0x0] =	vst.idx.msk $0xffff, v12;
	v12 =	vor.u32 s7, v38;
	v1 =	vld.idx.msk [tilespmem:v1+s6+$0x0], $0xffff  }
0x167: {  	v34 =	vor.u32 s8, v39;
	v13 =	vor.u32 $0xE, v33;
	v10 =	vld.idx.msk [tilespmem:v62+s6+$0x0], $0xffff;
	[tilespmem:v63+s18+$0x0] =	vst.idx.msk $0xffff, v16  }
0x168: {  	[tilespmem:v7+s18+$0x0] =	vst.idx.msk $0xffff, v4;
	v4 =	vor.u32 s14, v38;
	v7 =	vor.u32 $0xB, v30;
	v3 =	vld.idx.msk [tilespmem:v3+s6+$0x0], $0xffff  }
0x169: {  	v16 =	vor.u32 $0xB, v27;
	v14 =	vld.idx.msk [tilespmem:v14+s6+$0x0], $0xffff;
	[tilespmem:v6+s18+$0x0] =	vst.idx.msk $0xffff, v5;
	v5 =	vor.u32 s0, v39  }
0x16a: {  	v6 =	vor.u32 $0xC, v32;
	v8 =	vld.idx.msk [tilespmem:v8+s6+$0x0], $0xffff;
	[tilespmem:v2+s18+$0x0] =	vst.idx.msk $0xffff, v15;
	v2 =	vor.u32 s2, v39  }
0x16b: {  	v35 =	vor.u32 s3, v39;
	v15 =	vor.u32 $0xC, v26;
	[tilespmem:v12+s18+$0x0] =	vst.idx.msk $0xffff, v9;
	v0 =	vld.idx.msk [tilespmem:v0+s6+$0x0], $0xffff  }
0x16c: {  	v36 =	vor.u32 s13, v39;
	v12 =	vor.u32 $0xC, v31;
	v13 =	vld.idx.msk [tilespmem:v13+s6+$0x0], $0xffff;
	[tilespmem:v34+s18+$0x0] =	vst.idx.msk $0xffff, v10  }
0x16d: {  	[tilespmem:v4+s18+$0x0] =	vst.idx.msk $0xffff, v1;
	v1 =	vor.u32 $0xC, v28;
	v4 =	vld.idx.msk [tilespmem:v7+s6+$0x0], $0xffff;
	v7 =	vor.u32 s28, v43  }
0x16e: {  	v37 =	vld.idx.msk [tilespmem:v16+s6+$0x0], $0xffff;
	v16 =	vor.u32 $0xF, v33;
	[tilespmem:v5+s18+$0x0] =	vst.idx.msk $0xffff, v3;
	v3 =	vor.u32 s7, v39  }
0x16f: {  	v5 =	vor.u32 $0xC, v29;
	v6 =	vld.idx.msk [tilespmem:v6+s6+$0x0], $0xffff;
	[tilespmem:v2+s18+$0x0] =	vst.idx.msk $0xffff, v14;
	v2 =	vor.u32 s14, v39  }
0x170: {  	v38 =	vor.u32 s8, v41;
	v14 =	vor.u32 $0xC, v30;
	[tilespmem:v35+s18+$0x0] =	vst.idx.msk $0xffff, v8;
	v15 =	vld.idx.msk [tilespmem:v15+s6+$0x0], $0xffff  }
0x171: {  	v8 =	vor.u32 $0xC, v27;
	v12 =	vld.idx.msk [tilespmem:v12+s6+$0x0], $0xffff;
	[tilespmem:v36+s18+$0x0] =	vst.idx.msk $0xffff, v0;
	v0 =	vor.u32 s2, v41  }
0x172: {  	[tilespmem:v7+s18+$0x0] =	vst.idx.msk $0xffff, v13;
	v7 =	vor.u32 $0xD, v32;
	v13 =	vor.u32 s0, v41;
	v1 =	vld.idx.msk [tilespmem:v1+s6+$0x0], $0xffff  }
0x173: {  	v44 =	vor.u32 s3, v41;
	v39 =	vor.u32 $0xD, v26;
	v16 =	vld.idx.msk [tilespmem:v16+s6+$0x0], $0xffff;
	[tilespmem:v3+s18+$0x0] =	vst.idx.msk $0xffff, v4  }
0x174: {  	v3 =	vor.u32 $0xD, v31;
	v4 =	vld.idx.msk [tilespmem:v5+s6+$0x0], $0xffff;
	v5 =	vor.u32 s28, v40;
	[tilespmem:v2+s18+$0x0] =	vst.idx.msk $0xffff, v37  }
0x175: {  	v2 =	vor.u32 $0xF, v25;
	[tilespmem:v38+s18+$0x0] =	vst.idx.msk $0xffff, v6;
	v6 =	vor.u32 s13, v41;
	v17 =	vld.idx.msk [tilespmem:v14+s6+$0x0], $0xffff  }
0x176: {  	v49 =	vor.u32 $0xD, v28;
	v8 =	vld.idx.msk [tilespmem:v8+s6+$0x0], $0xffff;
	[tilespmem:v0+s18+$0x0] =	vst.idx.msk $0xffff, v12;
	v0 =	vor.u32 s14, v41  }
0x177: {  	[tilespmem:v13+s18+$0x0] =	vst.idx.msk $0xffff, v15;
	v13 =	vor.u32 s7, v41;
	v15 =	vor.u32 $0xD, v29;
	v7 =	vld.idx.msk [tilespmem:v7+s6+$0x0], $0xffff  }
0x178: {  	v12 =	vor.u32 $0xD, v30;
	[tilespmem:v44+s18+$0x0] =	vst.idx.msk $0xffff, v1;
	v1 =	vor.u32 s0, v42;
	v10 =	vld.idx.msk [tilespmem:v39+s6+$0x0], $0xffff  }
0x179: {  	[tilespmem:v5+s18+$0x0] =	vst.idx.msk $0xffff, v16;
	v5 =	vor.u32 s8, v42;
	v16 =	vor.u32 $0xD, v27;
	v3 =	vld.idx.msk [tilespmem:v3+s6+$0x0], $0xffff  }
0x17a: {  	v14 =	vld.idx.msk [tilespmem:v2+s6+$0x0], $0xffff;
	[tilespmem:v6+s18+$0x0] =	vst.idx.msk $0xffff, v4;
	v4 =	vor.u32 $0xE, v26  }
0x17b: {  	v52 =	vor.u32 $0xE, v32;
	v56 =	vor.u32 s3, v42;
	v6 =	vld.idx.msk [tilespmem:v49+s6+$0x0], $0xffff;
	[tilespmem:v0+s18+$0x0] =	vst.idx.msk $0xffff, v8  }
0x17c: {  	v2 =	vor.u32 s2, v42;
	v8 =	vor.u32 $0xE, v28;
	[tilespmem:v13+s18+$0x0] =	vst.idx.msk $0xffff, v17;
	v15 =	vld.idx.msk [tilespmem:v15+s6+$0x0], $0xffff  }
0x17d: {  	v0 =	vor.u32 s13, v42;
	v13 =	vor.u32 $0xE, v31;
	v12 =	vld.idx.msk [tilespmem:v12+s6+$0x0], $0xffff;
	[tilespmem:v1+s18+$0x0] =	vst.idx.msk $0xffff, v10  }
0x17e: {  	[tilespmem:v5+s18+$0x0] =	vst.idx.msk $0xffff, v7;
	v5 =	vor.u32 s7, v42;
	v7 =	vor.u32 $0xE, v29;
	v16 =	vld.idx.msk [tilespmem:v16+s6+$0x0], $0xffff  }
0x17f: {  	v58 =	vor.u32 $0xE, v30;
	v1 =	vor.u32 s14, v42;
	v4 =	vld.idx.msk [tilespmem:v4+s6+$0x0], $0xffff  }
0x180: {  	v18 =	vor.u32 $0xE, v27;
	v17 =	vor.u32 s8, v43;
	[tilespmem:v56+s18+$0x0] =	vst.idx.msk $0xffff, v6;
	v11 =	vld.idx.msk [tilespmem:v52+s6+$0x0], $0xffff  }
0x181: {  	v19 =	vor.u32 s0, v43;
	v59 =	vor.u32 $0xF, v32;
	[tilespmem:v2+s18+$0x0] =	vst.idx.msk $0xffff, v3;
	v8 =	vld.idx.msk [tilespmem:v8+s6+$0x0], $0xffff  }
0x182: {  	v61 =	vor.u32 s13, v43;
	v13 =	vld.idx.msk [tilespmem:v13+s6+$0x0], $0xffff;
	[tilespmem:v0+s18+$0x0] =	vst.idx.msk $0xffff, v15;
	v0 =	vor.u32 s2, v43;
	v15 =	vor.u32 $0xF, v26  }
0x183: {  	v20 =	vor.u32 $0xF, v31;
	v32 =	vor.u32 s8, v40;
	[tilespmem:v5+s18+$0x0] =	vst.idx.msk $0xffff, v12;
	v5 =	vor.u32 s3, v43;
	v2 =	vld.idx.msk [tilespmem:v7+s6+$0x0], $0xffff  }
0x184: {  	v25 =	vor.u32 s29, v40;
	v38 =	vor.u32 s3, v40;
	[tilespmem:v1+s18+$0x0] =	vst.idx.msk $0xffff, v16;
	v3 =	vld.idx.msk [tilespmem:v58+s6+$0x0], $0xffff  }
0x185: {  	v35 =	vor.u32 $0xF, v29;
	v37 =	vor.u32 s13, v40;
	v49 =	vor.u32 s14, v43;
	[tilespmem:v17+s18+$0x0] =	vst.idx.msk $0xffff, v11;
	v6 =	vld.idx.msk [tilespmem:v18+s6+$0x0], $0xffff  }
0x186: {  	v36 =	vor.u32 $0xF, v30;
	v31 =	vor.u32 s7, v43;
	v29 =	vor.u32 s0, v40;
	[tilespmem:v19+s18+$0x0] =	vst.idx.msk $0xffff, v4;
	v4 =	vld.idx.msk [tilespmem:v59+s6+$0x0], $0xffff  }
0x187: {  	v39 =	vor.u32 $0xF, v28;
	v26 =	vor.u32 s30, v40;
	v12 =	vor.u32 s2, v40;
	[tilespmem:v0+s18+$0x0] =	vst.idx.msk $0xffff, v13;
	v1 =	vld.idx.msk [tilespmem:v15+s6+$0x0], $0xffff  }
0x188: {  	s29 =	simm.s32 $0x8;
	v52 =	vor.u32 $0xF, v27;
	s30 =	simm.s32 $0x4C0;
	v19 =	vor.u32 s7, v40;
	v18 =	vor.u32 s14, v40;
	v0 =	vld.idx.msk [tilespmem:v20+s6+$0x0], $0xffff;
	[tilespmem:v5+s18+$0x0] =	vst.idx.msk $0xffff, v8  }
.LBB2_3:
0x189: {  	v5 =	vld [tilespmem:s30+$0x30]  }
0x18a: {  	[tilespmem:v61+s18+$0x0] =	vst.idx.msk $0xffff, v2;
	v2 =	vld [tilespmem:s30+$0xFFFFFFD0]  }
0x18b: {  	[tilespmem:v31+s18+$0x0] =	vst.idx.msk $0xffff, v3;
	v3 =	vld [tilespmem:s30+$0xFFFFFFE0]  }
0x18c: {  	[tilespmem:v49+s18+$0x0] =	vst.idx.msk $0xffff, v6;
	v6 =	vld [tilespmem:s30+$0xFFFFFFF0]  }
0x18d: {  	s28 =	sadd.s32 $0x800, s28;
	[tilespmem:v32+s18+$0x0] =	vst.idx.msk $0xffff, v4;
	v4 =	vld [tilespmem:s30+$0x0]  }
0x18e: {  	s2 =	sadd.s32 $0xFFFFF900, s28;
	[tilespmem:v29+s18+$0x0] =	vst.idx.msk $0xffff, v1;
	v1 =	vld [tilespmem:s30+$0x10]  }
0x18f: {  	v13 =	vor.u32 s2, v21;
	v28 =	vshll.u32 v5, $0x4;
	v5 =	vld [tilespmem:s30+$0xFFFFFFC0]  }
0x190: {  	[tilespmem:v25+s18+$0x0] =	vst.idx.msk $0xffff, v24;
	v13 =	vand.u32 v22, v13;
	v22 =	vld [tilespmem:$0x1FE80]  }
0x191: {  	v36 =	vld.idx.msk [tilespmem:v36+s6+$0x0], $0xffff;
	v31 =	vshll.u32 v3, $0x4  }
0x192: {  	v30 =	vshll.u32 v6, $0x4;
	v6 =	vld.idx.msk [tilespmem:v39+s6+$0x0], $0xffff  }
0x193: {  	v9 =	vmov v19;
	v29 =	vshll.u32 v2, $0x4;
	v2 =	vld [tilespmem:s30+$0x20];
	v32 =	vshll.u32 v4, $0x4  }
0x194: {  	[tilespmem:$0x1FE60] =	vst v9;
	v4 =	vld.idx.msk [tilespmem:v35+s6+$0x0], $0xffff;
	v33 =	vshll.u32 v1, $0x4;
	v1 =	vor.u32 s28, v21;
	v35 =	vshll.u32 v5, $0x4  }
0x195: {  	s0 =	sadd.s32 $0xFFFFFB00, s28;
	[tilespmem:v12+s18+$0x0] =	vst.idx.msk $0xffff, v0;
	v0 =	vmov v18;
	v12 =	vld.idx.msk [tilespmem:v28+s6+$0x0], $0xffff;
	v1 =	vand.u32 v57, v1  }
0x196: {  	s14 =	sadd.s32 $0xFFFFFC00, s28;
	v16 =	vor.u32 s0, v21;
	[tilespmem:$0x1FE40] =	vst v0;
	v5 =	vld.idx.msk [tilespmem:v31+s6+$0x0], $0xffff  }
0x197: {  	v17 =	vor.u32 s14, v21;
	v15 =	vor.u32 $0x1, v28;
	v18 =	vld.idx.msk [tilespmem:v30+s6+$0x0], $0xffff;
	[tilespmem:v38+s18+$0x0] =	vst.idx.msk $0xffff, v6;
	v6 =	vand.u32 v48, v16  }
0x198: {  	s3 =	sadd.s32 $0xFFFFFA00, s28;
	[tilespmem:v26+s18+$0x0] =	vst.idx.msk $0xffff, v14;
	v34 =	vshll.u32 v2, $0x4;
	v16 =	vand.u32 v50, v17;
	v20 =	vld.idx.msk [tilespmem:v32+s6+$0x0], $0xffff  }
0x199: {  	s13 =	sadd.s32 $0xFFFFFD00, s28;
	v3 =	vor.u32 $0x1, v31;
	v2 =	vor.u32 s3, v21;
	[tilespmem:v37+s18+$0x0] =	vst.idx.msk $0xffff, v4;
	v4 =	vld.idx.msk [tilespmem:v35+s6+$0x0], $0xffff  }
0x19a: {  	s8 =	sadd.s32 $0xFFFFFE00, s28;
	v19 =	vor.u32 s13, v21;
	v14 =	vld.idx.msk [tilespmem:v29+s6+$0x0], $0xffff;
	v2 =	vand.u32 v47, v2;
	[tilespmem:v1+s18+$0x0] =	vst.idx.msk $0xffff, v12;
	v1 =	vor.u32 $0x1, v35  }
0x19b: {  	v19 =	vand.u32 v51, v19;
	v7 =	vor.u32 $0x1, v29;
	[tilespmem:$0x1FE70] =	vst v36;
	v21 =	vor.u32 s8, v21;
	v17 =	vld.idx.msk [tilespmem:v33+s6+$0x0], $0xffff  }
0x19c: {  	v10 =	vor.u32 $0x1, v30;
	v21 =	vand.u32 v55, v21;
	v15 =	vld.idx.msk [tilespmem:v15+s6+$0x0], $0xffff;
	[tilespmem:v6+s18+$0x0] =	vst.idx.msk $0xffff, v5  }
0x19d: {  	v26 =	vor.u32 s28, v46;
	v11 =	vor.u32 $0x1, v32;
	v23 =	vld.idx.msk [tilespmem:v34+s6+$0x0], $0xffff;
	[tilespmem:v16+s18+$0x0] =	vst.idx.msk $0xffff, v18  }
0x19e: {  	v58 =	vor.u32 $0x2, v28;
	v57 =	vor.u32 s0, v46;
	v3 =	vld.idx.msk [tilespmem:v3+s6+$0x0], $0xffff;
	[tilespmem:v13+s18+$0x0] =	vst.idx.msk $0xffff, v4  }
0x19f: {  	v24 =	vor.u32 s2, v46;
	[tilespmem:v2+s18+$0x0] =	vst.idx.msk $0xffff, v14;
	v1 =	vld.idx.msk [tilespmem:v1+s6+$0x0], $0xffff  }
0x1a0: {  	v27 =	vor.u32 s3, v46;
	v56 =	vor.u32 $0x2, v31;
	[tilespmem:v19+s18+$0x0] =	vst.idx.msk $0xffff, v20;
	v7 =	vld.idx.msk [tilespmem:v7+s6+$0x0], $0xffff  }
0x1a1: {  	v8 =	vor.u32 $0x2, v29;
	v2 =	vor.u32 s14, v46;
	v10 =	vld.idx.msk [tilespmem:v10+s6+$0x0], $0xffff;
	[tilespmem:v21+s18+$0x0] =	vst.idx.msk $0xffff, v17  }
0x1a2: {  	s7 =	sadd.s32 $0xFFFFFF00, s28;
	v0 =	vor.u32 $0x2, v30;
	v14 =	vor.u32 s13, v46;
	v11 =	vld.idx.msk [tilespmem:v11+s6+$0x0], $0xffff;
	[tilespmem:v26+s18+$0x0] =	vst.idx.msk $0xffff, v15  }
0x1a3: {  	v22 =	vor.u32 s7, v22;
	v5 =	vor.u32 $0x2, v32;
	v20 =	vor.u32 s28, v45;
	v26 =	vld.idx.msk [tilespmem:v58+s6+$0x0], $0xffff;
	[tilespmem:v57+s18+$0x0] =	vst.idx.msk $0xffff, v3  }
0x1a4: {  	v22 =	vand.u32 v53, v22;
	v21 =	vor.u32 $0x3, v28;
	[tilespmem:v24+s18+$0x0] =	vst.idx.msk $0xffff, v1;
	v1 =	vld [tilespmem:$0x1FED0]  }
0x1a5: {  	[tilespmem:v27+s18+$0x0] =	vst.idx.msk $0xffff, v7;
	v9 =	vld.idx.msk [tilespmem:v56+s6+$0x0], $0xffff  }
0x1a6: {  	v42 =	vor.u32 s3, v45;
	[tilespmem:v2+s18+$0x0] =	vst.idx.msk $0xffff, v10;
	v8 =	vld.idx.msk [tilespmem:v8+s6+$0x0], $0xffff  }
0x1a7: {  	v56 =	vld.idx.msk [tilespmem:v0+s6+$0x0], $0xffff;
	[tilespmem:v14+s18+$0x0] =	vst.idx.msk $0xffff, v11  }
0x1a8: {  	v12 =	vor.u32 $0x1, v33;
	v10 =	vld.idx.msk [tilespmem:v5+s6+$0x0], $0xffff;
	[tilespmem:v20+s18+$0x0] =	vst.idx.msk $0xffff, v26  }
0x1a9: {  	v39 =	vor.u32 s28, v54;
	v25 =	vor.u32 $0x1, v34;
	[tilespmem:v22+s18+$0x0] =	vst.idx.msk $0xffff, v23;
	v21 =	vld.idx.msk [tilespmem:v21+s6+$0x0], $0xffff;
	v0 =	vor.u32 s8, v1  }
0x1aa: {  	v4 =	vor.u32 $0x3, v29;
	v5 =	vld [tilespmem:$0x1FEE0];
	[tilespmem:$0x1F9F0] =	vst v0  }
0x1ab: {  	v14 =	vor.u32 $0x4, v28;
	[tilespmem:v42+s18+$0x0] =	vst.idx.msk $0xffff, v8;
	v0 =	vor.u32 s7, v1  }
0x1ac: {  	v49 =	vor.u32 s2, v54;
	v63 =	vor.u32 s14, v54;
	[tilespmem:$0x1FA10] =	vst v0;
	v0 =	vor.u32 $0x5, v33  }
0x1ad: {  	v36 =	vor.u32 s8, v46;
	v59 =	vor.u32 $0x2, v35;
	v53 =	vor.u32 s7, v54;
	v12 =	vld.idx.msk [tilespmem:v12+s6+$0x0], $0xffff;
	[tilespmem:$0x1FA00] =	vst v0  }
0x1ae: {  	v48 =	vor.u32 s13, v54;
	v50 =	vor.u32 s8, v54;
	v22 =	vld.idx.msk [tilespmem:v25+s6+$0x0], $0xffff;
	v0 =	vor.u32 $0x5, v34;
	[tilespmem:v39+s18+$0x0] =	vst.idx.msk $0xffff, v21  }
0x1af: {  	v6 =	vor.u32 s7, v46;
	v16 =	vor.u32 $0x2, v33;
	v42 =	vld.idx.msk [tilespmem:v4+s6+$0x0], $0xffff;
	[tilespmem:$0x1FA20] =	vst v0;
	v0 =	vor.u32 s8, v5  }
0x1b0: {  	v18 =	vor.u32 $0x2, v34;
	v15 =	vor.u32 s13, v45;
	v2 =	vld.idx.msk [tilespmem:v14+s6+$0x0], $0xffff;
	[tilespmem:$0x1FA30] =	vst v0;
	v0 =	vor.u32 s7, v5  }
0x1b1: {  	v25 =	vor.u32 s0, v54;
	v27 =	vor.u32 s3, v54;
	v4 =	vor.u32 s28, v1;
	[tilespmem:$0x1FA40] =	vst v0;
	v0 =	vld [tilespmem:$0x1FEF0]  }
0x1b2: {  	[tilespmem:$0x1FE10] =	vst v52;
	v51 =	vor.u32 s2, v1;
	v54 =	vor.u32 s3, v1;
	v58 =	vor.u32 s0, v1  }
0x1b3: {  	[tilespmem:v36+s18+$0x0] =	vst.idx.msk $0xffff, v12;
	v26 =	vld.idx.msk [tilespmem:v59+s6+$0x0], $0xffff;
	v59 =	vor.u32 s14, v1;
	v60 =	vor.u32 s13, v1;
	v1 =	vor.u32 $0x5, v28  }
0x1b4: {  	v19 =	vor.u32 s8, v45;
	v16 =	vld.idx.msk [tilespmem:v16+s6+$0x0], $0xffff;
	[tilespmem:v6+s18+$0x0] =	vst.idx.msk $0xffff, v22  }
0x1b5: {  	v40 =	vor.u32 s2, v45;
	v46 =	vor.u32 $0x3, v33;
	[tilespmem:v15+s18+$0x0] =	vst.idx.msk $0xffff, v10  }
0x1b6: {  	v41 =	vor.u32 $0x3, v35;
	v17 =	vor.u32 s7, v45;
	v18 =	vld.idx.msk [tilespmem:v18+s6+$0x0], $0xffff;
	[tilespmem:v4+s18+$0x0] =	vst.idx.msk $0xffff, v2;
	v2 =	vor.u32 s13, v0  }
0x1b7: {  	v23 =	vor.u32 $0x3, v34;
	[tilespmem:$0x1FA50] =	vst v2;
	v2 =	vor.u32 s8, v0  }
0x1b8: {  	v4 =	vld.idx.msk [tilespmem:v1+s6+$0x0], $0xffff;
	[tilespmem:$0x1FA60] =	vst v2;
	v2 =	vor.u32 s28, v5  }
0x1b9: {  	[tilespmem:v19+s18+$0x0] =	vst.idx.msk $0xffff, v16  }
0x1ba: {  	[tilespmem:v40+s18+$0x0] =	vst.idx.msk $0xffff, v26;
	v8 =	vld.idx.msk [tilespmem:v46+s6+$0x0], $0xffff  }
0x1bb: {  	v3 =	vld.idx.msk [tilespmem:v41+s6+$0x0], $0xffff;
	[tilespmem:v17+s18+$0x0] =	vst.idx.msk $0xffff, v18;
	v1 =	vor.u32 s7, v0  }
0x1bc: {  	v10 =	vld.idx.msk [tilespmem:v23+s6+$0x0], $0xffff;
	[tilespmem:$0x1FA70] =	vst v1  }
0x1bd: {  	v1 =	vld [tilespmem:$0x1FF00];
	[tilespmem:v2+s18+$0x0] =	vst.idx.msk $0xffff, v4;
	v4 =	vor.u32 $0x8, v32  }
0x1be: {  	[tilespmem:$0x1FAB0] =	vst v4;
	v4 =	vor.u32 $0x8, v33  }
0x1bf: {  	v47 =	vor.u32 $0x4, v33;
	[tilespmem:$0x1FAD0] =	vst v4;
	v4 =	vld [tilespmem:$0x1FF10]  }
0x1c0: {  	[tilespmem:v49+s18+$0x0] =	vst.idx.msk $0xffff, v3;
	v3 =	vor.u32 $0x6, v28  }
0x1c1: {  	v52 =	vor.u32 $0x4, v34;
	[tilespmem:v50+s18+$0x0] =	vst.idx.msk $0xffff, v8  }
0x1c2: {  	v16 =	vor.u32 s2, v0;
	[tilespmem:v53+s18+$0x0] =	vst.idx.msk $0xffff, v10;
	v8 =	vor.u32 s8, v1  }
0x1c3: {  	v19 =	vor.u32 s3, v0;
	v17 =	vor.u32 s0, v0;
	[tilespmem:$0x1FAC0] =	vst v8;
	v8 =	vor.u32 s7, v1  }
0x1c4: {  	v50 =	vld.idx.msk [tilespmem:v47+s6+$0x0], $0xffff;
	v46 =	vor.u32 s14, v0;
	v47 =	vor.u32 s28, v0;
	[tilespmem:$0x1FAE0] =	vst v8;
	v0 =	vor.u32 s3, v4  }
0x1c5: {  	v8 =	vld.idx.msk [tilespmem:v3+s6+$0x0], $0xffff;
	[tilespmem:$0x1FB00] =	vst v0;
	v0 =	vor.u32 s0, v4  }
0x1c6: {  	v3 =	vld.idx.msk [tilespmem:v52+s6+$0x0], $0xffff;
	[tilespmem:$0x1FB10] =	vst v0;
	v0 =	vor.u32 s14, v4  }
0x1c7: {  	v52 =	vld [tilespmem:$0x1FF20];
	[tilespmem:$0x1FB20] =	vst v0;
	v0 =	vor.u32 s13, v4  }
0x1c8: {  	[tilespmem:$0x1FB40] =	vst v0;
	v0 =	vor.u32 s8, v4  }
0x1c9: {  	[tilespmem:$0x1FB60] =	vst v0;
	v0 =	vor.u32 s7, v4  }
0x1ca: {  	[tilespmem:$0x1FB80] =	vst v0;
	v0 =	vor.u32 $0x9, v30  }
0x1cb: {  	[tilespmem:$0x1FB30] =	vst v0;
	v0 =	vor.u32 $0x9, v32  }
0x1cc: {  	[tilespmem:$0x1FB50] =	vst v0;
	v0 =	vor.u32 s2, v52  }
0x1cd: {  	[tilespmem:$0x1FBA0] =	vst v0;
	v0 =	vor.u32 $0x9, v33  }
0x1ce: {  	[tilespmem:$0x1FB70] =	vst v0;
	v0 =	vor.u32 $0x9, v34  }
0x1cf: {  	[tilespmem:$0x1FB90] =	vst v0;
	v0 =	vor.u32 $0xA, v35  }
0x1d0: {  	[tilespmem:$0x1FBB0] =	vst v0;
	v0 =	vor.u32 s3, v52  }
0x1d1: {  	[tilespmem:$0x1FBC0] =	vst v0;
	v0 =	vor.u32 s0, v52  }
0x1d2: {  	[tilespmem:$0x1FBE0] =	vst v0;
	v0 =	vld [tilespmem:$0x1F9F0];
	_ =	sdelay $0x7  }
0x1d3: {  	[tilespmem:v0+s18+$0x0] =	vst.idx.msk $0xffff, v50;
	v0 =	vor.u32 $0xA, v29  }
0x1d4: {  	[tilespmem:$0x1FBD0] =	vst v0;
	v0 =	vor.u32 s14, v52  }
0x1d5: {  	[tilespmem:$0x1FC00] =	vst v0;
	v0 =	vld [tilespmem:$0x1FA00];
	_ =	sdelay $0x3  }
0x1d6: {  	v43 =	vor.u32 s0, v45  }
0x1d7: {  	v38 =	vor.u32 $0x3, v31;
	_ =	sdelay $0x2  }
0x1d8: {  	[tilespmem:v47+s18+$0x0] =	vst.idx.msk $0xffff, v8;
	v8 =	vld.idx.msk [tilespmem:v0+s6+$0x0], $0xffff  }
0x1d9: {  	[tilespmem:v43+s18+$0x0] =	vst.idx.msk $0xffff, v9;
	v0 =	vld [tilespmem:$0x1FA10]  }
0x1da: {  	v13 =	vor.u32 s14, v45;
	v45 =	vor.u32 $0x3, v32;
	v38 =	vld.idx.msk [tilespmem:v38+s6+$0x0], $0xffff  }
0x1db: {  	v37 =	vor.u32 $0x4, v31;
	_ =	sdelay $0x3  }
0x1dc: {  	v9 =	vld.idx.msk [tilespmem:v45+s6+$0x0], $0xffff;
	[tilespmem:v25+s18+$0x0] =	vst.idx.msk $0xffff, v38  }
0x1dd: {  	v24 =	vor.u32 $0x4, v32;
	v37 =	vld.idx.msk [tilespmem:v37+s6+$0x0], $0xffff  }
0x1de: {  	v12 =	vor.u32 $0x5, v31;
	[tilespmem:v0+s18+$0x0] =	vst.idx.msk $0xffff, v3;
	v0 =	vor.u32 s13, v52  }
0x1df: {  	[tilespmem:$0x1FC20] =	vst v0;
	v0 =	vor.u32 s8, v52  }
0x1e0: {  	[tilespmem:$0x1FC40] =	vst v0;
	v0 =	vld [tilespmem:$0x1FA20]  }
0x1e1: {  	[tilespmem:v48+s18+$0x0] =	vst.idx.msk $0xffff, v9  }
0x1e2: {  	v24 =	vld.idx.msk [tilespmem:v24+s6+$0x0], $0xffff;
	[tilespmem:v58+s18+$0x0] =	vst.idx.msk $0xffff, v37  }
0x1e3: {  	v39 =	vor.u32 s0, v5;
	v12 =	vld.idx.msk [tilespmem:v12+s6+$0x0], $0xffff;
	_ =	sdelay $0x2  }
0x1e4: {  	[tilespmem:v13+s18+$0x0] =	vst.idx.msk $0xffff, v56  }
0x1e5: {  	[tilespmem:v60+s18+$0x0] =	vst.idx.msk $0xffff, v24  }
0x1e6: {  	[tilespmem:v39+s18+$0x0] =	vst.idx.msk $0xffff, v12;
	v60 =	vld.idx.msk [tilespmem:v0+s6+$0x0], $0xffff;
	v0 =	vor.u32 $0xA, v31  }
0x1e7: {  	v39 =	vld [tilespmem:$0x1FF30];
	[tilespmem:$0x1FBF0] =	vst v0;
	v0 =	vor.u32 $0xA, v30  }
0x1e8: {  	[tilespmem:$0x1FC10] =	vst v0;
	v0 =	vor.u32 s7, v52  }
0x1e9: {  	[tilespmem:$0x1FC60] =	vst v0;
	v0 =	vor.u32 $0xA, v32  }
0x1ea: {  	[tilespmem:$0x1FC30] =	vst v0;
	v0 =	vor.u32 $0xA, v33  }
0x1eb: {  	[tilespmem:$0x1FC50] =	vst v0;
	v0 =	vor.u32 $0xA, v34  }
0x1ec: {  	[tilespmem:$0x1FC80] =	vst v0;
	v0 =	vor.u32 s2, v39  }
0x1ed: {  	v44 =	vor.u32 $0x3, v30;
	[tilespmem:$0x1FC70] =	vst v0;
	v0 =	vor.u32 $0xB, v35  }
0x1ee: {  	[tilespmem:$0x1FC90] =	vst v0;
	v0 =	vor.u32 s3, v39  }
0x1ef: {  	[tilespmem:$0x1FCA0] =	vst v0;
	v0 =	vor.u32 $0xB, v29  }
0x1f0: {  	[tilespmem:$0x1FCB0] =	vst v0;
	v0 =	vor.u32 s0, v39  }
0x1f1: {  	[tilespmem:$0x1FCC0] =	vst v0;
	v0 =	vor.u32 s14, v39  }
0x1f2: {  	v7 =	vld.idx.msk [tilespmem:v44+s6+$0x0], $0xffff;
	[tilespmem:$0x1FCE0] =	vst v0;
	v0 =	vor.u32 $0xB, v31  }
0x1f3: {  	v20 =	vor.u32 $0x4, v30;
	[tilespmem:$0x1FCD0] =	vst v0;
	v0 =	vor.u32 s13, v39  }
0x1f4: {  	[tilespmem:$0x1FD00] =	vst v0;
	v0 =	vor.u32 s8, v39  }
0x1f5: {  	[tilespmem:$0x1FD10] =	vst v0;
	v0 =	vor.u32 $0xB, v30  }
0x1f6: {  	[tilespmem:$0x1FCF0] =	vst v0;
	v0 =	vld [tilespmem:$0x1FA30]  }
0x1f7: {  	[tilespmem:v63+s18+$0x0] =	vst.idx.msk $0xffff, v7  }
0x1f8: {  	v63 =	vld.idx.msk [tilespmem:v20+s6+$0x0], $0xffff;
	_ =	sdelay $0x3  }
0x1f9: {  	v22 =	vor.u32 $0x5, v30  }
0x1fa: {  	[tilespmem:v59+s18+$0x0] =	vst.idx.msk $0xffff, v63  }
0x1fb: {  	[tilespmem:v0+s18+$0x0] =	vst.idx.msk $0xffff, v8;
	v0 =	vor.u32 s7, v39  }
0x1fc: {  	[tilespmem:$0x1FD30] =	vst v0;
	v0 =	vor.u32 $0xB, v33  }
0x1fd: {  	[tilespmem:$0x1FD20] =	vst v0;
	v0 =	vld [tilespmem:$0x1FA40]  }
0x1fe: {  	v62 =	vor.u32 $0x4, v29;
	v13 =	vor.u32 s14, v5;
	v22 =	vld.idx.msk [tilespmem:v22+s6+$0x0], $0xffff  }
0x1ff: {  	v57 =	vor.u32 $0x6, v30;
	_ =	sdelay $0x2  }
0x200: {  	v43 =	vor.u32 s13, v5;
	[tilespmem:v27+s18+$0x0] =	vst.idx.msk $0xffff, v42  }
0x201: {  	v40 =	vor.u32 s3, v5;
	v21 =	vor.u32 s2, v5;
	v5 =	vld.idx.msk [tilespmem:v62+s6+$0x0], $0xffff;
	[tilespmem:v13+s18+$0x0] =	vst.idx.msk $0xffff, v22  }
0x202: {  	v61 =	vor.u32 $0x4, v35;
	v12 =	vld.idx.msk [tilespmem:v57+s6+$0x0], $0xffff  }
0x203: {  	[tilespmem:v0+s18+$0x0] =	vst.idx.msk $0xffff, v60;
	v0 =	vld [tilespmem:$0x1FF40]  }
0x204: {  	v7 =	vor.u32 s0, v1  }
0x205: {  	[tilespmem:$0x1FA80] =	vst v7  }
0x206: {  	v7 =	vor.u32 s14, v1;
	[tilespmem:v54+s18+$0x0] =	vst.idx.msk $0xffff, v5  }
0x207: {  	v6 =	vld.idx.msk [tilespmem:v61+s6+$0x0], $0xffff;
	v61 =	vor.u32 s2, v1;
	v49 =	vor.u32 s3, v1;
	[tilespmem:$0x1FA90] =	vst v7  }
0x208: {  	v7 =	vor.u32 s13, v1;
	[tilespmem:v46+s18+$0x0] =	vst.idx.msk $0xffff, v12;
	v3 =	vor.u32 s28, v1;
	v1 =	vor.u32 s2, v0  }
0x209: {  	[tilespmem:$0x1FD40] =	vst v1;
	v1 =	vor.u32 s3, v0  }
0x20a: {  	[tilespmem:$0x1FD70] =	vst v1;
	v1 =	vor.u32 $0xB, v34  }
0x20b: {  	[tilespmem:$0x1FD50] =	vst v1;
	v1 =	vor.u32 $0xC, v35  }
0x20c: {  	[tilespmem:$0x1FD60] =	vst v1;
	v1 =	vor.u32 s0, v0  }
0x20d: {  	v55 =	vor.u32 $0x5, v32;
	[tilespmem:$0x1FD80] =	vst v1;
	v1 =	vor.u32 s14, v0  }
0x20e: {  	v5 =	vor.u32 $0x7, v28;
	v46 =	vld [tilespmem:$0x1FF50];
	[tilespmem:$0x1FD90] =	vst v1;
	v1 =	vor.u32 s13, v0  }
0x20f: {  	[tilespmem:$0x1FDA0] =	vst v1;
	v1 =	vor.u32 s8, v0  }
0x210: {  	[tilespmem:$0x1FDB0] =	vst v1;
	v1 =	vor.u32 s7, v0  }
0x211: {  	[tilespmem:$0x1FDD0] =	vst v1;
	v1 =	vor.u32 $0xC, v33  }
0x212: {  	v24 =	vld.idx.msk [tilespmem:v55+s6+$0x0], $0xffff;
	[tilespmem:$0x1FDC0] =	vst v1;
	v1 =	vor.u32 $0xC, v34  }
0x213: {  	v45 =	vor.u32 $0x6, v32;
	v5 =	vld.idx.msk [tilespmem:v5+s6+$0x0], $0xffff;
	[tilespmem:$0x1FDF0] =	vst v1;
	v1 =	vor.u32 s2, v46  }
0x214: {  	[tilespmem:$0x1FDE0] =	vst v1;
	v1 =	vor.u32 $0xD, v35  }
0x215: {  	[tilespmem:$0x1FE00] =	vst v1;
	v1 =	vld [tilespmem:$0x1FA50];
	_ =	sdelay $0x1  }
0x216: {  	[tilespmem:v43+s18+$0x0] =	vst.idx.msk $0xffff, v24  }
0x217: {  	[tilespmem:v3+s18+$0x0] =	vst.idx.msk $0xffff, v5;
	v5 =	vld.idx.msk [tilespmem:v45+s6+$0x0], $0xffff;
	_ =	sdelay $0x2  }
0x218: {  	v44 =	vor.u32 $0x6, v33;
	_ =	sdelay $0x1  }
0x219: {  	[tilespmem:v1+s18+$0x0] =	vst.idx.msk $0xffff, v5;
	v1 =	vld [tilespmem:$0x1FA60];
	_ =	sdelay $0x1  }
0x21a: {  	v11 =	vor.u32 $0x5, v35  }
0x21b: {  	v13 =	vld.idx.msk [tilespmem:v44+s6+$0x0], $0xffff;
	_ =	sdelay $0x2  }
0x21c: {  	v36 =	vor.u32 $0x5, v29;
	[tilespmem:v51+s18+$0x0] =	vst.idx.msk $0xffff, v6  }
0x21d: {  	v41 =	vor.u32 $0x6, v34;
	v11 =	vld.idx.msk [tilespmem:v11+s6+$0x0], $0xffff  }
0x21e: {  	[tilespmem:v1+s18+$0x0] =	vst.idx.msk $0xffff, v13;
	v1 =	vor.u32 s13, v46  }
0x21f: {  	[tilespmem:$0x1FE20] =	vst v1;
	v1 =	vld [tilespmem:$0x1FA70];
	_ =	sdelay $0x1  }
0x220: {  	v56 =	vor.u32 $0x6, v31;
	v36 =	vld.idx.msk [tilespmem:v36+s6+$0x0], $0xffff  }
0x221: {  	[tilespmem:v21+s18+$0x0] =	vst.idx.msk $0xffff, v11;
	v21 =	vld.idx.msk [tilespmem:v41+s6+$0x0], $0xffff;
	_ =	sdelay $0x3  }
0x222: {  	[tilespmem:v40+s18+$0x0] =	vst.idx.msk $0xffff, v36;
	v36 =	vld.idx.msk [tilespmem:v56+s6+$0x0], $0xffff  }
0x223: {  	v42 =	vor.u32 $0x7, v31;
	[tilespmem:v1+s18+$0x0] =	vst.idx.msk $0xffff, v21;
	v1 =	vor.u32 s8, v46  }
0x224: {  	[tilespmem:$0x1FE30] =	vst v1;
	v1 =	vor.u32 s7, v46  }
0x225: {  	[tilespmem:$0x1FE50] =	vst v1;
	v1 =	vld [tilespmem:$0x1FA80]  }
0x226: {  	v63 =	vor.u32 $0x8, v28  }
0x227: {  	[tilespmem:v17+s18+$0x0] =	vst.idx.msk $0xffff, v36  }
0x228: {  	v9 =	vld.idx.msk [tilespmem:v42+s6+$0x0], $0xffff;
	_ =	sdelay $0x2  }
0x229: {  	v23 =	vor.u32 $0x7, v30;
	v3 =	vld.idx.msk [tilespmem:v63+s6+$0x0], $0xffff;
	v8 =	vor.u32 s28, v4;
	_ =	sdelay $0x1  }
0x22a: {  	[tilespmem:v1+s18+$0x0] =	vst.idx.msk $0xffff, v9;
	v1 =	vld [tilespmem:$0x1FA90];
	_ =	sdelay $0x2  }
0x22b: {  	[tilespmem:v8+s18+$0x0] =	vst.idx.msk $0xffff, v3;
	v8 =	vld.idx.msk [tilespmem:v23+s6+$0x0], $0xffff;
	_ =	sdelay $0x1  }
0x22c: {  	v26 =	vor.u32 $0x6, v35  }
0x22d: {  	v25 =	vor.u32 $0x7, v32  }
0x22e: {  	[tilespmem:$0x1FAA0] =	vst v7  }
0x22f: {  	[tilespmem:v1+s18+$0x0] =	vst.idx.msk $0xffff, v8;
	v1 =	vld [tilespmem:$0x1FAA0];
	_ =	sdelay $0x1  }
0x230: {  	v26 =	vld.idx.msk [tilespmem:v26+s6+$0x0], $0xffff  }
0x231: {  	v11 =	vld.idx.msk [tilespmem:v25+s6+$0x0], $0xffff  }
0x232: {  	v18 =	vor.u32 $0x7, v35;
	_ =	sdelay $0x2  }
0x233: {  	[tilespmem:v16+s18+$0x0] =	vst.idx.msk $0xffff, v26  }
0x234: {  	[tilespmem:v1+s18+$0x0] =	vst.idx.msk $0xffff, v11;
	v1 =	vld [tilespmem:$0x1FAB0]  }
0x235: {  	v14 =	vor.u32 $0x6, v29;
	v18 =	vld.idx.msk [tilespmem:v18+s6+$0x0], $0xffff  }
0x236: {  	v62 =	vor.u32 $0x8, v35;
	_ =	sdelay $0x3  }
0x237: {  	v14 =	vld.idx.msk [tilespmem:v14+s6+$0x0], $0xffff;
	[tilespmem:v61+s18+$0x0] =	vst.idx.msk $0xffff, v18  }
0x238: {  	v27 =	vor.u32 $0x7, v33;
	v24 =	vld.idx.msk [tilespmem:v62+s6+$0x0], $0xffff  }
0x239: {  	v62 =	vld.idx.msk [tilespmem:v1+s6+$0x0], $0xffff  }
0x23a: {  	v1 =	vld [tilespmem:$0x1FAC0];
	_ =	sdelay $0x2  }
0x23b: {  	[tilespmem:v19+s18+$0x0] =	vst.idx.msk $0xffff, v14;
	v19 =	vld.idx.msk [tilespmem:v27+s6+$0x0], $0xffff  }
0x23c: {  	v37 =	vor.u32 $0x9, v28;
	_ =	sdelay $0x1  }
0x23d: {  	v15 =	vor.u32 $0x7, v29;
	_ =	sdelay $0x1  }
0x23e: {  	[tilespmem:v1+s18+$0x0] =	vst.idx.msk $0xffff, v19;
	v1 =	vld [tilespmem:$0x1FAD0]  }
0x23f: {  	v3 =	vld.idx.msk [tilespmem:v37+s6+$0x0], $0xffff;
	v5 =	vor.u32 s28, v52  }
0x240: {  	v12 =	vor.u32 $0xA, v28  }
0x241: {  	v15 =	vld.idx.msk [tilespmem:v15+s6+$0x0], $0xffff;
	_ =	sdelay $0x2  }
0x242: {  	[tilespmem:v5+s18+$0x0] =	vst.idx.msk $0xffff, v3  }
0x243: {  	v38 =	vor.u32 $0x7, v34;
	v12 =	vld.idx.msk [tilespmem:v12+s6+$0x0], $0xffff  }
0x244: {  	[tilespmem:v49+s18+$0x0] =	vst.idx.msk $0xffff, v15;
	v49 =	vor.u32 s28, v39;
	v19 =	vld.idx.msk [tilespmem:v1+s6+$0x0], $0xffff  }
0x245: {  	v39 =	vor.u32 $0xB, v28;
	v1 =	vld [tilespmem:$0x1FAE0];
	_ =	sdelay $0x2  }
0x246: {  	v18 =	vld.idx.msk [tilespmem:v38+s6+$0x0], $0xffff  }
0x247: {  	v6 =	vor.u32 $0x8, v34;
	v2 =	vor.u32 $0x8, v30;
	[tilespmem:v49+s18+$0x0] =	vst.idx.msk $0xffff, v12  }
0x248: {  	[tilespmem:$0x1FAF0] =	vst v6;
	v6 =	vor.u32 $0xE, v30;
	v16 =	vor.u32 $0xD, v30;
	v63 =	vld.idx.msk [tilespmem:v39+s6+$0x0], $0xffff  }
0x249: {  	v45 =	vor.u32 $0xC, v30;
	v39 =	vor.u32 $0xF, v30;
	v30 =	vor.u32 s28, v0;
	v0 =	vld [tilespmem:$0x1FB20];
	_ =	sdelay $0x1  }
0x24a: {  	[tilespmem:v1+s18+$0x0] =	vst.idx.msk $0xffff, v18;
	v1 =	vld [tilespmem:$0x1FAF0]  }
0x24b: {  	v47 =	vld.idx.msk [tilespmem:v2+s6+$0x0], $0xffff;
	_ =	sdelay $0x4  }
0x24c: {  	[tilespmem:v0+s18+$0x0] =	vst.idx.msk $0xffff, v47;
	v0 =	vld [tilespmem:$0x1FB30]  }
0x24d: {  	v20 =	vor.u32 $0x8, v29  }
0x24e: {  	v18 =	vld.idx.msk [tilespmem:v1+s6+$0x0], $0xffff  }
0x24f: {  	v1 =	vld [tilespmem:$0x1FB00];
	_ =	sdelay $0x2  }
0x250: {  	v36 =	vld.idx.msk [tilespmem:v20+s6+$0x0], $0xffff;
	_ =	sdelay $0x1  }
0x251: {  	v47 =	vld.idx.msk [tilespmem:v0+s6+$0x0], $0xffff  }
0x252: {  	v7 =	vor.u32 $0x8, v31;
	v53 =	vor.u32 s2, v4;
	v0 =	vld [tilespmem:$0x1FB40]  }
0x253: {  	v51 =	vor.u32 $0x9, v35  }
0x254: {  	[tilespmem:v1+s18+$0x0] =	vst.idx.msk $0xffff, v36;
	v1 =	vld [tilespmem:$0x1FB10]  }
0x255: {  	[tilespmem:v30+s18+$0x0] =	vst.idx.msk $0xffff, v63;
	v30 =	vld [tilespmem:$0x1FBA0]  }
0x256: {  	v22 =	vor.u32 $0xD, v34  }
0x257: {  	v26 =	vor.u32 $0xD, v33;
	[tilespmem:v53+s18+$0x0] =	vst.idx.msk $0xffff, v24;
	v3 =	vor.u32 $0xE, v33;
	v37 =	vld.idx.msk [tilespmem:v7+s6+$0x0], $0xffff;
	v11 =	vor.u32 $0xE, v34  }
0x258: {  	v24 =	vld.idx.msk [tilespmem:v51+s6+$0x0], $0xffff;
	v36 =	vor.u32 $0xF, v33;
	v33 =	vor.u32 $0xF, v34;
	v34 =	vor.u32 $0xC, v28;
	_ =	sdelay $0x1  }
0x259: {  	[tilespmem:v0+s18+$0x0] =	vst.idx.msk $0xffff, v62;
	v0 =	vld [tilespmem:$0x1FB50];
	_ =	sdelay $0x1  }
0x25a: {  	[tilespmem:v1+s18+$0x0] =	vst.idx.msk $0xffff, v37;
	v1 =	vld [tilespmem:$0x1FB80]  }
0x25b: {  	v54 =	vor.u32 $0x9, v29;
	v59 =	vor.u32 s3, v46;
	[tilespmem:v30+s18+$0x0] =	vst.idx.msk $0xffff, v24;
	v24 =	vld.idx.msk [tilespmem:v34+s6+$0x0], $0xffff  }
0x25c: {  	v56 =	vor.u32 s0, v46;
	v52 =	vor.u32 s14, v46;
	v34 =	vor.u32 s28, v46;
	v46 =	vld [tilespmem:$0x1FC00];
	_ =	sdelay $0x1  }
0x25d: {  	v63 =	vld [tilespmem:$0x1FBC0];
	_ =	sdelay $0x1  }
0x25e: {  	v62 =	vld.idx.msk [tilespmem:v0+s6+$0x0], $0xffff  }
0x25f: {  	v54 =	vld.idx.msk [tilespmem:v54+s6+$0x0], $0xffff  }
0x260: {  	[tilespmem:v1+s18+$0x0] =	vst.idx.msk $0xffff, v18;
	v1 =	vld [tilespmem:$0x1FB90]  }
0x261: {  	v0 =	vld [tilespmem:$0x1FB60]  }
0x262: {  	v58 =	vor.u32 $0x9, v31;
	[tilespmem:v46+s18+$0x0] =	vst.idx.msk $0xffff, v47;
	v46 =	vld [tilespmem:$0x1FC10];
	_ =	sdelay $0x1  }
0x263: {  	[tilespmem:v63+s18+$0x0] =	vst.idx.msk $0xffff, v54;
	v63 =	vld [tilespmem:$0x1FBE0]  }
0x264: {  	[tilespmem:v34+s18+$0x0] =	vst.idx.msk $0xffff, v24;
	v24 =	vld [tilespmem:$0x1FC60]  }
0x265: {  	v30 =	vld [tilespmem:$0x1FBB0]  }
0x266: {  	v51 =	vld.idx.msk [tilespmem:v58+s6+$0x0], $0xffff  }
0x267: {  	v1 =	vld.idx.msk [tilespmem:v1+s6+$0x0], $0xffff  }
0x268: {  	[tilespmem:v0+s18+$0x0] =	vst.idx.msk $0xffff, v19;
	v0 =	vld [tilespmem:$0x1FB70]  }
0x269: {  	v47 =	vld.idx.msk [tilespmem:v46+s6+$0x0], $0xffff  }
0x26a: {  	v46 =	vld [tilespmem:$0x1FC20]  }
0x26b: {  	[tilespmem:v63+s18+$0x0] =	vst.idx.msk $0xffff, v51;
	v63 =	vld [tilespmem:$0x1FBF0]  }
0x26c: {  	[tilespmem:v24+s18+$0x0] =	vst.idx.msk $0xffff, v1;
	v24 =	vld [tilespmem:$0x1FC70]  }
0x26d: {  	v60 =	vld [tilespmem:$0x1FF60]  }
0x26e: {  	v55 =	vld [tilespmem:$0x1FF70]  }
0x26f: {  	v30 =	vld.idx.msk [tilespmem:v30+s6+$0x0], $0xffff  }
0x270: {  	v0 =	vld.idx.msk [tilespmem:v0+s6+$0x0], $0xffff  }
0x271: {  	v54 =	vld [tilespmem:$0x1FBD0];
	v51 =	vor.u32 $0xD, v28  }
0x272: {  	v42 =	vor.u32 s2, v60;
	v44 =	vor.u32 s3, v60;
	[tilespmem:v46+s18+$0x0] =	vst.idx.msk $0xffff, v62;
	v46 =	vld [tilespmem:$0x1FC40]  }
0x273: {  	v43 =	vor.u32 s14, v60;
	v23 =	vor.u32 s13, v60;
	v17 =	vor.u32 s8, v60;
	v63 =	vld.idx.msk [tilespmem:v63+s6+$0x0], $0xffff  }
0x274: {  	v25 =	vor.u32 s7, v60;
	v27 =	vor.u32 s0, v60;
	[tilespmem:v24+s18+$0x0] =	vst.idx.msk $0xffff, v30;
	v30 =	vor.u32 s28, v60;
	v60 =	vld [tilespmem:$0x1FCC0]  }
0x275: {  	v62 =	vld [tilespmem:$0x1FC30]  }
0x276: {  	v1 =	vld.idx.msk [tilespmem:v51+s6+$0x0], $0xffff  }
0x277: {  	v51 =	vld [tilespmem:$0x1FCA0]  }
0x278: {  	v58 =	vld [tilespmem:$0x1FF80]  }
0x279: {  	v54 =	vld.idx.msk [tilespmem:v54+s6+$0x0], $0xffff  }
0x27a: {  	[tilespmem:v46+s18+$0x0] =	vst.idx.msk $0xffff, v0;
	v0 =	vld [tilespmem:$0x1FC50]  }
0x27b: {  	v24 =	vld [tilespmem:$0x1FC80]  }
0x27c: {  	[tilespmem:v60+s18+$0x0] =	vst.idx.msk $0xffff, v63;
	v60 =	vld [tilespmem:$0x1FCE0]  }
0x27d: {  	v46 =	vld [tilespmem:$0x1FC90]  }
0x27e: {  	v62 =	vld.idx.msk [tilespmem:v62+s6+$0x0], $0xffff  }
0x27f: {  	[tilespmem:v51+s18+$0x0] =	vst.idx.msk $0xffff, v54;
	v54 =	vld [tilespmem:$0x1FCB0]  }
0x280: {  	[tilespmem:v30+s18+$0x0] =	vst.idx.msk $0xffff, v1;
	v1 =	vld [tilespmem:$0x1FD10]  }
0x281: {  	v30 =	vld [tilespmem:$0x1FD30]  }
0x282: {  	v0 =	vld.idx.msk [tilespmem:v0+s6+$0x0], $0xffff  }
0x283: {  	v51 =	vor.u32 $0xE, v28;
	v24 =	vld.idx.msk [tilespmem:v24+s6+$0x0], $0xffff  }
0x284: {  	[tilespmem:v60+s18+$0x0] =	vst.idx.msk $0xffff, v47;
	v60 =	vld [tilespmem:$0x1FCF0]  }
0x285: {  	v34 =	vld.idx.msk [tilespmem:v46+s6+$0x0], $0xffff  }
0x286: {  	v63 =	vld [tilespmem:$0x1FCD0]  }
0x287: {  	v54 =	vld.idx.msk [tilespmem:v54+s6+$0x0], $0xffff  }
0x288: {  	v14 =	vor.u32 $0xD, v31;
	v61 =	vor.u32 s13, v55;
	v53 =	vor.u32 s0, v55;
	[tilespmem:v1+s18+$0x0] =	vst.idx.msk $0xffff, v0;
	v0 =	vld.idx.msk [tilespmem:v51+s6+$0x0], $0xffff  }
0x289: {  	v41 =	vor.u32 $0xC, v31;
	v5 =	vor.u32 $0xF, v31;
	v13 =	vor.u32 s2, v55;
	v1 =	vld [tilespmem:$0x1FD20]  }
0x28a: {  	v49 =	vor.u32 s7, v55;
	v9 =	vor.u32 s14, v55;
	v8 =	vor.u32 s3, v55;
	[tilespmem:v30+s18+$0x0] =	vst.idx.msk $0xffff, v24;
	v30 =	vld [tilespmem:$0x1FD40]  }
0x28b: {  	v2 =	vor.u32 $0xE, v31;
	v31 =	vor.u32 s8, v55;
	v24 =	vor.u32 s28, v55;
	v55 =	vld [tilespmem:$0x1FD80]  }
0x28c: {  	v47 =	vld.idx.msk [tilespmem:v60+s6+$0x0], $0xffff  }
0x28d: {  	v60 =	vld [tilespmem:$0x1FD00]  }
0x28e: {  	v63 =	vld.idx.msk [tilespmem:v63+s6+$0x0], $0xffff  }
0x28f: {  	v46 =	vld [tilespmem:$0x1FEA0]  }
0x290: {  	v51 =	vld [tilespmem:$0x1FFC0]  }
0x291: {  	v57 =	vor.u32 $0xB, v32;
	[tilespmem:v24+s18+$0x0] =	vst.idx.msk $0xffff, v0;
	v0 =	vld [tilespmem:$0x1FDA0]  }
0x292: {  	v1 =	vld.idx.msk [tilespmem:v1+s6+$0x0], $0xffff;
	[tilespmem:v30+s18+$0x0] =	vst.idx.msk $0xffff, v34  }
0x293: {  	v30 =	vld [tilespmem:$0x1FD50];
	[tilespmem:v55+s18+$0x0] =	vst.idx.msk $0xffff, v63  }
0x294: {  	v41 =	vld.idx.msk [tilespmem:v41+s6+$0x0], $0xffff  }
0x295: {  	v63 =	vld [tilespmem:$0x1FE00];
	[tilespmem:v60+s18+$0x0] =	vst.idx.msk $0xffff, v62  }
0x296: {  	v28 =	vor.u32 $0xF, v28;
	v57 =	vld.idx.msk [tilespmem:v57+s6+$0x0], $0xffff  }
0x297: {  	v62 =	vld [tilespmem:$0x1FD70]  }
0x298: {  	v60 =	vld [tilespmem:$0x1FD60]  }
0x299: {  	v55 =	vld [tilespmem:$0x1FFD0];
	[tilespmem:v56+s18+$0x0] =	vst.idx.msk $0xffff, v41  }
0x29a: {  	v41 =	vld.idx.msk [tilespmem:v14+s6+$0x0], $0xffff  }
0x29b: {  	[tilespmem:v0+s18+$0x0] =	vst.idx.msk $0xffff, v57;
	v0 =	vld.idx.msk [tilespmem:v28+s6+$0x0], $0xffff  }
0x29c: {  	v50 =	vor.u32 $0xC, v29;
	v28 =	vld [tilespmem:$0x1FDB0]  }
0x29d: {  	v30 =	vld.idx.msk [tilespmem:v30+s6+$0x0], $0xffff  }
0x29e: {  	v48 =	vor.u32 $0xC, v32;
	v57 =	vld [tilespmem:$0x1FFF0]  }
0x29f: {  	[tilespmem:v62+s18+$0x0] =	vst.idx.msk $0xffff, v54;
	v62 =	vld [tilespmem:$0x1FDD0]  }
0x2a0: {  	v34 =	vld.idx.msk [tilespmem:v60+s6+$0x0], $0xffff  }
0x2a1: {  	v50 =	vld.idx.msk [tilespmem:v50+s6+$0x0], $0xffff  }
0x2a2: {  	v60 =	vld [tilespmem:$0x1FD90]  }
0x2a3: {  	v40 =	vor.u32 $0xD, v29;
	v24 =	vld.idx.msk [tilespmem:v48+s6+$0x0], $0xffff  }
0x2a4: {  	v48 =	vld [tilespmem:$0x1FFA0];
	[tilespmem:v28+s18+$0x0] =	vst.idx.msk $0xffff, v1;
	v1 =	vor.u32 s28, v58  }
0x2a5: {  	v54 =	vld [tilespmem:$0x1FEC0]  }
0x2a6: {  	v28 =	vld [tilespmem:$0x1FDC0];
	[tilespmem:v59+s18+$0x0] =	vst.idx.msk $0xffff, v50  }
0x2a7: {  	[tilespmem:v62+s18+$0x0] =	vst.idx.msk $0xffff, v30;
	v30 =	vld [tilespmem:$0x1FDE0]  }
0x2a8: {  	v40 =	vld.idx.msk [tilespmem:v40+s6+$0x0], $0xffff  }
0x2a9: {  	v15 =	vor.u32 $0xE, v29;
	[tilespmem:v1+s18+$0x0] =	vst.idx.msk $0xffff, v0;
	v0 =	vld [tilespmem:$0x1FE10]  }
0x2aa: {  	v50 =	vld [tilespmem:$0x1FFB0];
	[tilespmem:v60+s18+$0x0] =	vst.idx.msk $0xffff, v47  }
0x2ab: {  	v45 =	vld.idx.msk [tilespmem:v45+s6+$0x0], $0xffff  }
0x2ac: {  	v1 =	vld [tilespmem:$0x1FE20]  }
0x2ad: {  	v47 =	vld [tilespmem:$0x1FF90];
	[tilespmem:v44+s18+$0x0] =	vst.idx.msk $0xffff, v40  }
0x2ae: {  	v15 =	vld.idx.msk [tilespmem:v15+s6+$0x0], $0xffff  }
0x2af: {  	[tilespmem:v30+s18+$0x0] =	vst.idx.msk $0xffff, v34;
	v30 =	vld [tilespmem:$0x1FDF0]  }
0x2b0: {  	v21 =	vor.u32 $0xD, v32;
	v34 =	vld.idx.msk [tilespmem:v63+s6+$0x0], $0xffff  }
0x2b1: {  	[tilespmem:v52+s18+$0x0] =	vst.idx.msk $0xffff, v45;
	v14 =	vld.idx.msk [tilespmem:v0+s6+$0x0], $0xffff  }
0x2b2: {  	v0 =	vld.idx.msk [tilespmem:v16+s6+$0x0], $0xffff  }
0x2b3: {  	v20 =	vor.u32 $0xE, v35;
	v16 =	vld [tilespmem:$0x1FE30]  }
0x2b4: {  	v28 =	vld.idx.msk [tilespmem:v28+s6+$0x0], $0xffff;
	[tilespmem:v1+s18+$0x0] =	vst.idx.msk $0xffff, v24  }
0x2b5: {  	v1 =	vld.idx.msk [tilespmem:v21+s6+$0x0], $0xffff  }
0x2b6: {  	v7 =	vor.u32 $0xF, v29;
	v21 =	vld [tilespmem:$0x1FE50]  }
0x2b7: {  	v45 =	vld [tilespmem:$0x1FEB0];
	[tilespmem:v42+s18+$0x0] =	vst.idx.msk $0xffff, v34  }
0x2b8: {  	[tilespmem:v8+s18+$0x0] =	vst.idx.msk $0xffff, v15;
	v20 =	vld.idx.msk [tilespmem:v20+s6+$0x0], $0xffff  }
0x2b9: {  	v4 =	vor.u32 $0xF, v35;
	v30 =	vld.idx.msk [tilespmem:v30+s6+$0x0], $0xffff;
	[tilespmem:v43+s18+$0x0] =	vst.idx.msk $0xffff, v0  }
0x2ba: {  	v24 =	vld.idx.msk [tilespmem:v6+s6+$0x0], $0xffff;
	[tilespmem:v23+s18+$0x0] =	vst.idx.msk $0xffff, v1  }
0x2bb: {  	v1 =	vld.idx.msk [tilespmem:v7+s6+$0x0], $0xffff;
	[tilespmem:v16+s18+$0x0] =	vst.idx.msk $0xffff, v28  }
0x2bc: {  	v10 =	vor.u32 $0xE, v32;
	v16 =	vld.idx.msk [tilespmem:v26+s6+$0x0], $0xffff  }
0x2bd: {  	v26 =	vld [tilespmem:$0x1FE40];
	[tilespmem:v13+s18+$0x0] =	vst.idx.msk $0xffff, v20  }
0x2be: {  	[tilespmem:v21+s18+$0x0] =	vst.idx.msk $0xffff, v30;
	v4 =	vld.idx.msk [tilespmem:v4+s6+$0x0], $0xffff  }
0x2bf: {  	[tilespmem:v27+s18+$0x0] =	vst.idx.msk $0xffff, v41;
	v21 =	vld.idx.msk [tilespmem:v22+s6+$0x0], $0xffff  }
0x2c0: {  	v22 =	vld.idx.msk [tilespmem:v2+s6+$0x0], $0xffff  }
0x2c1: {  	v2 =	vld.idx.msk [tilespmem:v10+s6+$0x0], $0xffff;
	[tilespmem:v9+s18+$0x0] =	vst.idx.msk $0xffff, v24  }
0x2c2: {  	v24 =	vld [tilespmem:$0x1FE70];
	[tilespmem:v17+s18+$0x0] =	vst.idx.msk $0xffff, v16  }
0x2c3: {  	s29 =	sadd.s32 $0x8, s29;
	v3 =	vld.idx.msk [tilespmem:v3+s6+$0x0], $0xffff  }
0x2c4: {  	p1 =	slt.u32 s29, $0xC0;
	[tilespmem:v25+s18+$0x0] =	vst.idx.msk $0xffff, v21;
	v25 =	vld [tilespmem:$0x1FE60]  }
.Ltmp2:
0x2c5: {  	[tilespmem:v53+s18+$0x0] =	vst.idx.msk $0xffff, v22;
	v53 =	vld [tilespmem:$0x1FFE0];
	(pc) =	sbr.rel @p1 .LBB2_3-.Ltmp2, $4  }
0x2c6: {  	v22 =	vld [tilespmem:$0x1FE90]  }
0x2c7: {  	v35 =	vor.u32 $0xF, v32;
	v32 =	vor.u32 s2, v58;
	v21 =	vld [tilespmem:$0x1FE80]  }
0x2c8: {  	v29 =	vor.u32 s3, v58;
	v12 =	vor.u32 s0, v58;
	v38 =	vor.u32 s14, v58;
	v6 =	vld.idx.msk [tilespmem:v11+s6+$0x0], $0xffff  }
0x2c9: {  	s30 =	sadd.s32 $0x80, s30;
	v37 =	vor.u32 s13, v58;
	v19 =	vor.u32 s8, v58;
	v18 =	vor.u32 s7, v58;
	v52 =	vmovc v33;
	v0 =	vld.idx.msk [tilespmem:v5+s6+$0x0], $0xffff  }
0x2ca: {  	_ =	sdelay $0x3  }
0x2cb: {  	[tilespmem:v61+s18+$0x0] =	vst.idx.msk $0xffff, v2  }
0x2cc: {  	[tilespmem:v31+s18+$0x0] =	vst.idx.msk $0xffff, v3  }
0x2cd: {  	[tilespmem:v32+s18+$0x0] =	vst.idx.msk $0xffff, v4  }
0x2ce: {  	v60 =	vld.idx.msk [tilespmem:v39+s6+$0x0], $0xffff;
	[tilespmem:v29+s18+$0x0] =	vst.idx.msk $0xffff, v1  }
0x2cf: {  	[tilespmem:v25+s18+$0x0] =	vst.idx.msk $0xffff, v24;
	v61 =	vld.idx.msk [tilespmem:v35+s6+$0x0], $0xffff  }
0x2d0: {  	v62 =	vld.idx.msk [tilespmem:v36+s6+$0x0], $0xffff;
	[tilespmem:v49+s18+$0x0] =	vst.idx.msk $0xffff, v6  }
0x2d1: {  	[tilespmem:v26+s18+$0x0] =	vst.idx.msk $0xffff, v14;
	v63 =	vld.idx.msk [tilespmem:v52+s6+$0x0], $0xffff  }
0x2d2: {  	s28 =	smul.u32 $0x1900, s26;
	[tilespmem:v12+s18+$0x0] =	vst.idx.msk $0xffff, v0  }
0x2d3: {  	[tilespmem:v38+s18+$0x0] =	vst.idx.msk $0xffff, v60  }
0x2d4: {  	p1 =	sne.s32 s26, $0xF;
	s0 =	sadd.s32 s5, s28;
	[tilespmem:v37+s18+$0x0] =	vst.idx.msk $0xffff, v61  }
.Ltmp3:
0x2d5: {  	s0 =	sshll.u32 s0, $0x1;
	[tilespmem:v19+s18+$0x0] =	vst.idx.msk $0xffff, v62;
	(pc) =	sbr.rel @p1 .LBB2_6-.Ltmp3, $4  }
0x2d6: {  	s2 =	sadd.s32 s4, s0;
	[tilespmem:v18+s18+$0x0] =	vst.idx.msk $0xffff, v63  }
0x2d7: {  	[hbm4b:s2+s6] =	stream.linear.scatter [tilespmem:s18], [sflag:$0x3], $0x6400, $0x38;
	[tilespmem:$0x1AC80] =	vst v63  }
0x2d8: {  	s0 =	sadd.s32 s0, s9  }
0x2d9: {  	[hbm4b:s0+s6] =	stream.linear.scatter [tilespmem:s19], [sflag:$0x3], $0x6400, $0x38;
	[tilespmem:$0x1AC80] =	vst v63  }
0x2da: {  	_ =	swait.ge [sflag:s20], $0xC80  }
0x2db: {  	v20 =	vld [tilespmem:$0x1FED0]  }
0x2dc: {  	v23 =	vld [tilespmem:$0x1FEE0]  }
0x2dd: {  	v34 =	vld [tilespmem:$0x1FEF0]  }
0x2de: {  	v35 =	vld [tilespmem:$0x1FF00]  }
0x2df: {  	v36 =	vld [tilespmem:$0x1FF10]  }
0x2e0: {  	v37 =	vld [tilespmem:$0x1FF20]  }
0x2e1: {  	v38 =	vld [tilespmem:$0x1FF30]  }
.Ltmp4:
0x2e2: {  	v39 =	vld [tilespmem:$0x1FF40];
	(pc) =	sbr.rel .LBB2_7-.Ltmp4, $4  }
0x2e3: {  	v41 =	vld [tilespmem:$0x1FF50]  }
0x2e4: {  	v40 =	vld [tilespmem:$0x1FF60]  }
0x2e5: {  	[sflag:s20] =	ssyncset.done $0x0;
	v42 =	vld [tilespmem:$0x1FF70]  }
0x2e6: {  	v43 =	vld [tilespmem:$0x1FF80];
	[sflag:s20] =	ssyncadd.s32 $0xFFFFF380  }
.LBB2_6:
0x2e7: {  	s0 =	sadd.s32 s28, s10  }
0x2e8: {  	s0 =	sshrl.u32 s0, $0x3  }
0x2e9: {  	s0 =	sadd.s32 s1, s0  }
0x2ea: {  	[tilespmem:s15], [sflag:$0x1] =	stream.linear.gather [hbm4b:s0+s6], $0xC80, $0x38;
	[tilespmem:$0x1AC80] =	vst v63  }
0x2eb: {  	_ =	swait.ge [sflag:s20], $0xC80  }
0x2ec: {  	v20 =	vld [tilespmem:$0x1FED0]  }
0x2ed: {  	v23 =	vld [tilespmem:$0x1FEE0]  }
0x2ee: {  	v34 =	vld [tilespmem:$0x1FEF0]  }
0x2ef: {  	v35 =	vld [tilespmem:$0x1FF00]  }
0x2f0: {  	v36 =	vld [tilespmem:$0x1FF10]  }
0x2f1: {  	v37 =	vld [tilespmem:$0x1FF20]  }
0x2f2: {  	v38 =	vld [tilespmem:$0x1FF30]  }
.Ltmp5:
0x2f3: {  	v39 =	vld [tilespmem:$0x1FF40];
	(pc) =	sbr.rel @p0 .LBB2_8-.Ltmp5, $4  }
0x2f4: {  	v41 =	vld [tilespmem:$0x1FF50]  }
0x2f5: {  	v40 =	vld [tilespmem:$0x1FF60]  }
0x2f6: {  	[sflag:s20] =	ssyncset.done $0x0;
	v42 =	vld [tilespmem:$0x1FF70]  }
0x2f7: {  	v43 =	vld [tilespmem:$0x1FF80];
	[sflag:s20] =	ssyncadd.s32 $0xFFFFF380  }
.LBB2_7:
0x2f8: {  	_ =	swait.ge [sflag:s21], $0x6400  }
0x2f9: {  	[sflag:s21] =	ssyncset.done $0x0  }
0x2fa: {  	[sflag:s21] =	ssyncadd.s32 $0xFFFF9C00  }
0x2fb: {  	_ =	swait.ge [sflag:s21], $0x6400  }
0x2fc: {  	[sflag:s21] =	ssyncset.done $0x0  }
0x2fd: {  	[sflag:s21] =	ssyncadd.s32 $0xFFFF9C00  }
.LBB2_8:
0x2fe: {  	s0 =	simm.s32 $0x1040  }
0x2ff: {  	v0 =	vld [tilespmem:s0+$0x30]  }
0x300: {  	v1 =	vld [tilespmem:s0+$0xFFFFFFD0]  }
0x301: {  	v2 =	vld [tilespmem:s0+$0xFFFFFFE0]  }
0x302: {  	v3 =	vld [tilespmem:s0+$0xFFFFFFF0]  }
0x303: {  	v4 =	vld [tilespmem:s0+$0x0]  }
0x304: {  	v5 =	vld [tilespmem:s0+$0x10];
	v31 =	vshll.u32 v0, $0x4  }
0x305: {  	v29 =	vshll.u32 v1, $0x4;
	v0 =	vld [tilespmem:s0+$0xFFFFFFC0]  }
0x306: {  	v28 =	vshll.u32 v2, $0x4;
	v1 =	vld [tilespmem:s0+$0x20]  }
0x307: {  	s8 =	simm.s32 $0x700;
	v27 =	vshll.u32 v3, $0x4  }
0x308: {  	v26 =	vshll.u32 v4, $0x4;
	v2 =	vor.u32 s8, v21  }
0x309: {  	s29 =	simm.s32 $0x100;
	v24 =	vshll.u32 v5, $0x4;
	v2 =	vand.u32 v57, v2;
	v3 =	vld.idx.msk [tilespmem:v31+s6+$0x0], $0xffff  }
0x30a: {  	s14 =	simm.s32 $0x200;
	v5 =	vor.u32 $0x1, v31;
	v4 =	vld.idx.msk [tilespmem:v29+s6+$0x0], $0xffff;
	v30 =	vshll.u32 v0, $0x4;
	v0 =	vor.u32 s29, v21  }
0x30b: {  	s3 =	simm.s32 $0x300;
	v6 =	vld.idx.msk [tilespmem:v28+s6+$0x0], $0xffff;
	v25 =	vshll.u32 v1, $0x4;
	v1 =	vor.u32 s14, v21;
	v0 =	vand.u32 v47, v0  }
0x30c: {  	s2 =	simm.s32 $0x400;
	v9 =	vor.u32 s3, v21;
	v7 =	vld.idx.msk [tilespmem:v27+s6+$0x0], $0xffff;
	v1 =	vand.u32 v48, v1  }
0x30d: {  	s30 =	simm.s32 $0x500;
	v14 =	vor.u32 s2, v21;
	v9 =	vand.u32 v50, v9;
	v8 =	vor.u32 $0x1, v29;
	v10 =	vld.idx.msk [tilespmem:v26+s6+$0x0], $0xffff  }
0x30e: {  	v17 =	vor.u32 s30, v21;
	v14 =	vand.u32 v51, v14;
	v11 =	vor.u32 $0x1, v28;
	v12 =	vld.idx.msk [tilespmem:v24+s6+$0x0], $0xffff  }
0x30f: {  	s13 =	simm.s32 $0x0;
	v17 =	vand.u32 v55, v17;
	[tilespmem:v2+s22+$0x0] =	vst.idx.msk $0xffff, v3;
	v2 =	vor.u32 $0x1, v27;
	v15 =	vld.idx.msk [tilespmem:v30+s6+$0x0], $0xffff  }
0x310: {  	s31 =	simm.s32 $0x600;
	v13 =	vor.u32 s8, v46;
	v3 =	vor.u32 s13, v21;
	v5 =	vld.idx.msk [tilespmem:v5+s6+$0x0], $0xffff;
	[tilespmem:v0+s22+$0x0] =	vst.idx.msk $0xffff, v4;
	v0 =	vor.u32 $0x1, v26  }
0x311: {  	v18 =	vld.idx.msk [tilespmem:v25+s6+$0x0], $0xffff;
	v3 =	vand.u32 v22, v3;
	v4 =	vor.u32 s31, v21;
	[tilespmem:v1+s22+$0x0] =	vst.idx.msk $0xffff, v6;
	v1 =	vor.u32 $0x1, v24  }
0x312: {  	v16 =	vor.u32 $0x2, v31;
	[tilespmem:v9+s22+$0x0] =	vst.idx.msk $0xffff, v7;
	v8 =	vld.idx.msk [tilespmem:v8+s6+$0x0], $0xffff;
	v4 =	vand.u32 v53, v4  }
0x313: {  	v19 =	vor.u32 $0x1, v30;
	v9 =	vor.u32 s29, v46;
	[tilespmem:v14+s22+$0x0] =	vst.idx.msk $0xffff, v10;
	v6 =	vld.idx.msk [tilespmem:v11+s6+$0x0], $0xffff  }
0x314: {  	v7 =	vor.u32 $0x1, v25;
	[tilespmem:v17+s22+$0x0] =	vst.idx.msk $0xffff, v12;
	v11 =	vor.u32 s14, v46;
	v2 =	vld.idx.msk [tilespmem:v2+s6+$0x0], $0xffff  }
0x315: {  	v63 =	vor.u32 s3, v46;
	[tilespmem:v13+s22+$0x0] =	vst.idx.msk $0xffff, v5;
	v5 =	vor.u32 $0x2, v29;
	v0 =	vld.idx.msk [tilespmem:v0+s6+$0x0], $0xffff  }
0x316: {  	v33 =	vor.u32 s2, v46;
	[tilespmem:v3+s22+$0x0] =	vst.idx.msk $0xffff, v15;
	v13 =	vor.u32 $0x2, v28;
	v1 =	vld.idx.msk [tilespmem:v1+s6+$0x0], $0xffff  }
0x317: {  	v10 =	vor.u32 s8, v45;
	v3 =	vld.idx.msk [tilespmem:v16+s6+$0x0], $0xffff;
	[tilespmem:v4+s22+$0x0] =	vst.idx.msk $0xffff, v18;
	v4 =	vor.u32 $0x2, v27  }
0x318: {  	v12 =	vor.u32 $0x3, v31;
	v15 =	vld.idx.msk [tilespmem:v19+s6+$0x0], $0xffff;
	[tilespmem:v9+s22+$0x0] =	vst.idx.msk $0xffff, v8;
	v8 =	vor.u32 s30, v46  }
0x319: {  	v14 =	vor.u32 s13, v46;
	v9 =	vor.u32 $0x2, v26;
	[tilespmem:v11+s22+$0x0] =	vst.idx.msk $0xffff, v6;
	v7 =	vld.idx.msk [tilespmem:v7+s6+$0x0], $0xffff  }
0x31a: {  	v32 =	vor.u32 $0x2, v30;
	v6 =	vor.u32 s31, v46;
	[tilespmem:v63+s22+$0x0] =	vst.idx.msk $0xffff, v2;
	v5 =	vld.idx.msk [tilespmem:v5+s6+$0x0], $0xffff  }
0x31b: {  	v52 =	vor.u32 s14, v45;
	v11 =	vor.u32 $0x2, v24;
	v13 =	vld.idx.msk [tilespmem:v13+s6+$0x0], $0xffff;
	[tilespmem:v33+s22+$0x0] =	vst.idx.msk $0xffff, v0  }
0x31c: {  	[tilespmem:v10+s22+$0x0] =	vst.idx.msk $0xffff, v3;
	v3 =	vor.u32 $0x2, v25;
	v10 =	vor.u32 s29, v45;
	v4 =	vld.idx.msk [tilespmem:v4+s6+$0x0], $0xffff  }
0x31d: {  	v2 =	vor.u32 s8, v54;
	[tilespmem:v8+s22+$0x0] =	vst.idx.msk $0xffff, v1;
	v8 =	vor.u32 $0x3, v28;
	v12 =	vld.idx.msk [tilespmem:v12+s6+$0x0], $0xffff  }
0x31e: {  	[tilespmem:v14+s22+$0x0] =	vst.idx.msk $0xffff, v15;
	v14 =	vor.u32 $0x3, v29;
	v9 =	vld.idx.msk [tilespmem:v9+s6+$0x0], $0xffff;
	v1 =	vor.u32 s3, v45  }
0x31f: {  	v44 =	vor.u32 s13, v45;
	v0 =	vor.u32 $0x4, v31;
	v15 =	vld.idx.msk [tilespmem:v32+s6+$0x0], $0xffff;
	[tilespmem:v6+s22+$0x0] =	vst.idx.msk $0xffff, v7  }
0x320: {  	v11 =	vld.idx.msk [tilespmem:v11+s6+$0x0], $0xffff;
	v6 =	vor.u32 s2, v45;
	v7 =	vor.u32 $0x3, v27;
	[tilespmem:v52+s22+$0x0] =	vst.idx.msk $0xffff, v13  }
0x321: {  	v49 =	vor.u32 $0x3, v30;
	[tilespmem:v10+s22+$0x0] =	vst.idx.msk $0xffff, v5;
	v3 =	vld.idx.msk [tilespmem:v3+s6+$0x0], $0xffff;
	v5 =	vor.u32 s30, v45  }
0x322: {  	v10 =	vor.u32 $0x3, v26;
	v8 =	vld.idx.msk [tilespmem:v8+s6+$0x0], $0xffff;
	[tilespmem:v2+s22+$0x0] =	vst.idx.msk $0xffff, v12;
	v2 =	vor.u32 s31, v45  }
0x323: {  	v58 =	vor.u32 s29, v54;
	[tilespmem:v1+s22+$0x0] =	vst.idx.msk $0xffff, v4;
	v14 =	vld.idx.msk [tilespmem:v14+s6+$0x0], $0xffff;
	v12 =	vor.u32 $0x3, v24  }
0x324: {  	v13 =	vor.u32 s8, v20;
	[tilespmem:v44+s22+$0x0] =	vst.idx.msk $0xffff, v15;
	v15 =	vor.u32 $0x3, v25;
	v0 =	vld.idx.msk [tilespmem:v0+s6+$0x0], $0xffff  }
0x325: {  	v7 =	vld.idx.msk [tilespmem:v7+s6+$0x0], $0xffff;
	[tilespmem:v6+s22+$0x0] =	vst.idx.msk $0xffff, v9;
	v6 =	vor.u32 $0x4, v29;
	v9 =	vor.u32 s14, v54  }
0x326: {  	v56 =	vor.u32 s13, v54;
	v1 =	vor.u32 $0x5, v31;
	v16 =	vld.idx.msk [tilespmem:v49+s6+$0x0], $0xffff;
	[tilespmem:v5+s22+$0x0] =	vst.idx.msk $0xffff, v11  }
0x327: {  	v4 =	vor.u32 $0x4, v30;
	v10 =	vld.idx.msk [tilespmem:v10+s6+$0x0], $0xffff;
	v5 =	vor.u32 s3, v54;
	[tilespmem:v2+s22+$0x0] =	vst.idx.msk $0xffff, v3  }
0x328: {  	v11 =	vor.u32 $0x4, v28;
	v12 =	vld.idx.msk [tilespmem:v12+s6+$0x0], $0xffff;
	v2 =	vor.u32 s2, v54;
	[tilespmem:v58+s22+$0x0] =	vst.idx.msk $0xffff, v14  }
0x329: {  	v3 =	vor.u32 $0x4, v27;
	v15 =	vld.idx.msk [tilespmem:v15+s6+$0x0], $0xffff;
	[tilespmem:v13+s22+$0x0] =	vst.idx.msk $0xffff, v0;
	v0 =	vor.u32 s30, v54  }
0x32a: {  	v60 =	vor.u32 s31, v54;
	[tilespmem:v9+s22+$0x0] =	vst.idx.msk $0xffff, v8;
	v13 =	vor.u32 $0x4, v26;
	v6 =	vld.idx.msk [tilespmem:v6+s6+$0x0], $0xffff  }
0x32b: {  	v59 =	vor.u32 $0x4, v24;
	v14 =	vor.u32 s8, v23;
	[tilespmem:v56+s22+$0x0] =	vst.idx.msk $0xffff, v16;
	v1 =	vld.idx.msk [tilespmem:v1+s6+$0x0], $0xffff  }
0x32c: {  	v61 =	vor.u32 s13, v20;
	v9 =	vor.u32 $0x4, v25;
	v4 =	vld.idx.msk [tilespmem:v4+s6+$0x0], $0xffff;
	[tilespmem:v5+s22+$0x0] =	vst.idx.msk $0xffff, v7  }
0x32d: {  	v8 =	vor.u32 $0x6, v31;
	v11 =	vld.idx.msk [tilespmem:v11+s6+$0x0], $0xffff;
	[tilespmem:v2+s22+$0x0] =	vst.idx.msk $0xffff, v10  }
0x32e: {  	v5 =	vor.u32 s29, v20;
	v7 =	vor.u32 $0x5, v30;
	v3 =	vld.idx.msk [tilespmem:v3+s6+$0x0], $0xffff;
	[tilespmem:v0+s22+$0x0] =	vst.idx.msk $0xffff, v12  }
0x32f: {  	v2 =	vor.u32 s14, v20;
	v10 =	vor.u32 $0x5, v29;
	v13 =	vld.idx.msk [tilespmem:v13+s6+$0x0], $0xffff;
	[tilespmem:v60+s22+$0x0] =	vst.idx.msk $0xffff, v15  }
0x330: {  	v0 =	vor.u32 s3, v20;
	v12 =	vor.u32 $0x5, v28;
	v16 =	vld.idx.msk [tilespmem:v59+s6+$0x0], $0xffff;
	[tilespmem:v14+s22+$0x0] =	vst.idx.msk $0xffff, v1  }
0x331: {  	v1 =	vor.u32 s2, v20;
	v14 =	vor.u32 $0x5, v27;
	[tilespmem:v61+s22+$0x0] =	vst.idx.msk $0xffff, v4;
	v4 =	vld.idx.msk [tilespmem:v9+s6+$0x0], $0xffff  }
0x332: {  	v62 =	vor.u32 s30, v20;
	v15 =	vor.u32 $0x5, v26;
	v8 =	vld.idx.msk [tilespmem:v8+s6+$0x0], $0xffff  }
0x333: {  	v63 =	vor.u32 $0x5, v24;
	v9 =	vor.u32 s8, v34;
	v7 =	vld.idx.msk [tilespmem:v7+s6+$0x0], $0xffff;
	[tilespmem:v5+s22+$0x0] =	vst.idx.msk $0xffff, v6  }
0x334: {  	v5 =	vor.u32 $0x7, v31;
	v6 =	vor.u32 s31, v20;
	v10 =	vld.idx.msk [tilespmem:v10+s6+$0x0], $0xffff;
	[tilespmem:v2+s22+$0x0] =	vst.idx.msk $0xffff, v11  }
0x335: {  	v2 =	vor.u32 $0x5, v25;
	v11 =	vor.u32 s13, v23;
	v12 =	vld.idx.msk [tilespmem:v12+s6+$0x0], $0xffff;
	[tilespmem:v0+s22+$0x0] =	vst.idx.msk $0xffff, v3  }
0x336: {  	v0 =	vor.u32 $0x6, v30;
	v3 =	vor.u32 s29, v23;
	v14 =	vld.idx.msk [tilespmem:v14+s6+$0x0], $0xffff;
	[tilespmem:v1+s22+$0x0] =	vst.idx.msk $0xffff, v13  }
0x337: {  	v1 =	vor.u32 $0x6, v29;
	v13 =	vor.u32 s14, v23;
	[tilespmem:v62+s22+$0x0] =	vst.idx.msk $0xffff, v16;
	v15 =	vld.idx.msk [tilespmem:v15+s6+$0x0], $0xffff  }
0x338: {  	[tilespmem:v9+s22+$0x0] =	vst.idx.msk $0xffff, v8;
	v8 =	vor.u32 s3, v23;
	v9 =	vor.u32 $0x6, v28;
	v17 =	vld.idx.msk [tilespmem:v63+s6+$0x0], $0xffff  }
0x339: {  	v32 =	vor.u32 $0x6, v27;
	v5 =	vld.idx.msk [tilespmem:v5+s6+$0x0], $0xffff;
	[tilespmem:v6+s22+$0x0] =	vst.idx.msk $0xffff, v4;
	v4 =	vor.u32 s8, v35  }
0x33a: {  	v6 =	vor.u32 s2, v23;
	[tilespmem:v11+s22+$0x0] =	vst.idx.msk $0xffff, v7;
	v2 =	vld.idx.msk [tilespmem:v2+s6+$0x0], $0xffff;
	v7 =	vor.u32 $0x8, v31  }
0x33b: {  	v33 =	vor.u32 $0x6, v26;
	v11 =	vor.u32 s30, v23;
	v0 =	vld.idx.msk [tilespmem:v0+s6+$0x0], $0xffff;
	[tilespmem:v3+s22+$0x0] =	vst.idx.msk $0xffff, v10  }
0x33c: {  	v3 =	vor.u32 s31, v23;
	v10 =	vor.u32 $0x6, v24;
	v1 =	vld.idx.msk [tilespmem:v1+s6+$0x0], $0xffff;
	[tilespmem:v13+s22+$0x0] =	vst.idx.msk $0xffff, v12  }
0x33d: {  	v12 =	vor.u32 s13, v34;
	v13 =	vor.u32 $0x6, v25;
	v9 =	vld.idx.msk [tilespmem:v9+s6+$0x0], $0xffff;
	[tilespmem:v8+s22+$0x0] =	vst.idx.msk $0xffff, v14  }
0x33e: {  	v8 =	vor.u32 s29, v34;
	v14 =	vor.u32 $0x7, v30;
	v16 =	vld.idx.msk [tilespmem:v32+s6+$0x0], $0xffff;
	[tilespmem:v4+s22+$0x0] =	vst.idx.msk $0xffff, v5  }
0x33f: {  	v4 =	vor.u32 s14, v34;
	v5 =	vor.u32 $0x7, v29;
	[tilespmem:v6+s22+$0x0] =	vst.idx.msk $0xffff, v15;
	v6 =	vld.idx.msk [tilespmem:v7+s6+$0x0], $0xffff  }
0x340: {  	v44 =	vor.u32 s3, v34;
	v7 =	vor.u32 $0x7, v28;
	v15 =	vld.idx.msk [tilespmem:v33+s6+$0x0], $0xffff;
	[tilespmem:v11+s22+$0x0] =	vst.idx.msk $0xffff, v17  }
0x341: {  	v49 =	vor.u32 $0x7, v27;
	v11 =	vor.u32 s8, v36;
	v10 =	vld.idx.msk [tilespmem:v10+s6+$0x0], $0xffff;
	[tilespmem:v3+s22+$0x0] =	vst.idx.msk $0xffff, v2  }
0x342: {  	v2 =	vor.u32 $0x9, v31;
	v3 =	vor.u32 s2, v34;
	[tilespmem:v12+s22+$0x0] =	vst.idx.msk $0xffff, v0;
	v0 =	vld.idx.msk [tilespmem:v13+s6+$0x0], $0xffff  }
0x343: {  	v12 =	vor.u32 s30, v34;
	v13 =	vor.u32 $0x7, v26;
	v14 =	vld.idx.msk [tilespmem:v14+s6+$0x0], $0xffff;
	[tilespmem:v8+s22+$0x0] =	vst.idx.msk $0xffff, v1  }
0x344: {  	v1 =	vor.u32 s31, v34;
	v8 =	vor.u32 $0x7, v24;
	v5 =	vld.idx.msk [tilespmem:v5+s6+$0x0], $0xffff;
	[tilespmem:v4+s22+$0x0] =	vst.idx.msk $0xffff, v9  }
0x345: {  	v4 =	vor.u32 s13, v35;
	v9 =	vor.u32 $0x7, v25;
	[tilespmem:v44+s22+$0x0] =	vst.idx.msk $0xffff, v16;
	v7 =	vld.idx.msk [tilespmem:v7+s6+$0x0], $0xffff  }
0x346: {  	[tilespmem:v11+s22+$0x0] =	vst.idx.msk $0xffff, v6;
	v6 =	vor.u32 $0x8, v30;
	v11 =	vor.u32 s29, v35;
	v17 =	vld.idx.msk [tilespmem:v49+s6+$0x0], $0xffff  }
0x347: {  	v52 =	vor.u32 $0x8, v29;
	v2 =	vld.idx.msk [tilespmem:v2+s6+$0x0], $0xffff;
	[tilespmem:v3+s22+$0x0] =	vst.idx.msk $0xffff, v15;
	v3 =	vor.u32 s8, v37  }
0x348: {  	v15 =	vor.u32 s14, v35;
	v13 =	vld.idx.msk [tilespmem:v13+s6+$0x0], $0xffff;
	[tilespmem:v12+s22+$0x0] =	vst.idx.msk $0xffff, v10;
	v10 =	vor.u32 $0xA, v31  }
0x349: {  	v56 =	vor.u32 $0x8, v28;
	v12 =	vor.u32 s3, v35;
	v8 =	vld.idx.msk [tilespmem:v8+s6+$0x0], $0xffff;
	[tilespmem:v1+s22+$0x0] =	vst.idx.msk $0xffff, v0  }
0x34a: {  	v0 =	vor.u32 s2, v35;
	v1 =	vor.u32 $0x8, v27;
	[tilespmem:v4+s22+$0x0] =	vst.idx.msk $0xffff, v14;
	v4 =	vld.idx.msk [tilespmem:v9+s6+$0x0], $0xffff  }
0x34b: {  	v9 =	vor.u32 s30, v35;
	v14 =	vor.u32 $0x8, v26;
	v6 =	vld.idx.msk [tilespmem:v6+s6+$0x0], $0xffff;
	[tilespmem:v11+s22+$0x0] =	vst.idx.msk $0xffff, v5  }
0x34c: {  	v5 =	vor.u32 s31, v35;
	v11 =	vor.u32 $0x8, v24;
	v16 =	vld.idx.msk [tilespmem:v52+s6+$0x0], $0xffff;
	[tilespmem:v3+s22+$0x0] =	vst.idx.msk $0xffff, v2  }
0x34d: {  	v2 =	vor.u32 s13, v36;
	v3 =	vor.u32 $0x8, v25;
	[tilespmem:v15+s22+$0x0] =	vst.idx.msk $0xffff, v7;
	v7 =	vld.idx.msk [tilespmem:v10+s6+$0x0], $0xffff  }
0x34e: {  	v58 =	vor.u32 s29, v36;
	v10 =	vor.u32 $0x9, v30;
	v15 =	vld.idx.msk [tilespmem:v56+s6+$0x0], $0xffff;
	[tilespmem:v12+s22+$0x0] =	vst.idx.msk $0xffff, v17  }
0x34f: {  	v59 =	vor.u32 $0x9, v29;
	v12 =	vor.u32 s8, v38;
	v1 =	vld.idx.msk [tilespmem:v1+s6+$0x0], $0xffff;
	[tilespmem:v0+s22+$0x0] =	vst.idx.msk $0xffff, v13  }
0x350: {  	v0 =	vor.u32 $0xB, v31;
	v13 =	vor.u32 s14, v36;
	v14 =	vld.idx.msk [tilespmem:v14+s6+$0x0], $0xffff;
	[tilespmem:v9+s22+$0x0] =	vst.idx.msk $0xffff, v8  }
0x351: {  	v8 =	vor.u32 s3, v36;
	v9 =	vor.u32 $0x9, v28;
	v11 =	vld.idx.msk [tilespmem:v11+s6+$0x0], $0xffff;
	[tilespmem:v5+s22+$0x0] =	vst.idx.msk $0xffff, v4  }
0x352: {  	v4 =	vor.u32 s2, v36;
	v5 =	vor.u32 $0x9, v27;
	[tilespmem:v2+s22+$0x0] =	vst.idx.msk $0xffff, v6;
	v2 =	vld.idx.msk [tilespmem:v3+s6+$0x0], $0xffff  }
0x353: {  	v3 =	vor.u32 s30, v36;
	v6 =	vor.u32 $0x9, v26;
	[tilespmem:v58+s22+$0x0] =	vst.idx.msk $0xffff, v16;
	v10 =	vld.idx.msk [tilespmem:v10+s6+$0x0], $0xffff  }
0x354: {  	[tilespmem:v12+s22+$0x0] =	vst.idx.msk $0xffff, v7;
	v7 =	vor.u32 s31, v36;
	v12 =	vor.u32 $0x9, v24;
	v17 =	vld.idx.msk [tilespmem:v59+s6+$0x0], $0xffff  }
0x355: {  	v61 =	vor.u32 s29, v37;
	v0 =	vld.idx.msk [tilespmem:v0+s6+$0x0], $0xffff;
	[tilespmem:v13+s22+$0x0] =	vst.idx.msk $0xffff, v15  }
0x356: {  	v60 =	vor.u32 $0x9, v25;
	v13 =	vor.u32 s8, v39;
	v9 =	vld.idx.msk [tilespmem:v9+s6+$0x0], $0xffff;
	[tilespmem:v8+s22+$0x0] =	vst.idx.msk $0xffff, v1  }
0x357: {  	v15 =	vor.u32 s13, v37;
	v1 =	vor.u32 $0xC, v31;
	v5 =	vld.idx.msk [tilespmem:v5+s6+$0x0], $0xffff;
	[tilespmem:v4+s22+$0x0] =	vst.idx.msk $0xffff, v14  }
0x358: {  	v8 =	vor.u32 $0xA, v30;
	v6 =	vld.idx.msk [tilespmem:v6+s6+$0x0], $0xffff;
	[tilespmem:v3+s22+$0x0] =	vst.idx.msk $0xffff, v11  }
0x359: {  	s7 =	simm.s32 $0x10C0;
	v4 =	vor.u32 s14, v37;
	v14 =	vor.u32 $0xA, v29;
	v12 =	vld.idx.msk [tilespmem:v12+s6+$0x0], $0xffff;
	[tilespmem:v7+s22+$0x0] =	vst.idx.msk $0xffff, v2  }
0x35a: {  	v3 =	vor.u32 s3, v37;
	v11 =	vor.u32 $0xA, v28;
	[tilespmem:v61+s22+$0x0] =	vst.idx.msk $0xffff, v17;
	v61 =	vld [tilespmem:s7+$0x0]  }
0x35b: {  	v2 =	vor.u32 s2, v37;
	v7 =	vor.u32 $0xA, v27;
	v16 =	vld.idx.msk [tilespmem:v60+s6+$0x0], $0xffff;
	[tilespmem:v13+s22+$0x0] =	vst.idx.msk $0xffff, v0  }
0x35c: {  	v0 =	vor.u32 s30, v37;
	v13 =	vor.u32 $0xA, v26;
	[tilespmem:v15+s22+$0x0] =	vst.idx.msk $0xffff, v10;
	v1 =	vld.idx.msk [tilespmem:v1+s6+$0x0], $0xffff  }
0x35d: {  	v10 =	vor.u32 $0xA, v24;
	v15 =	vor.u32 s8, v41;
	v8 =	vld.idx.msk [tilespmem:v8+s6+$0x0], $0xffff  }
0x35e: {  	v63 =	vor.u32 s13, v38;
	v14 =	vld.idx.msk [tilespmem:v14+s6+$0x0], $0xffff;
	[tilespmem:v4+s22+$0x0] =	vst.idx.msk $0xffff, v9  }
0x35f: {  	v62 =	vor.u32 s31, v37;
	v4 =	vor.u32 $0xD, v31;
	v11 =	vld.idx.msk [tilespmem:v11+s6+$0x0], $0xffff;
	[tilespmem:v3+s22+$0x0] =	vst.idx.msk $0xffff, v5  }
0x360: {  	v9 =	vor.u32 $0xA, v25;
	v7 =	vld.idx.msk [tilespmem:v7+s6+$0x0], $0xffff;
	[tilespmem:v2+s22+$0x0] =	vst.idx.msk $0xffff, v6  }
0x361: {  	v3 =	vor.u32 $0xB, v30;
	v5 =	vor.u32 s29, v38;
	v13 =	vld.idx.msk [tilespmem:v13+s6+$0x0], $0xffff;
	[tilespmem:v0+s22+$0x0] =	vst.idx.msk $0xffff, v12  }
0x362: {  	v2 =	vor.u32 $0xB, v29;
	v6 =	vor.u32 s14, v38;
	v10 =	vld.idx.msk [tilespmem:v10+s6+$0x0], $0xffff;
	[tilespmem:v15+s22+$0x0] =	vst.idx.msk $0xffff, v1  }
0x363: {  	v0 =	vor.u32 s3, v38;
	v12 =	vor.u32 $0xB, v28;
	[tilespmem:v63+s22+$0x0] =	vst.idx.msk $0xffff, v8;
	v63 =	vld [tilespmem:s7+$0x10]  }
0x364: {  	[tilespmem:v62+s22+$0x0] =	vst.idx.msk $0xffff, v16;
	v1 =	vor.u32 s2, v38;
	v15 =	vor.u32 $0xB, v27;
	v4 =	vld.idx.msk [tilespmem:v4+s6+$0x0], $0xffff  }
0x365: {  	v32 =	vor.u32 $0xB, v26;
	v33 =	vor.u32 s30, v38;
	v8 =	vld.idx.msk [tilespmem:v9+s6+$0x0], $0xffff  }
0x366: {  	v44 =	vor.u32 $0xB, v24;
	v9 =	vor.u32 s8, v40;
	v3 =	vld.idx.msk [tilespmem:v3+s6+$0x0], $0xffff;
	[tilespmem:v5+s22+$0x0] =	vst.idx.msk $0xffff, v14  }
0x367: {  	v5 =	vor.u32 $0xE, v31;
	v14 =	vor.u32 s31, v38;
	v2 =	vld.idx.msk [tilespmem:v2+s6+$0x0], $0xffff;
	[tilespmem:v6+s22+$0x0] =	vst.idx.msk $0xffff, v11  }
0x368: {  	v6 =	vor.u32 s13, v39;
	v11 =	vor.u32 $0xB, v25;
	v12 =	vld.idx.msk [tilespmem:v12+s6+$0x0], $0xffff;
	[tilespmem:v0+s22+$0x0] =	vst.idx.msk $0xffff, v7  }
0x369: {  	v0 =	vor.u32 s29, v39;
	v7 =	vor.u32 $0xC, v30;
	v15 =	vld.idx.msk [tilespmem:v15+s6+$0x0], $0xffff;
	[tilespmem:v1+s22+$0x0] =	vst.idx.msk $0xffff, v13  }
0x36a: {  	v1 =	vor.u32 s14, v39;
	v13 =	vor.u32 $0xC, v29;
	[tilespmem:v33+s22+$0x0] =	vst.idx.msk $0xffff, v10;
	v16 =	vld.idx.msk [tilespmem:v32+s6+$0x0], $0xffff  }
0x36b: {  	[tilespmem:v9+s22+$0x0] =	vst.idx.msk $0xffff, v4;
	v4 =	vor.u32 s3, v39;
	v9 =	vor.u32 $0xC, v28;
	v17 =	vld.idx.msk [tilespmem:v44+s6+$0x0], $0xffff  }
0x36c: {  	v10 =	vor.u32 $0xC, v27;
	v5 =	vld.idx.msk [tilespmem:v5+s6+$0x0], $0xffff;
	[tilespmem:v14+s22+$0x0] =	vst.idx.msk $0xffff, v8;
	v8 =	vor.u32 s8, v42  }
0x36d: {  	v14 =	vor.u32 s2, v39;
	[tilespmem:v6+s22+$0x0] =	vst.idx.msk $0xffff, v3;
	v3 =	vld.idx.msk [tilespmem:v11+s6+$0x0], $0xffff;
	v6 =	vor.u32 $0xF, v31  }
0x36e: {  	v49 =	vor.u32 $0xC, v26;
	v11 =	vor.u32 s30, v39;
	v7 =	vld.idx.msk [tilespmem:v7+s6+$0x0], $0xffff;
	[tilespmem:v0+s22+$0x0] =	vst.idx.msk $0xffff, v2  }
0x36f: {  	v0 =	vor.u32 s31, v39;
	v2 =	vor.u32 $0xC, v24;
	v13 =	vld.idx.msk [tilespmem:v13+s6+$0x0], $0xffff;
	[tilespmem:v1+s22+$0x0] =	vst.idx.msk $0xffff, v12  }
0x370: {  	v1 =	vor.u32 $0xC, v25;
	v12 =	vor.u32 s13, v41;
	v9 =	vld.idx.msk [tilespmem:v9+s6+$0x0], $0xffff;
	[tilespmem:v4+s22+$0x0] =	vst.idx.msk $0xffff, v15  }
0x371: {  	v4 =	vor.u32 $0xD, v30;
	v15 =	vor.u32 s29, v41;
	v10 =	vld.idx.msk [tilespmem:v10+s6+$0x0], $0xffff;
	[tilespmem:v8+s22+$0x0] =	vst.idx.msk $0xffff, v5  }
0x372: {  	v5 =	vor.u32 s14, v41;
	v8 =	vor.u32 $0xD, v29;
	[tilespmem:v14+s22+$0x0] =	vst.idx.msk $0xffff, v16;
	v6 =	vld.idx.msk [tilespmem:v6+s6+$0x0], $0xffff  }
0x373: {  	v52 =	vor.u32 $0xD, v28;
	v14 =	vor.u32 s3, v41;
	v18 =	vld.idx.msk [tilespmem:v49+s6+$0x0], $0xffff;
	[tilespmem:v11+s22+$0x0] =	vst.idx.msk $0xffff, v17  }
0x374: {  	v56 =	vor.u32 $0xD, v27;
	v11 =	vor.u32 s2, v41;
	v2 =	vld.idx.msk [tilespmem:v2+s6+$0x0], $0xffff;
	[tilespmem:v0+s22+$0x0] =	vst.idx.msk $0xffff, v3  }
0x375: {  	v0 =	vor.u32 s30, v41;
	v3 =	vor.u32 $0xD, v26;
	[tilespmem:v12+s22+$0x0] =	vst.idx.msk $0xffff, v7;
	v1 =	vld.idx.msk [tilespmem:v1+s6+$0x0], $0xffff  }
0x376: {  	v7 =	vor.u32 s31, v41;
	v12 =	vor.u32 $0xD, v24;
	v4 =	vld.idx.msk [tilespmem:v4+s6+$0x0], $0xffff;
	[tilespmem:v15+s22+$0x0] =	vst.idx.msk $0xffff, v13  }
0x377: {  	v13 =	vor.u32 s13, v40;
	v15 =	vor.u32 $0xD, v25;
	v8 =	vld.idx.msk [tilespmem:v8+s6+$0x0], $0xffff;
	[tilespmem:v5+s22+$0x0] =	vst.idx.msk $0xffff, v9  }
0x378: {  	v5 =	vor.u32 s29, v40;
	v9 =	vor.u32 $0xE, v30;
	[tilespmem:v14+s22+$0x0] =	vst.idx.msk $0xffff, v10;
	v16 =	vld.idx.msk [tilespmem:v52+s6+$0x0], $0xffff  }
0x379: {  	v10 =	vor.u32 s14, v40;
	v14 =	vor.u32 $0xE, v29;
	v17 =	vld.idx.msk [tilespmem:v56+s6+$0x0], $0xffff;
	[tilespmem:v11+s22+$0x0] =	vst.idx.msk $0xffff, v18  }
0x37a: {  	v58 =	vor.u32 $0xE, v28;
	v11 =	vor.u32 s3, v40;
	v3 =	vld.idx.msk [tilespmem:v3+s6+$0x0], $0xffff;
	[tilespmem:v0+s22+$0x0] =	vst.idx.msk $0xffff, v2  }
0x37b: {  	v0 =	vor.u32 s2, v40;
	v2 =	vor.u32 $0xE, v27;
	v12 =	vld.idx.msk [tilespmem:v12+s6+$0x0], $0xffff;
	[tilespmem:v7+s22+$0x0] =	vst.idx.msk $0xffff, v1  }
0x37c: {  	v1 =	vor.u32 s30, v40;
	v7 =	vor.u32 $0xE, v26;
	[tilespmem:v13+s22+$0x0] =	vst.idx.msk $0xffff, v4;
	v4 =	vld.idx.msk [tilespmem:v15+s6+$0x0], $0xffff  }
0x37d: {  	v13 =	vor.u32 s31, v40;
	v15 =	vor.u32 $0xE, v24;
	v9 =	vld.idx.msk [tilespmem:v9+s6+$0x0], $0xffff;
	[tilespmem:v5+s22+$0x0] =	vst.idx.msk $0xffff, v8  }
0x37e: {  	v8 =	vor.u32 $0xE, v25;
	v14 =	vld.idx.msk [tilespmem:v14+s6+$0x0], $0xffff;
	[tilespmem:v10+s22+$0x0] =	vst.idx.msk $0xffff, v16  }
0x37f: {  	[tilespmem:v11+s22+$0x0] =	vst.idx.msk $0xffff, v17;
	v18 =	vld.idx.msk [tilespmem:v58+s6+$0x0], $0xffff  }
0x380: {  	v5 =	vor.u32 s13, v42;
	v2 =	vld.idx.msk [tilespmem:v2+s6+$0x0], $0xffff;
	[tilespmem:v0+s22+$0x0] =	vst.idx.msk $0xffff, v3  }
0x381: {  	v10 =	vor.u32 $0xF, v30;
	v3 =	vld.idx.msk [tilespmem:v7+s6+$0x0], $0xffff;
	[tilespmem:v1+s22+$0x0] =	vst.idx.msk $0xffff, v12  }
0x382: {  	v59 =	vor.u32 s29, v42;
	v1 =	vld.idx.msk [tilespmem:v15+s6+$0x0], $0xffff;
	[tilespmem:v13+s22+$0x0] =	vst.idx.msk $0xffff, v4  }
0x383: {  	v30 =	vshll.u32 v63, $0x4;
	v4 =	vld.idx.msk [tilespmem:v8+s6+$0x0], $0xffff  }
0x384: {  	v11 =	vor.u32 s14, v42;
	v8 =	vld [tilespmem:s7+$0x30]  }
0x385: {  	v60 =	vor.u32 $0xF, v29;
	[tilespmem:v5+s22+$0x0] =	vst.idx.msk $0xffff, v9;
	v9 =	vld [tilespmem:s7+$0xFFFFFFD0]  }
0x386: {  	v5 =	vld.idx.msk [tilespmem:v10+s6+$0x0], $0xffff  }
0x387: {  	v0 =	vor.u32 $0xF, v28;
	v12 =	vor.u32 s2, v42;
	[tilespmem:v59+s22+$0x0] =	vst.idx.msk $0xffff, v14;
	v14 =	vld [tilespmem:s7+$0xFFFFFFF0]  }
0x388: {  	v10 =	vor.u32 s3, v42;
	v49 =	vld.idx.msk [tilespmem:v30+s6+$0x0], $0xffff  }
0x389: {  	v15 =	vor.u32 $0xF, v26;
	[tilespmem:v11+s22+$0x0] =	vst.idx.msk $0xffff, v18;
	v11 =	vld [tilespmem:s7+$0xFFFFFFE0]  }
0x38a: {  	v62 =	vor.u32 s8, v43;
	v13 =	vor.u32 $0xF, v27;
	v7 =	vld.idx.msk [tilespmem:v60+s6+$0x0], $0xffff  }
0x38b: {  	v44 =	vor.u32 s31, v42;
	v33 =	vshll.u32 v8, $0x4;
	v26 =	vshll.u32 v9, $0x4;
	v9 =	vld [tilespmem:s7+$0x20]  }
0x38c: {  	v0 =	vld.idx.msk [tilespmem:v0+s6+$0x0], $0xffff;
	[tilespmem:v12+s22+$0x0] =	vst.idx.msk $0xffff, v3;
	v8 =	vor.u32 s30, v42  }
0x38d: {  	[tilespmem:v10+s22+$0x0] =	vst.idx.msk $0xffff, v2;
	v2 =	vld [tilespmem:s7+$0xFFFFFFC0];
	v10 =	vor.u32 s13, v43;
	v28 =	vshll.u32 v14, $0x4  }
0x38e: {  	v12 =	vld.idx.msk [tilespmem:v15+s6+$0x0], $0xffff;
	v31 =	vshll.u32 v11, $0x4;
	v11 =	vor.u32 s29, v43;
	s29 =	simm.s32 $0xF00  }
0x38f: {  	v29 =	vshll.u32 v61, $0x4;
	[tilespmem:v62+s22+$0x0] =	vst.idx.msk $0xffff, v6;
	v3 =	vld.idx.msk [tilespmem:v13+s6+$0x0], $0xffff;
	v13 =	vor.u32 s14, v43;
	v6 =	vor.u32 s29, v21  }
0x390: {  	[tilespmem:v44+s22+$0x0] =	vst.idx.msk $0xffff, v4;
	v6 =	vand.u32 v57, v6;
	v14 =	vld.idx.msk [tilespmem:v33+s6+$0x0], $0xffff;
	v27 =	vshll.u32 v9, $0x4  }
0x391: {  	s0 =	simm.s32 $0x900;
	[tilespmem:v8+s22+$0x0] =	vst.idx.msk $0xffff, v1;
	v1 =	vld.idx.msk [tilespmem:v26+s6+$0x0], $0xffff;
	v8 =	vor.u32 s3, v43;
	v9 =	vor.u32 $0x1, v33  }
0x392: {  	v15 =	vor.u32 s2, v43;
	s2 =	simm.s32 $0xA00;
	[tilespmem:v10+s22+$0x0] =	vst.idx.msk $0xffff, v5;
	v32 =	vshll.u32 v2, $0x4;
	v2 =	vor.u32 s0, v21;
	v5 =	vld.idx.msk [tilespmem:v28+s6+$0x0], $0xffff  }
0x393: {  	s3 =	simm.s32 $0xB00;
	v10 =	vor.u32 $0xF, v24;
	v4 =	vld.idx.msk [tilespmem:v31+s6+$0x0], $0xffff;
	[tilespmem:v11+s22+$0x0] =	vst.idx.msk $0xffff, v7;
	v7 =	vor.u32 s2, v21;
	v2 =	vand.u32 v47, v2  }
0x394: {  	v11 =	vld.idx.msk [tilespmem:v29+s6+$0x0], $0xffff;
	[tilespmem:v13+s22+$0x0] =	vst.idx.msk $0xffff, v0;
	v0 =	vor.u32 $0x1, v26;
	v13 =	vor.u32 s3, v21;
	v7 =	vand.u32 v48, v7  }
0x395: {  	s7 =	simm.s32 $0x800;
	v52 =	vor.u32 $0x1, v31;
	v13 =	vand.u32 v50, v13;
	v56 =	vld.idx.msk [tilespmem:v27+s6+$0x0], $0xffff;
	[tilespmem:v6+s22+$0x0] =	vst.idx.msk $0xffff, v14  }
0x396: {  	s13 =	simm.s32 $0xC00;
	v6 =	vor.u32 $0x1, v28;
	v14 =	vor.u32 s7, v21;
	[tilespmem:v8+s22+$0x0] =	vst.idx.msk $0xffff, v3;
	v8 =	vor.u32 s29, v46;
	v3 =	vld.idx.msk [tilespmem:v9+s6+$0x0], $0xffff  }
0x397: {  	s8 =	simm.s32 $0xD00;
	[tilespmem:v15+s22+$0x0] =	vst.idx.msk $0xffff, v12;
	v15 =	vor.u32 $0x2, v33;
	v9 =	vor.u32 s13, v21;
	v14 =	vand.u32 v22, v14;
	v12 =	vld.idx.msk [tilespmem:v32+s6+$0x0], $0xffff  }
0x398: {  	s14 =	simm.s32 $0xE00;
	v24 =	vld.idx.msk [tilespmem:v10+s6+$0x0], $0xffff;
	[tilespmem:v2+s22+$0x0] =	vst.idx.msk $0xffff, v1;
	v1 =	vor.u32 s8, v21;
	v2 =	vand.u32 v51, v9;
	v9 =	vor.u32 $0x1, v32  }
0x399: {  	[tilespmem:v7+s22+$0x0] =	vst.idx.msk $0xffff, v4;
	v4 =	vor.u32 $0x1, v29;
	v7 =	vor.u32 s14, v21;
	v1 =	vand.u32 v55, v1;
	v0 =	vld.idx.msk [tilespmem:v0+s6+$0x0], $0xffff  }
0x39a: {  	[tilespmem:v13+s22+$0x0] =	vst.idx.msk $0xffff, v5;
	v5 =	vor.u32 $0x1, v30;
	v7 =	vand.u32 v53, v7;
	v10 =	vld.idx.msk [tilespmem:v52+s6+$0x0], $0xffff  }
0x39b: {  	v6 =	vld.idx.msk [tilespmem:v6+s6+$0x0], $0xffff;
	[tilespmem:v8+s22+$0x0] =	vst.idx.msk $0xffff, v3;
	v3 =	vor.u32 $0x1, v27;
	v8 =	vor.u32 s0, v46  }
0x39c: {  	v13 =	vor.u32 s2, v46;
	[tilespmem:v14+s22+$0x0] =	vst.idx.msk $0xffff, v12;
	v12 =	vor.u32 $0x2, v26;
	v14 =	vld.idx.msk [tilespmem:v15+s6+$0x0], $0xffff  }
0x39d: {  	[tilespmem:v2+s22+$0x0] =	vst.idx.msk $0xffff, v11;
	v2 =	vor.u32 $0x2, v31;
	v9 =	vld.idx.msk [tilespmem:v9+s6+$0x0], $0xffff;
	v11 =	vor.u32 s29, v45  }
0x39e: {  	v15 =	vor.u32 $0x3, v33;
	[tilespmem:v1+s22+$0x0] =	vst.idx.msk $0xffff, v49;
	v1 =	vor.u32 s7, v46;
	v4 =	vld.idx.msk [tilespmem:v4+s6+$0x0], $0xffff  }
0x39f: {  	v58 =	vor.u32 $0x2, v32;
	[tilespmem:v7+s22+$0x0] =	vst.idx.msk $0xffff, v56;
	v7 =	vor.u32 s3, v46;
	v5 =	vld.idx.msk [tilespmem:v5+s6+$0x0], $0xffff  }
0x3a0: {  	[tilespmem:v8+s22+$0x0] =	vst.idx.msk $0xffff, v0;
	v0 =	vor.u32 $0x2, v28;
	v8 =	vor.u32 s13, v46;
	v3 =	vld.idx.msk [tilespmem:v3+s6+$0x0], $0xffff  }
0x3a1: {  	[tilespmem:v13+s22+$0x0] =	vst.idx.msk $0xffff, v10;
	v10 =	vor.u32 s8, v46;
	v13 =	vor.u32 $0x2, v29;
	v12 =	vld.idx.msk [tilespmem:v12+s6+$0x0], $0xffff  }
0x3a2: {  	[tilespmem:v11+s22+$0x0] =	vst.idx.msk $0xffff, v14;
	v11 =	vor.u32 s14, v46;
	v14 =	vor.u32 $0x2, v30;
	v2 =	vld.idx.msk [tilespmem:v2+s6+$0x0], $0xffff  }
0x3a3: {  	[tilespmem:v1+s22+$0x0] =	vst.idx.msk $0xffff, v9;
	v1 =	vor.u32 $0x2, v27;
	v9 =	vor.u32 s0, v45;
	v15 =	vld.idx.msk [tilespmem:v15+s6+$0x0], $0xffff  }
0x3a4: {  	v59 =	vor.u32 s29, v54;
	[tilespmem:v7+s22+$0x0] =	vst.idx.msk $0xffff, v6;
	v6 =	vor.u32 $0x3, v26;
	v7 =	vld.idx.msk [tilespmem:v58+s6+$0x0], $0xffff  }
0x3a5: {  	[tilespmem:v8+s22+$0x0] =	vst.idx.msk $0xffff, v4;
	v4 =	vor.u32 s7, v45;
	v0 =	vld.idx.msk [tilespmem:v0+s6+$0x0], $0xffff;
	v8 =	vor.u32 $0x4, v33  }
0x3a6: {  	[tilespmem:v10+s22+$0x0] =	vst.idx.msk $0xffff, v5;
	v5 =	vor.u32 $0x3, v32;
	v10 =	vor.u32 s2, v45;
	v13 =	vld.idx.msk [tilespmem:v13+s6+$0x0], $0xffff  }
0x3a7: {  	[tilespmem:v11+s22+$0x0] =	vst.idx.msk $0xffff, v3;
	v3 =	vor.u32 s3, v45;
	v11 =	vor.u32 $0x3, v31;
	v14 =	vld.idx.msk [tilespmem:v14+s6+$0x0], $0xffff  }
0x3a8: {  	[tilespmem:v9+s22+$0x0] =	vst.idx.msk $0xffff, v12;
	v9 =	vor.u32 s13, v45;
	v12 =	vor.u32 $0x3, v28;
	v1 =	vld.idx.msk [tilespmem:v1+s6+$0x0], $0xffff  }
0x3a9: {  	v60 =	vor.u32 $0x3, v29;
	[tilespmem:v59+s22+$0x0] =	vst.idx.msk $0xffff, v15;
	v15 =	vor.u32 s8, v45;
	v6 =	vld.idx.msk [tilespmem:v6+s6+$0x0], $0xffff  }
0x3aa: {  	[tilespmem:v4+s22+$0x0] =	vst.idx.msk $0xffff, v7;
	v4 =	vor.u32 s14, v45;
	v7 =	vor.u32 $0x3, v30;
	v8 =	vld.idx.msk [tilespmem:v8+s6+$0x0], $0xffff  }
0x3ab: {  	[tilespmem:v10+s22+$0x0] =	vst.idx.msk $0xffff, v2;
	v2 =	vor.u32 $0x3, v27;
	v10 =	vor.u32 s29, v20;
	v5 =	vld.idx.msk [tilespmem:v5+s6+$0x0], $0xffff  }
0x3ac: {  	[tilespmem:v3+s22+$0x0] =	vst.idx.msk $0xffff, v0;
	v0 =	vor.u32 s7, v54;
	v3 =	vld.idx.msk [tilespmem:v11+s6+$0x0], $0xffff;
	v11 =	vor.u32 $0x5, v33  }
0x3ad: {  	[tilespmem:v9+s22+$0x0] =	vst.idx.msk $0xffff, v13;
	v9 =	vor.u32 $0x4, v32;
	v13 =	vor.u32 s0, v54;
	v12 =	vld.idx.msk [tilespmem:v12+s6+$0x0], $0xffff  }
0x3ae: {  	[tilespmem:v15+s22+$0x0] =	vst.idx.msk $0xffff, v14;
	v14 =	vor.u32 $0x4, v26;
	v15 =	vor.u32 s2, v54;
	v16 =	vld.idx.msk [tilespmem:v60+s6+$0x0], $0xffff  }
0x3af: {  	[tilespmem:v4+s22+$0x0] =	vst.idx.msk $0xffff, v1;
	v1 =	vor.u32 s3, v54;
	v4 =	vor.u32 $0x4, v31;
	v7 =	vld.idx.msk [tilespmem:v7+s6+$0x0], $0xffff  }
0x3b0: {  	[tilespmem:v10+s22+$0x0] =	vst.idx.msk $0xffff, v8;
	v8 =	vor.u32 s13, v54;
	v10 =	vor.u32 $0x4, v28;
	v2 =	vld.idx.msk [tilespmem:v2+s6+$0x0], $0xffff  }
0x3b1: {  	[tilespmem:v0+s22+$0x0] =	vst.idx.msk $0xffff, v5;
	v0 =	vor.u32 s8, v54;
	v5 =	vor.u32 $0x4, v29;
	v11 =	vld.idx.msk [tilespmem:v11+s6+$0x0], $0xffff  }
0x3b2: {  	[tilespmem:v13+s22+$0x0] =	vst.idx.msk $0xffff, v6;
	v6 =	vor.u32 $0x4, v30;
	v9 =	vld.idx.msk [tilespmem:v9+s6+$0x0], $0xffff;
	v13 =	vor.u32 s29, v23  }
0x3b3: {  	[tilespmem:v15+s22+$0x0] =	vst.idx.msk $0xffff, v3;
	v3 =	vor.u32 s14, v54;
	v15 =	vor.u32 $0x6, v33;
	v14 =	vld.idx.msk [tilespmem:v14+s6+$0x0], $0xffff  }
0x3b4: {  	[tilespmem:v1+s22+$0x0] =	vst.idx.msk $0xffff, v12;
	v1 =	vor.u32 $0x4, v27;
	v12 =	vor.u32 s7, v20;
	v4 =	vld.idx.msk [tilespmem:v4+s6+$0x0], $0xffff  }
0x3b5: {  	v61 =	vor.u32 $0x5, v32;
	[tilespmem:v8+s22+$0x0] =	vst.idx.msk $0xffff, v16;
	v8 =	vor.u32 s0, v20;
	v10 =	vld.idx.msk [tilespmem:v10+s6+$0x0], $0xffff  }
0x3b6: {  	[tilespmem:v0+s22+$0x0] =	vst.idx.msk $0xffff, v7;
	v0 =	vor.u32 s2, v20;
	v7 =	vor.u32 $0x5, v26;
	v5 =	vld.idx.msk [tilespmem:v5+s6+$0x0], $0xffff  }
0x3b7: {  	[tilespmem:v13+s22+$0x0] =	vst.idx.msk $0xffff, v11;
	v11 =	vor.u32 s3, v20;
	v13 =	vor.u32 $0x5, v31;
	v6 =	vld.idx.msk [tilespmem:v6+s6+$0x0], $0xffff  }
0x3b8: {  	[tilespmem:v3+s22+$0x0] =	vst.idx.msk $0xffff, v2;
	v2 =	vor.u32 s13, v20;
	v3 =	vor.u32 $0x5, v28;
	v15 =	vld.idx.msk [tilespmem:v15+s6+$0x0], $0xffff  }
0x3b9: {  	[tilespmem:v12+s22+$0x0] =	vst.idx.msk $0xffff, v9;
	v9 =	vor.u32 $0x5, v29;
	v1 =	vld.idx.msk [tilespmem:v1+s6+$0x0], $0xffff;
	v12 =	vor.u32 s29, v34  }
0x3ba: {  	v62 =	vor.u32 $0x7, v33;
	[tilespmem:v8+s22+$0x0] =	vst.idx.msk $0xffff, v14;
	v8 =	vor.u32 s8, v20;
	v14 =	vld.idx.msk [tilespmem:v61+s6+$0x0], $0xffff  }
0x3bb: {  	[tilespmem:v0+s22+$0x0] =	vst.idx.msk $0xffff, v4;
	v0 =	vor.u32 s14, v20;
	v4 =	vor.u32 $0x5, v30;
	v7 =	vld.idx.msk [tilespmem:v7+s6+$0x0], $0xffff  }
0x3bc: {  	[tilespmem:v11+s22+$0x0] =	vst.idx.msk $0xffff, v10;
	v10 =	vor.u32 $0x5, v27;
	v11 =	vor.u32 s7, v23;
	v13 =	vld.idx.msk [tilespmem:v13+s6+$0x0], $0xffff  }
0x3bd: {  	[tilespmem:v2+s22+$0x0] =	vst.idx.msk $0xffff, v5;
	v2 =	vor.u32 $0x6, v32;
	v5 =	vor.u32 s0, v23;
	v3 =	vld.idx.msk [tilespmem:v3+s6+$0x0], $0xffff  }
0x3be: {  	[tilespmem:v12+s22+$0x0] =	vst.idx.msk $0xffff, v15;
	v12 =	vor.u32 $0x6, v26;
	v15 =	vor.u32 s2, v23;
	v9 =	vld.idx.msk [tilespmem:v9+s6+$0x0], $0xffff  }
0x3bf: {  	[tilespmem:v8+s22+$0x0] =	vst.idx.msk $0xffff, v6;
	v6 =	vor.u32 s3, v23;
	v8 =	vor.u32 $0x6, v31;
	v16 =	vld.idx.msk [tilespmem:v62+s6+$0x0], $0xffff  }
0x3c0: {  	[tilespmem:v0+s22+$0x0] =	vst.idx.msk $0xffff, v1;
	v0 =	vor.u32 $0x6, v28;
	v1 =	vld.idx.msk [tilespmem:v4+s6+$0x0], $0xffff;
	v4 =	vor.u32 s29, v35  }
0x3c1: {  	[tilespmem:v11+s22+$0x0] =	vst.idx.msk $0xffff, v14;
	v11 =	vor.u32 s13, v23;
	v10 =	vld.idx.msk [tilespmem:v10+s6+$0x0], $0xffff;
	v14 =	vor.u32 $0x8, v33  }
0x3c2: {  	[tilespmem:v5+s22+$0x0] =	vst.idx.msk $0xffff, v7;
	v5 =	vor.u32 s8, v23;
	v7 =	vor.u32 $0x6, v29;
	v2 =	vld.idx.msk [tilespmem:v2+s6+$0x0], $0xffff  }
0x3c3: {  	[tilespmem:v15+s22+$0x0] =	vst.idx.msk $0xffff, v13;
	v13 =	vor.u32 s14, v23;
	v15 =	vor.u32 $0x6, v30;
	v12 =	vld.idx.msk [tilespmem:v12+s6+$0x0], $0xffff  }
0x3c4: {  	[tilespmem:v6+s22+$0x0] =	vst.idx.msk $0xffff, v3;
	v3 =	vor.u32 s7, v34;
	v6 =	vor.u32 $0x6, v27;
	v8 =	vld.idx.msk [tilespmem:v8+s6+$0x0], $0xffff  }
0x3c5: {  	v63 =	vor.u32 $0x7, v32;
	[tilespmem:v4+s22+$0x0] =	vst.idx.msk $0xffff, v16;
	v4 =	vor.u32 s0, v34;
	v0 =	vld.idx.msk [tilespmem:v0+s6+$0x0], $0xffff  }
0x3c6: {  	[tilespmem:v11+s22+$0x0] =	vst.idx.msk $0xffff, v9;
	v9 =	vor.u32 s2, v34;
	v11 =	vor.u32 $0x7, v26;
	v14 =	vld.idx.msk [tilespmem:v14+s6+$0x0], $0xffff  }
0x3c7: {  	[tilespmem:v5+s22+$0x0] =	vst.idx.msk $0xffff, v1;
	v1 =	vor.u32 $0x7, v31;
	v5 =	vld.idx.msk [tilespmem:v7+s6+$0x0], $0xffff;
	v7 =	vor.u32 s29, v36  }
0x3c8: {  	[tilespmem:v13+s22+$0x0] =	vst.idx.msk $0xffff, v10;
	v10 =	vor.u32 s3, v34;
	v13 =	vld.idx.msk [tilespmem:v15+s6+$0x0], $0xffff;
	v15 =	vor.u32 $0x9, v33  }
0x3c9: {  	[tilespmem:v3+s22+$0x0] =	vst.idx.msk $0xffff, v2;
	v2 =	vor.u32 s13, v34;
	v3 =	vor.u32 $0x7, v28;
	v6 =	vld.idx.msk [tilespmem:v6+s6+$0x0], $0xffff  }
0x3ca: {  	[tilespmem:v4+s22+$0x0] =	vst.idx.msk $0xffff, v12;
	v4 =	vor.u32 s8, v34;
	v12 =	vor.u32 $0x7, v29;
	v16 =	vld.idx.msk [tilespmem:v63+s6+$0x0], $0xffff  }
0x3cb: {  	[tilespmem:v9+s22+$0x0] =	vst.idx.msk $0xffff, v8;
	v8 =	vor.u32 s14, v34;
	v9 =	vor.u32 $0x7, v30;
	v11 =	vld.idx.msk [tilespmem:v11+s6+$0x0], $0xffff  }
0x3cc: {  	[tilespmem:v7+s22+$0x0] =	vst.idx.msk $0xffff, v14;
	v7 =	vor.u32 s7, v35;
	v14 =	vor.u32 $0x7, v27;
	v1 =	vld.idx.msk [tilespmem:v1+s6+$0x0], $0xffff  }
0x3cd: {  	[tilespmem:v10+s22+$0x0] =	vst.idx.msk $0xffff, v0;
	v0 =	vor.u32 $0x8, v32;
	v10 =	vor.u32 s0, v35;
	v15 =	vld.idx.msk [tilespmem:v15+s6+$0x0], $0xffff  }
0x3ce: {  	[tilespmem:v2+s22+$0x0] =	vst.idx.msk $0xffff, v5;
	v2 =	vor.u32 $0x8, v26;
	v5 =	vor.u32 s29, v37;
	v3 =	vld.idx.msk [tilespmem:v3+s6+$0x0], $0xffff  }
0x3cf: {  	[tilespmem:v4+s22+$0x0] =	vst.idx.msk $0xffff, v13;
	v4 =	vor.u32 s2, v35;
	v12 =	vld.idx.msk [tilespmem:v12+s6+$0x0], $0xffff;
	v13 =	vor.u32 $0xA, v33  }
0x3d0: {  	[tilespmem:v8+s22+$0x0] =	vst.idx.msk $0xffff, v6;
	v6 =	vor.u32 s3, v35;
	v8 =	vor.u32 $0x8, v31;
	v9 =	vld.idx.msk [tilespmem:v9+s6+$0x0], $0xffff  }
0x3d1: {  	v44 =	vor.u32 $0x8, v28;
	[tilespmem:v7+s22+$0x0] =	vst.idx.msk $0xffff, v16;
	v7 =	vor.u32 s13, v35;
	v14 =	vld.idx.msk [tilespmem:v14+s6+$0x0], $0xffff  }
0x3d2: {  	[tilespmem:v10+s22+$0x0] =	vst.idx.msk $0xffff, v11;
	v10 =	vor.u32 s8, v35;
	v11 =	vor.u32 $0x8, v29;
	v0 =	vld.idx.msk [tilespmem:v0+s6+$0x0], $0xffff  }
0x3d3: {  	[tilespmem:v5+s22+$0x0] =	vst.idx.msk $0xffff, v15;
	v5 =	vor.u32 s14, v35;
	v15 =	vor.u32 $0x8, v30;
	v2 =	vld.idx.msk [tilespmem:v2+s6+$0x0], $0xffff  }
0x3d4: {  	[tilespmem:v4+s22+$0x0] =	vst.idx.msk $0xffff, v1;
	v1 =	vor.u32 s7, v36;
	v4 =	vor.u32 $0x8, v27;
	v13 =	vld.idx.msk [tilespmem:v13+s6+$0x0], $0xffff  }
0x3d5: {  	[tilespmem:v6+s22+$0x0] =	vst.idx.msk $0xffff, v3;
	v3 =	vor.u32 $0x9, v32;
	v6 =	vld.idx.msk [tilespmem:v8+s6+$0x0], $0xffff;
	v8 =	vor.u32 s29, v38  }
0x3d6: {  	v49 =	vor.u32 $0xB, v33;
	[tilespmem:v7+s22+$0x0] =	vst.idx.msk $0xffff, v12;
	v7 =	vor.u32 s0, v36;
	v12 =	vld.idx.msk [tilespmem:v44+s6+$0x0], $0xffff  }
0x3d7: {  	[tilespmem:v10+s22+$0x0] =	vst.idx.msk $0xffff, v9;
	v9 =	vor.u32 s2, v36;
	v10 =	vor.u32 $0x9, v26;
	v11 =	vld.idx.msk [tilespmem:v11+s6+$0x0], $0xffff  }
0x3d8: {  	[tilespmem:v5+s22+$0x0] =	vst.idx.msk $0xffff, v14;
	v5 =	vor.u32 s3, v36;
	v14 =	vor.u32 $0x9, v31;
	v15 =	vld.idx.msk [tilespmem:v15+s6+$0x0], $0xffff  }
0x3d9: {  	[tilespmem:v1+s22+$0x0] =	vst.idx.msk $0xffff, v0;
	v0 =	vor.u32 s13, v36;
	v1 =	vor.u32 $0x9, v28;
	v4 =	vld.idx.msk [tilespmem:v4+s6+$0x0], $0xffff  }
0x3da: {  	[tilespmem:v8+s22+$0x0] =	vst.idx.msk $0xffff, v13;
	v8 =	vor.u32 s8, v36;
	v13 =	vor.u32 $0x9, v29;
	v3 =	vld.idx.msk [tilespmem:v3+s6+$0x0], $0xffff  }
0x3db: {  	[tilespmem:v7+s22+$0x0] =	vst.idx.msk $0xffff, v2;
	v2 =	vor.u32 s14, v36;
	v7 =	vor.u32 $0x9, v30;
	v16 =	vld.idx.msk [tilespmem:v49+s6+$0x0], $0xffff  }
0x3dc: {  	[tilespmem:v9+s22+$0x0] =	vst.idx.msk $0xffff, v6;
	v6 =	vor.u32 $0x9, v27;
	v9 =	vld.idx.msk [tilespmem:v10+s6+$0x0], $0xffff;
	v10 =	vor.u32 s29, v39  }
0x3dd: {  	[tilespmem:v5+s22+$0x0] =	vst.idx.msk $0xffff, v12;
	v5 =	vor.u32 s7, v37;
	v12 =	vld.idx.msk [tilespmem:v14+s6+$0x0], $0xffff;
	v14 =	vor.u32 $0xC, v33  }
0x3de: {  	[tilespmem:v0+s22+$0x0] =	vst.idx.msk $0xffff, v11;
	v0 =	vor.u32 $0xA, v32;
	v11 =	vor.u32 s0, v37;
	v1 =	vld.idx.msk [tilespmem:v1+s6+$0x0], $0xffff  }
0x3df: {  	[tilespmem:v8+s22+$0x0] =	vst.idx.msk $0xffff, v15;
	v8 =	vor.u32 s2, v37;
	v15 =	vor.u32 $0xA, v26;
	v13 =	vld.idx.msk [tilespmem:v13+s6+$0x0], $0xffff  }
0x3e0: {  	[tilespmem:v2+s22+$0x0] =	vst.idx.msk $0xffff, v4;
	v2 =	vor.u32 s3, v37;
	v4 =	vor.u32 $0xA, v31;
	v7 =	vld.idx.msk [tilespmem:v7+s6+$0x0], $0xffff  }
0x3e1: {  	v52 =	vor.u32 $0xA, v28;
	[tilespmem:v10+s22+$0x0] =	vst.idx.msk $0xffff, v16;
	v10 =	vor.u32 s13, v37;
	v6 =	vld.idx.msk [tilespmem:v6+s6+$0x0], $0xffff  }
0x3e2: {  	[tilespmem:v5+s22+$0x0] =	vst.idx.msk $0xffff, v3;
	v3 =	vor.u32 s8, v37;
	v5 =	vor.u32 $0xA, v29;
	v14 =	vld.idx.msk [tilespmem:v14+s6+$0x0], $0xffff  }
0x3e3: {  	[tilespmem:v11+s22+$0x0] =	vst.idx.msk $0xffff, v9;
	v9 =	vor.u32 $0xA, v30;
	v0 =	vld.idx.msk [tilespmem:v0+s6+$0x0], $0xffff;
	v11 =	vor.u32 s29, v41  }
0x3e4: {  	[tilespmem:v8+s22+$0x0] =	vst.idx.msk $0xffff, v12;
	v8 =	vor.u32 s14, v37;
	v12 =	vld.idx.msk [tilespmem:v15+s6+$0x0], $0xffff;
	v15 =	vor.u32 $0xD, v33  }
0x3e5: {  	[tilespmem:v2+s22+$0x0] =	vst.idx.msk $0xffff, v1;
	v1 =	vor.u32 $0xA, v27;
	v2 =	vor.u32 s7, v38;
	v4 =	vld.idx.msk [tilespmem:v4+s6+$0x0], $0xffff  }
0x3e6: {  	v16 =	vld.idx.msk [tilespmem:v52+s6+$0x0], $0xffff;
	[tilespmem:v10+s22+$0x0] =	vst.idx.msk $0xffff, v13;
	v10 =	vor.u32 $0xB, v32;
	v13 =	vor.u32 s0, v38  }
0x3e7: {  	[tilespmem:v3+s22+$0x0] =	vst.idx.msk $0xffff, v7;
	v3 =	vor.u32 $0xB, v26;
	v7 =	vor.u32 s2, v38;
	v5 =	vld.idx.msk [tilespmem:v5+s6+$0x0], $0xffff  }
0x3e8: {  	[tilespmem:v11+s22+$0x0] =	vst.idx.msk $0xffff, v14;
	v11 =	vor.u32 s3, v38;
	v14 =	vor.u32 $0xB, v31;
	v9 =	vld.idx.msk [tilespmem:v9+s6+$0x0], $0xffff  }
0x3e9: {  	[tilespmem:v8+s22+$0x0] =	vst.idx.msk $0xffff, v6;
	v6 =	vor.u32 s13, v38;
	v8 =	vor.u32 $0xB, v28;
	v15 =	vld.idx.msk [tilespmem:v15+s6+$0x0], $0xffff  }
0x3ea: {  	[tilespmem:v2+s22+$0x0] =	vst.idx.msk $0xffff, v0;
	v0 =	vor.u32 $0xB, v29;
	v1 =	vld.idx.msk [tilespmem:v1+s6+$0x0], $0xffff;
	v2 =	vor.u32 s29, v40  }
0x3eb: {  	[tilespmem:v13+s22+$0x0] =	vst.idx.msk $0xffff, v12;
	v12 =	vor.u32 s8, v38;
	v10 =	vld.idx.msk [tilespmem:v10+s6+$0x0], $0xffff;
	v13 =	vor.u32 $0xE, v33  }
0x3ec: {  	[tilespmem:v7+s22+$0x0] =	vst.idx.msk $0xffff, v4;
	v4 =	vor.u32 s14, v38;
	v7 =	vor.u32 $0xB, v30;
	v3 =	vld.idx.msk [tilespmem:v3+s6+$0x0], $0xffff  }
0x3ed: {  	v56 =	vor.u32 $0xB, v27;
	[tilespmem:v11+s22+$0x0] =	vst.idx.msk $0xffff, v16;
	v11 =	vor.u32 s7, v39;
	v14 =	vld.idx.msk [tilespmem:v14+s6+$0x0], $0xffff  }
0x3ee: {  	[tilespmem:v6+s22+$0x0] =	vst.idx.msk $0xffff, v5;
	v5 =	vor.u32 s0, v39;
	v6 =	vor.u32 $0xC, v32;
	v8 =	vld.idx.msk [tilespmem:v8+s6+$0x0], $0xffff  }
0x3ef: {  	[tilespmem:v2+s22+$0x0] =	vst.idx.msk $0xffff, v15;
	v2 =	vor.u32 s2, v39;
	v15 =	vor.u32 $0xC, v26;
	v0 =	vld.idx.msk [tilespmem:v0+s6+$0x0], $0xffff  }
0x3f0: {  	[tilespmem:v12+s22+$0x0] =	vst.idx.msk $0xffff, v9;
	v9 =	vor.u32 s3, v39;
	v12 =	vor.u32 $0xC, v31;
	v13 =	vld.idx.msk [tilespmem:v13+s6+$0x0], $0xffff  }
0x3f1: {  	[tilespmem:v4+s22+$0x0] =	vst.idx.msk $0xffff, v1;
	v1 =	vor.u32 $0xC, v28;
	v4 =	vld.idx.msk [tilespmem:v7+s6+$0x0], $0xffff;
	v7 =	vor.u32 s29, v42  }
0x3f2: {  	v58 =	vor.u32 $0xF, v33;
	[tilespmem:v11+s22+$0x0] =	vst.idx.msk $0xffff, v10;
	v10 =	vor.u32 s13, v39;
	v11 =	vld.idx.msk [tilespmem:v56+s6+$0x0], $0xffff  }
0x3f3: {  	[tilespmem:v5+s22+$0x0] =	vst.idx.msk $0xffff, v3;
	v3 =	vor.u32 s8, v39;
	v5 =	vor.u32 $0xC, v29;
	v6 =	vld.idx.msk [tilespmem:v6+s6+$0x0], $0xffff  }
0x3f4: {  	[tilespmem:v2+s22+$0x0] =	vst.idx.msk $0xffff, v14;
	v2 =	vor.u32 s14, v39;
	v14 =	vor.u32 $0xC, v30;
	v15 =	vld.idx.msk [tilespmem:v15+s6+$0x0], $0xffff  }
0x3f5: {  	[tilespmem:v9+s22+$0x0] =	vst.idx.msk $0xffff, v8;
	v8 =	vor.u32 $0xC, v27;
	v9 =	vor.u32 s7, v41;
	v12 =	vld.idx.msk [tilespmem:v12+s6+$0x0], $0xffff  }
0x3f6: {  	[tilespmem:v7+s22+$0x0] =	vst.idx.msk $0xffff, v13;
	v7 =	vor.u32 $0xD, v32;
	v13 =	vor.u32 s0, v41;
	v1 =	vld.idx.msk [tilespmem:v1+s6+$0x0], $0xffff  }
0x3f7: {  	[tilespmem:v10+s22+$0x0] =	vst.idx.msk $0xffff, v0;
	v0 =	vor.u32 s2, v41;
	v10 =	vor.u32 $0xD, v26;
	v16 =	vld.idx.msk [tilespmem:v58+s6+$0x0], $0xffff  }
0x3f8: {  	[tilespmem:v3+s22+$0x0] =	vst.idx.msk $0xffff, v4;
	v3 =	vor.u32 $0xD, v31;
	v4 =	vld.idx.msk [tilespmem:v5+s6+$0x0], $0xffff;
	v5 =	vor.u32 s29, v43  }
0x3f9: {  	[tilespmem:v2+s22+$0x0] =	vst.idx.msk $0xffff, v11;
	v2 =	vor.u32 $0xF, v25;
	v11 =	vor.u32 s3, v41;
	v59 =	vld.idx.msk [tilespmem:v14+s6+$0x0], $0xffff  }
0x3fa: {  	[tilespmem:v9+s22+$0x0] =	vst.idx.msk $0xffff, v6;
	v6 =	vor.u32 s13, v41;
	v9 =	vor.u32 $0xD, v28;
	v8 =	vld.idx.msk [tilespmem:v8+s6+$0x0], $0xffff  }
0x3fb: {  	[tilespmem:v13+s22+$0x0] =	vst.idx.msk $0xffff, v15;
	v13 =	vor.u32 s8, v41;
	v15 =	vor.u32 $0xD, v29;
	v7 =	vld.idx.msk [tilespmem:v7+s6+$0x0], $0xffff  }
0x3fc: {  	[tilespmem:v0+s22+$0x0] =	vst.idx.msk $0xffff, v12;
	v0 =	vor.u32 s14, v41;
	v12 =	vor.u32 $0xD, v30;
	v10 =	vld.idx.msk [tilespmem:v10+s6+$0x0], $0xffff  }
0x3fd: {  	v60 =	vor.u32 $0xD, v27;
	[tilespmem:v5+s22+$0x0] =	vst.idx.msk $0xffff, v16;
	v5 =	vor.u32 s7, v40;
	v3 =	vld.idx.msk [tilespmem:v3+s6+$0x0], $0xffff  }
0x3fe: {  	[tilespmem:v11+s22+$0x0] =	vst.idx.msk $0xffff, v1;
	v1 =	vor.u32 s0, v40;
	v11 =	vor.u32 $0xE, v32;
	v14 =	vld.idx.msk [tilespmem:v2+s6+$0x0], $0xffff  }
0x3ff: {  	v2 =	vor.u32 s2, v40;
	[tilespmem:v6+s22+$0x0] =	vst.idx.msk $0xffff, v4;
	v4 =	vor.u32 $0xE, v26;
	v6 =	vld.idx.msk [tilespmem:v9+s6+$0x0], $0xffff  }
0x400: {  	v9 =	vor.u32 s3, v40;
	[tilespmem:v13+s22+$0x0] =	vst.idx.msk $0xffff, v59;
	v13 =	vor.u32 $0xE, v31;
	v15 =	vld.idx.msk [tilespmem:v15+s6+$0x0], $0xffff  }
0x401: {  	[tilespmem:v0+s22+$0x0] =	vst.idx.msk $0xffff, v8;
	v0 =	vor.u32 s13, v40;
	v8 =	vor.u32 $0xE, v28;
	v12 =	vld.idx.msk [tilespmem:v12+s6+$0x0], $0xffff  }
0x402: {  	[tilespmem:v5+s22+$0x0] =	vst.idx.msk $0xffff, v7;
	v5 =	vor.u32 s8, v40;
	v7 =	vor.u32 $0xE, v29;
	v16 =	vld.idx.msk [tilespmem:v60+s6+$0x0], $0xffff  }
0x403: {  	[tilespmem:v1+s22+$0x0] =	vst.idx.msk $0xffff, v10;
	v1 =	vor.u32 s14, v40;
	v10 =	vor.u32 $0xE, v30;
	v11 =	vld.idx.msk [tilespmem:v11+s6+$0x0], $0xffff  }
0x404: {  	[tilespmem:v2+s22+$0x0] =	vst.idx.msk $0xffff, v3;
	v2 =	vor.u32 s7, v42;
	v3 =	vor.u32 $0xE, v27;
	v61 =	vld.idx.msk [tilespmem:v4+s6+$0x0], $0xffff  }
0x405: {  	v62 =	vor.u32 s0, v42;
	[tilespmem:v9+s22+$0x0] =	vst.idx.msk $0xffff, v6;
	v9 =	vor.u32 $0xF, v32;
	v13 =	vld.idx.msk [tilespmem:v13+s6+$0x0], $0xffff  }
0x406: {  	v63 =	vor.u32 $0xF, v26;
	[tilespmem:v0+s22+$0x0] =	vst.idx.msk $0xffff, v15;
	v15 =	vor.u32 s2, v42;
	v8 =	vld.idx.msk [tilespmem:v8+s6+$0x0], $0xffff  }
0x407: {  	v20 =	vor.u32 $0xF, v31;
	v49 =	vor.u32 s14, v42;
	[tilespmem:v5+s22+$0x0] =	vst.idx.msk $0xffff, v12;
	v12 =	vor.u32 s3, v42;
	v4 =	vld.idx.msk [tilespmem:v7+s6+$0x0], $0xffff  }
0x408: {  	v37 =	vor.u32 s13, v43;
	v38 =	vor.u32 s3, v43;
	v56 =	vor.u32 s13, v42;
	[tilespmem:v1+s22+$0x0] =	vst.idx.msk $0xffff, v16;
	v5 =	vld.idx.msk [tilespmem:v10+s6+$0x0], $0xffff  }
0x409: {  	v35 =	vor.u32 $0xF, v29;
	v25 =	vor.u32 s30, v43;
	v26 =	vor.u32 s31, v43;
	[tilespmem:v2+s22+$0x0] =	vst.idx.msk $0xffff, v11;
	v6 =	vld.idx.msk [tilespmem:v3+s6+$0x0], $0xffff  }
0x40a: {  	v39 =	vor.u32 $0xF, v28;
	v31 =	vor.u32 s8, v42;
	v29 =	vor.u32 s0, v43;
	[tilespmem:v62+s22+$0x0] =	vst.idx.msk $0xffff, v61;
	v9 =	vld.idx.msk [tilespmem:v9+s6+$0x0], $0xffff  }
0x40b: {  	v59 =	vor.u32 $0xF, v30;
	v32 =	vor.u32 s7, v43;
	v0 =	vor.u32 s2, v43;
	[tilespmem:v15+s22+$0x0] =	vst.idx.msk $0xffff, v13;
	v2 =	vld.idx.msk [tilespmem:v63+s6+$0x0], $0xffff  }
0x40c: {  	s30 =	simm.s32 $0x8;
	s31 =	simm.s32 $0x1140;
	v30 =	vor.u32 $0xF, v27;
	v10 =	vor.u32 s14, v43;
	v3 =	vor.u32 s8, v43;
	[tilespmem:v12+s22+$0x0] =	vst.idx.msk $0xffff, v8;
	v1 =	vld.idx.msk [tilespmem:v20+s6+$0x0], $0xffff  }
.LBB2_9:
0x40d: {  	v7 =	vld [tilespmem:s31+$0x30]  }
0x40e: {  	[tilespmem:v56+s22+$0x0] =	vst.idx.msk $0xffff, v4;
	v4 =	vld [tilespmem:s31+$0xFFFFFFD0]  }
0x40f: {  	[tilespmem:v31+s22+$0x0] =	vst.idx.msk $0xffff, v5;
	v5 =	vld [tilespmem:s31+$0xFFFFFFE0]  }
0x410: {  	[tilespmem:v49+s22+$0x0] =	vst.idx.msk $0xffff, v6;
	v6 =	vld [tilespmem:s31+$0xFFFFFFF0]  }
0x411: {  	[tilespmem:v32+s22+$0x0] =	vst.idx.msk $0xffff, v9;
	v8 =	vld [tilespmem:s31+$0x0]  }
0x412: {  	s29 =	sadd.s32 $0x800, s29;
	[tilespmem:v29+s22+$0x0] =	vst.idx.msk $0xffff, v2;
	v2 =	vld [tilespmem:s31+$0x10]  }
0x413: {  	s2 =	sadd.s32 $0xFFFFF900, s29;
	[tilespmem:v0+s22+$0x0] =	vst.idx.msk $0xffff, v1;
	v1 =	vld [tilespmem:s31+$0x20]  }
0x414: {  	v9 =	vmov v3;
	v13 =	vor.u32 s2, v21;
	v28 =	vshll.u32 v7, $0x4;
	v3 =	vld [tilespmem:s31+$0xFFFFFFC0]  }
0x415: {  	[tilespmem:v25+s22+$0x0] =	vst.idx.msk $0xffff, v24;
	v13 =	vand.u32 v22, v13;
	v22 =	vld [tilespmem:$0x1FE80];
	v29 =	vshll.u32 v4, $0x4  }
0x416: {  	v36 =	vld.idx.msk [tilespmem:v59+s6+$0x0], $0xffff;
	v31 =	vshll.u32 v5, $0x4  }
0x417: {  	[tilespmem:$0x1F990] =	vst v30;
	v30 =	vshll.u32 v6, $0x4;
	v6 =	vld.idx.msk [tilespmem:v39+s6+$0x0], $0xffff  }
0x418: {  	v32 =	vshll.u32 v8, $0x4;
	v8 =	vld.idx.msk [tilespmem:v35+s6+$0x0], $0xffff  }
0x419: {  	s3 =	sadd.s32 $0xFFFFFA00, s29;
	v0 =	vmovc v10;
	[tilespmem:$0x1F9D0] =	vst v9;
	v33 =	vshll.u32 v2, $0x4;
	v2 =	vor.u32 s29, v21;
	v12 =	vld.idx.msk [tilespmem:v28+s6+$0x0], $0xffff;
	v35 =	vshll.u32 v3, $0x4  }
0x41a: {  	s0 =	sadd.s32 $0xFFFFFB00, s29;
	[tilespmem:v26+s22+$0x0] =	vst.idx.msk $0xffff, v14;
	v34 =	vshll.u32 v1, $0x4;
	v1 =	vand.u32 v57, v2;
	v2 =	vor.u32 s3, v21;
	v14 =	vld.idx.msk [tilespmem:v29+s6+$0x0], $0xffff  }
0x41b: {  	s14 =	sadd.s32 $0xFFFFFC00, s29;
	v16 =	vor.u32 s0, v21;
	[tilespmem:$0x1F9B0] =	vst v0;
	v2 =	vand.u32 v47, v2;
	v3 =	vld.idx.msk [tilespmem:v31+s6+$0x0], $0xffff  }
0x41c: {  	v17 =	vor.u32 s14, v21;
	v15 =	vor.u32 $0x1, v28;
	v18 =	vld.idx.msk [tilespmem:v30+s6+$0x0], $0xffff;
	[tilespmem:v38+s22+$0x0] =	vst.idx.msk $0xffff, v6;
	v6 =	vand.u32 v48, v16  }
0x41d: {  	s13 =	sadd.s32 $0xFFFFFD00, s29;
	v50 =	vand.u32 v50, v17;
	v4 =	vor.u32 $0x1, v29;
	[tilespmem:$0x1F9E0] =	vst v36;
	v20 =	vld.idx.msk [tilespmem:v32+s6+$0x0], $0xffff  }
0x41e: {  	s8 =	sadd.s32 $0xFFFFFE00, s29;
	v19 =	vor.u32 s13, v21;
	v5 =	vor.u32 $0x1, v31;
	[tilespmem:v37+s22+$0x0] =	vst.idx.msk $0xffff, v8;
	v8 =	vld.idx.msk [tilespmem:v35+s6+$0x0], $0xffff  }
0x41f: {  	s7 =	sadd.s32 $0xFFFFFF00, s29;
	v19 =	vand.u32 v51, v19;
	v10 =	vor.u32 $0x1, v30;
	v21 =	vor.u32 s8, v21;
	v56 =	vld.idx.msk [tilespmem:v33+s6+$0x0], $0xffff;
	[tilespmem:v1+s22+$0x0] =	vst.idx.msk $0xffff, v12  }
0x420: {  	v22 =	vor.u32 s7, v22;
	v21 =	vand.u32 v55, v21;
	v23 =	vld.idx.msk [tilespmem:v34+s6+$0x0], $0xffff;
	v1 =	vor.u32 $0x1, v35;
	[tilespmem:v2+s22+$0x0] =	vst.idx.msk $0xffff, v14  }
0x421: {  	v11 =	vor.u32 $0x1, v32;
	v22 =	vand.u32 v53, v22;
	v15 =	vld.idx.msk [tilespmem:v15+s6+$0x0], $0xffff;
	[tilespmem:v6+s22+$0x0] =	vst.idx.msk $0xffff, v3  }
0x422: {  	v26 =	vor.u32 s29, v46;
	v12 =	vor.u32 $0x1, v33;
	[tilespmem:v50+s22+$0x0] =	vst.idx.msk $0xffff, v18;
	v4 =	vld.idx.msk [tilespmem:v4+s6+$0x0], $0xffff  }
0x423: {  	v27 =	vor.u32 s3, v46;
	v25 =	vor.u32 $0x1, v34;
	v5 =	vld.idx.msk [tilespmem:v5+s6+$0x0], $0xffff;
	[tilespmem:v13+s22+$0x0] =	vst.idx.msk $0xffff, v8  }
0x424: {  	v58 =	vor.u32 $0x2, v28;
	v57 =	vor.u32 s0, v46;
	v10 =	vld.idx.msk [tilespmem:v10+s6+$0x0], $0xffff;
	[tilespmem:v19+s22+$0x0] =	vst.idx.msk $0xffff, v20  }
0x425: {  	v7 =	vor.u32 $0x2, v29;
	v2 =	vor.u32 s14, v46;
	[tilespmem:v21+s22+$0x0] =	vst.idx.msk $0xffff, v56;
	v1 =	vld.idx.msk [tilespmem:v1+s6+$0x0], $0xffff  }
0x426: {  	v24 =	vor.u32 s2, v46;
	v9 =	vor.u32 $0x2, v31;
	[tilespmem:v22+s22+$0x0] =	vst.idx.msk $0xffff, v23;
	v11 =	vld.idx.msk [tilespmem:v11+s6+$0x0], $0xffff  }
0x427: {  	v14 =	vor.u32 s13, v46;
	v12 =	vld.idx.msk [tilespmem:v12+s6+$0x0], $0xffff;
	[tilespmem:v26+s22+$0x0] =	vst.idx.msk $0xffff, v15  }
0x428: {  	v39 =	vor.u32 s8, v46;
	v0 =	vor.u32 $0x2, v30;
	v23 =	vld.idx.msk [tilespmem:v25+s6+$0x0], $0xffff;
	[tilespmem:v27+s22+$0x0] =	vst.idx.msk $0xffff, v4  }
0x429: {  	v6 =	vor.u32 s7, v46;
	v26 =	vld.idx.msk [tilespmem:v58+s6+$0x0], $0xffff;
	[tilespmem:v57+s22+$0x0] =	vst.idx.msk $0xffff, v5  }
0x42a: {  	v3 =	vor.u32 $0x2, v32;
	v20 =	vor.u32 s29, v45;
	[tilespmem:v2+s22+$0x0] =	vst.idx.msk $0xffff, v10;
	v7 =	vld.idx.msk [tilespmem:v7+s6+$0x0], $0xffff  }
0x42b: {  	v42 =	vor.u32 s3, v45;
	v16 =	vor.u32 $0x2, v33;
	v9 =	vld.idx.msk [tilespmem:v9+s6+$0x0], $0xffff;
	[tilespmem:v24+s22+$0x0] =	vst.idx.msk $0xffff, v1  }
0x42c: {  	v43 =	vor.u32 s0, v45;
	v1 =	vld [tilespmem:$0x1FED0];
	[tilespmem:v14+s22+$0x0] =	vst.idx.msk $0xffff, v11  }
0x42d: {  	v18 =	vor.u32 $0x2, v34;
	v13 =	vor.u32 s14, v45;
	v63 =	vld.idx.msk [tilespmem:v0+s6+$0x0], $0xffff;
	[tilespmem:v39+s22+$0x0] =	vst.idx.msk $0xffff, v12  }
0x42e: {  	v59 =	vor.u32 $0x2, v35;
	[tilespmem:v6+s22+$0x0] =	vst.idx.msk $0xffff, v23  }
0x42f: {  	v21 =	vor.u32 $0x3, v28;
	v15 =	vor.u32 s13, v45;
	v56 =	vld.idx.msk [tilespmem:v3+s6+$0x0], $0xffff;
	[tilespmem:v20+s22+$0x0] =	vst.idx.msk $0xffff, v26  }
0x430: {  	v38 =	vor.u32 $0x3, v31;
	v19 =	vor.u32 s8, v45;
	v16 =	vld.idx.msk [tilespmem:v16+s6+$0x0], $0xffff;
	[tilespmem:v42+s22+$0x0] =	vst.idx.msk $0xffff, v7  }
0x431: {  	v44 =	vor.u32 $0x3, v30;
	[tilespmem:v43+s22+$0x0] =	vst.idx.msk $0xffff, v9  }
0x432: {  	v40 =	vld.idx.msk [tilespmem:v18+s6+$0x0], $0xffff;
	v0 =	vor.u32 s8, v1;
	[tilespmem:v13+s22+$0x0] =	vst.idx.msk $0xffff, v63  }
0x433: {  	v17 =	vor.u32 s7, v45;
	v8 =	vor.u32 $0x3, v29;
	v26 =	vld.idx.msk [tilespmem:v59+s6+$0x0], $0xffff;
	[tilespmem:$0x1F570] =	vst v0  }
0x434: {  	v52 =	vor.u32 s2, v45;
	v49 =	vor.u32 $0x3, v33;
	v21 =	vld.idx.msk [tilespmem:v21+s6+$0x0], $0xffff;
	[tilespmem:v15+s22+$0x0] =	vst.idx.msk $0xffff, v56  }
0x435: {  	v22 =	vor.u32 $0x3, v34;
	v2 =	vor.u32 s29, v54;
	v0 =	vor.u32 s7, v1;
	v4 =	vld.idx.msk [tilespmem:v38+s6+$0x0], $0xffff;
	[tilespmem:v19+s22+$0x0] =	vst.idx.msk $0xffff, v16  }
0x436: {  	v41 =	vor.u32 $0x3, v35;
	v25 =	vor.u32 s0, v54;
	v63 =	vld.idx.msk [tilespmem:v44+s6+$0x0], $0xffff;
	[tilespmem:$0x1F580] =	vst v0;
	v0 =	vor.u32 $0x5, v34  }
0x437: {  	v45 =	vor.u32 s14, v54;
	v14 =	vor.u32 $0x4, v28;
	[tilespmem:$0x1F590] =	vst v0;
	v0 =	vld [tilespmem:$0x1FEE0]  }
0x438: {  	v51 =	vor.u32 s7, v54;
	v47 =	vor.u32 s13, v54;
	v37 =	vor.u32 $0x4, v31;
	v7 =	vld.idx.msk [tilespmem:v8+s6+$0x0], $0xffff;
	[tilespmem:v17+s22+$0x0] =	vst.idx.msk $0xffff, v40  }
0x439: {  	v60 =	vor.u32 s2, v54;
	v48 =	vor.u32 s8, v54;
	v36 =	vor.u32 s2, v1;
	[tilespmem:v52+s22+$0x0] =	vst.idx.msk $0xffff, v26;
	v8 =	vld.idx.msk [tilespmem:v49+s6+$0x0], $0xffff  }
0x43a: {  	v27 =	vor.u32 s3, v54;
	v53 =	vor.u32 s3, v1;
	v54 =	vor.u32 s0, v1;
	v22 =	vld.idx.msk [tilespmem:v22+s6+$0x0], $0xffff;
	[tilespmem:v2+s22+$0x0] =	vst.idx.msk $0xffff, v21  }
0x43b: {  	v24 =	vor.u32 $0x4, v30;
	v57 =	vor.u32 s14, v1;
	v59 =	vor.u32 s13, v1;
	v41 =	vld.idx.msk [tilespmem:v41+s6+$0x0], $0xffff;
	[tilespmem:v25+s22+$0x0] =	vst.idx.msk $0xffff, v4  }
0x43c: {  	v2 =	vor.u32 s29, v1;
	v26 =	vld.idx.msk [tilespmem:v14+s6+$0x0], $0xffff;
	[tilespmem:v45+s22+$0x0] =	vst.idx.msk $0xffff, v63;
	v1 =	vor.u32 s8, v0  }
0x43d: {  	v6 =	vld.idx.msk [tilespmem:v37+s6+$0x0], $0xffff;
	[tilespmem:$0x1F5A0] =	vst v1;
	v1 =	vor.u32 s7, v0  }
0x43e: {  	[tilespmem:$0x1F5B0] =	vst v1;
	v1 =	vld [tilespmem:$0x1FEF0]  }
0x43f: {  	v61 =	vor.u32 $0x4, v35;
	[tilespmem:v48+s22+$0x0] =	vst.idx.msk $0xffff, v8  }
0x440: {  	v24 =	vld.idx.msk [tilespmem:v24+s6+$0x0], $0xffff;
	[tilespmem:v51+s22+$0x0] =	vst.idx.msk $0xffff, v22  }
0x441: {  	v46 =	vor.u32 $0x3, v32;
	[tilespmem:v60+s22+$0x0] =	vst.idx.msk $0xffff, v41  }
0x442: {  	v48 =	vld [tilespmem:$0x1FF10];
	[tilespmem:v2+s22+$0x0] =	vst.idx.msk $0xffff, v26  }
0x443: {  	[tilespmem:v54+s22+$0x0] =	vst.idx.msk $0xffff, v6;
	v5 =	vor.u32 s14, v1  }
0x444: {  	v12 =	vor.u32 $0x5, v31;
	[tilespmem:$0x1F5C0] =	vst v5;
	v5 =	vld.idx.msk [tilespmem:v61+s6+$0x0], $0xffff  }
0x445: {  	v23 =	vor.u32 $0x5, v30;
	[tilespmem:v57+s22+$0x0] =	vst.idx.msk $0xffff, v24;
	v16 =	vor.u32 s2, v1;
	v2 =	vor.u32 s8, v1  }
0x446: {  	v9 =	vld.idx.msk [tilespmem:v46+s6+$0x0], $0xffff;
	v46 =	vor.u32 s3, v1;
	v19 =	vor.u32 s0, v1;
	[tilespmem:$0x1F5D0] =	vst v2;
	v2 =	vor.u32 s7, v1  }
0x447: {  	v60 =	vor.u32 s13, v1;
	v22 =	vor.u32 s29, v1;
	v1 =	vor.u32 s3, v48;
	[tilespmem:$0x1F5E0] =	vst v2  }
0x448: {  	[tilespmem:$0x1F660] =	vst v1  }
0x449: {  	v1 =	vor.u32 s0, v48;
	[tilespmem:v36+s22+$0x0] =	vst.idx.msk $0xffff, v5;
	v5 =	vld.idx.msk [tilespmem:v12+s6+$0x0], $0xffff  }
0x44a: {  	[tilespmem:$0x1F670] =	vst v1;
	v1 =	vor.u32 s14, v48;
	v12 =	vld.idx.msk [tilespmem:v23+s6+$0x0], $0xffff  }
0x44b: {  	[tilespmem:$0x1F680] =	vst v1;
	v1 =	vor.u32 s13, v48;
	v23 =	vld [tilespmem:$0x1FF20]  }
0x44c: {  	[tilespmem:$0x1F6A0] =	vst v1;
	v1 =	vor.u32 s8, v48  }
0x44d: {  	[tilespmem:$0x1F6C0] =	vst v1;
	v1 =	vor.u32 s7, v48  }
0x44e: {  	[tilespmem:$0x1F6E0] =	vst v1;
	v1 =	vor.u32 $0x9, v30  }
0x44f: {  	[tilespmem:$0x1F690] =	vst v1;
	v1 =	vor.u32 $0x9, v32  }
0x450: {  	v58 =	vor.u32 s2, v0;
	v21 =	vor.u32 s3, v0;
	[tilespmem:$0x1F6B0] =	vst v1;
	v1 =	vor.u32 s2, v23  }
0x451: {  	v43 =	vor.u32 s0, v0;
	v13 =	vor.u32 s14, v0;
	[tilespmem:$0x1F700] =	vst v1;
	v1 =	vor.u32 $0x9, v33  }
0x452: {  	v38 =	vor.u32 s13, v0;
	v2 =	vor.u32 s29, v0;
	v0 =	vld [tilespmem:$0x1FF00];
	[tilespmem:$0x1F6D0] =	vst v1;
	v1 =	vor.u32 $0x9, v34  }
0x453: {  	[tilespmem:$0x1F6F0] =	vst v1;
	v1 =	vor.u32 $0xA, v35  }
0x454: {  	v10 =	vor.u32 $0x4, v33;
	[tilespmem:$0x1F710] =	vst v1;
	v1 =	vor.u32 s3, v23  }
0x455: {  	[tilespmem:$0x1F720] =	vst v1;
	v1 =	vor.u32 s0, v23  }
0x456: {  	[tilespmem:$0x1F740] =	vst v1;
	v1 =	vld [tilespmem:$0x1F570]  }
0x457: {  	[tilespmem:v47+s22+$0x0] =	vst.idx.msk $0xffff, v9;
	v9 =	vor.u32 s14, v0  }
0x458: {  	v3 =	vor.u32 $0x5, v28;
	[tilespmem:$0x1F600] =	vst v9;
	v9 =	vor.u32 s13, v0  }
0x459: {  	[tilespmem:$0x1F610] =	vst v9;
	v9 =	vld.idx.msk [tilespmem:v10+s6+$0x0], $0xffff;
	_ =	sdelay $0x3  }
0x45a: {  	v3 =	vld.idx.msk [tilespmem:v3+s6+$0x0], $0xffff  }
0x45b: {  	v50 =	vor.u32 $0x4, v34;
	[tilespmem:v1+s22+$0x0] =	vst.idx.msk $0xffff, v9;
	v1 =	vor.u32 $0xA, v29  }
0x45c: {  	[tilespmem:$0x1F730] =	vst v1;
	v1 =	vor.u32 s14, v23  }
0x45d: {  	[tilespmem:$0x1F760] =	vst v1;
	v1 =	vld [tilespmem:$0x1F580];
	_ =	sdelay $0x1  }
0x45e: {  	v62 =	vor.u32 $0x4, v29;
	[tilespmem:v2+s22+$0x0] =	vst.idx.msk $0xffff, v3;
	v2 =	vor.u32 $0x8, v33  }
0x45f: {  	[tilespmem:$0x1F630] =	vst v2;
	v2 =	vld.idx.msk [tilespmem:v50+s6+$0x0], $0xffff;
	_ =	sdelay $0x2  }
0x460: {  	[tilespmem:v27+s22+$0x0] =	vst.idx.msk $0xffff, v7;
	v4 =	vor.u32 $0x6, v28;
	v10 =	vor.u32 s8, v0  }
0x461: {  	v7 =	vld.idx.msk [tilespmem:v62+s6+$0x0], $0xffff;
	v27 =	vor.u32 s2, v0;
	v62 =	vor.u32 s3, v0;
	v45 =	vor.u32 s0, v0;
	[tilespmem:$0x1F620] =	vst v10  }
0x462: {  	v10 =	vor.u32 s7, v0;
	[tilespmem:v1+s22+$0x0] =	vst.idx.msk $0xffff, v2;
	v2 =	vor.u32 s29, v0;
	v0 =	vor.u32 s13, v23  }
0x463: {  	[tilespmem:$0x1F780] =	vst v0;
	v0 =	vor.u32 s8, v23  }
0x464: {  	[tilespmem:$0x1F7A0] =	vst v0;
	v0 =	vld [tilespmem:$0x1F590]  }
0x465: {  	v4 =	vld.idx.msk [tilespmem:v4+s6+$0x0], $0xffff  }
0x466: {  	[tilespmem:v53+s22+$0x0] =	vst.idx.msk $0xffff, v7;
	v7 =	vor.u32 $0x7, v28;
	_ =	sdelay $0x3  }
0x467: {  	v3 =	vor.u32 $0x8, v34;
	[tilespmem:v22+s22+$0x0] =	vst.idx.msk $0xffff, v4  }
0x468: {  	[tilespmem:$0x1F650] =	vst v3;
	v3 =	vld.idx.msk [tilespmem:v7+s6+$0x0], $0xffff  }
0x469: {  	v7 =	vld.idx.msk [tilespmem:v0+s6+$0x0], $0xffff;
	v0 =	vor.u32 $0xA, v31  }
0x46a: {  	[tilespmem:$0x1F750] =	vst v0;
	v0 =	vor.u32 $0xA, v30  }
0x46b: {  	[tilespmem:$0x1F770] =	vst v0;
	v0 =	vor.u32 s7, v23  }
0x46c: {  	[tilespmem:$0x1F7C0] =	vst v0;
	v0 =	vor.u32 $0xA, v32  }
0x46d: {  	[tilespmem:$0x1F790] =	vst v0;
	v0 =	vor.u32 $0xA, v33  }
0x46e: {  	[tilespmem:$0x1F7B0] =	vst v0;
	v0 =	vor.u32 $0xA, v34  }
0x46f: {  	[tilespmem:$0x1F7E0] =	vst v0;
	v0 =	vld [tilespmem:$0x1FF30];
	_ =	sdelay $0x4  }
0x470: {  	v1 =	vor.u32 s2, v0  }
0x471: {  	[tilespmem:$0x1F7D0] =	vst v1;
	v1 =	vor.u32 $0xB, v35  }
0x472: {  	[tilespmem:$0x1F7F0] =	vst v1;
	v1 =	vor.u32 s3, v0  }
0x473: {  	[tilespmem:$0x1F800] =	vst v1;
	v1 =	vor.u32 $0xB, v29  }
0x474: {  	[tilespmem:$0x1F810] =	vst v1;
	v1 =	vor.u32 s0, v0  }
0x475: {  	[tilespmem:$0x1F820] =	vst v1;
	v1 =	vor.u32 s14, v0  }
0x476: {  	[tilespmem:$0x1F840] =	vst v1;
	v1 =	vor.u32 $0xB, v31  }
0x477: {  	[tilespmem:$0x1F830] =	vst v1;
	v1 =	vor.u32 s13, v0  }
0x478: {  	v42 =	vor.u32 $0x5, v33;
	[tilespmem:$0x1F860] =	vst v1;
	v1 =	vor.u32 s8, v0  }
0x479: {  	[tilespmem:$0x1F880] =	vst v1;
	v1 =	vor.u32 $0xB, v30  }
0x47a: {  	[tilespmem:$0x1F850] =	vst v1;
	v1 =	vld [tilespmem:$0x1F5A0];
	_ =	sdelay $0x2  }
0x47b: {  	v4 =	vld.idx.msk [tilespmem:v42+s6+$0x0], $0xffff  }
0x47c: {  	v11 =	vor.u32 $0x5, v35;
	_ =	sdelay $0x3  }
0x47d: {  	[tilespmem:v1+s22+$0x0] =	vst.idx.msk $0xffff, v4;
	v1 =	vor.u32 s7, v0  }
0x47e: {  	v11 =	vld.idx.msk [tilespmem:v11+s6+$0x0], $0xffff;
	[tilespmem:$0x1F8A0] =	vst v1;
	v1 =	vor.u32 $0xB, v32  }
0x47f: {  	[tilespmem:$0x1F870] =	vst v1;
	v1 =	vor.u32 $0xB, v33  }
0x480: {  	[tilespmem:$0x1F890] =	vst v1;
	v1 =	vld [tilespmem:$0x1F5B0];
	_ =	sdelay $0x2  }
0x481: {  	[tilespmem:v58+s22+$0x0] =	vst.idx.msk $0xffff, v11;
	v58 =	vld [tilespmem:$0x1FF40];
	_ =	sdelay $0x4  }
0x482: {  	[tilespmem:v1+s22+$0x0] =	vst.idx.msk $0xffff, v7;
	v1 =	vor.u32 s2, v58  }
0x483: {  	[tilespmem:$0x1F8B0] =	vst v1;
	v1 =	vor.u32 s3, v58  }
0x484: {  	[tilespmem:$0x1F8E0] =	vst v1;
	v1 =	vor.u32 $0xB, v34  }
0x485: {  	[tilespmem:$0x1F8C0] =	vst v1;
	v1 =	vor.u32 $0xC, v35  }
0x486: {  	[tilespmem:$0x1F8D0] =	vst v1;
	v1 =	vor.u32 s0, v58  }
0x487: {  	[tilespmem:$0x1F8F0] =	vst v1;
	v1 =	vor.u32 s14, v58  }
0x488: {  	v20 =	vor.u32 $0x4, v32;
	[tilespmem:$0x1F900] =	vst v1;
	v1 =	vor.u32 s13, v58  }
0x489: {  	v56 =	vor.u32 $0x6, v30;
	[tilespmem:$0x1F910] =	vst v1;
	v1 =	vor.u32 s8, v58  }
0x48a: {  	[tilespmem:$0x1F920] =	vst v1;
	v1 =	vor.u32 s7, v58  }
0x48b: {  	[tilespmem:$0x1F940] =	vst v1;
	v1 =	vld [tilespmem:$0x1F5C0];
	_ =	sdelay $0x1  }
0x48c: {  	v20 =	vld.idx.msk [tilespmem:v20+s6+$0x0], $0xffff;
	[tilespmem:v13+s22+$0x0] =	vst.idx.msk $0xffff, v12  }
0x48d: {  	v18 =	vor.u32 $0x5, v32;
	v9 =	vld.idx.msk [tilespmem:v56+s6+$0x0], $0xffff;
	_ =	sdelay $0x3  }
0x48e: {  	[tilespmem:v59+s22+$0x0] =	vst.idx.msk $0xffff, v20  }
0x48f: {  	v18 =	vld.idx.msk [tilespmem:v18+s6+$0x0], $0xffff;
	[tilespmem:v1+s22+$0x0] =	vst.idx.msk $0xffff, v9;
	v1 =	vor.u32 $0xC, v33  }
0x490: {  	v44 =	vor.u32 $0x6, v32;
	[tilespmem:$0x1F930] =	vst v1;
	v1 =	vor.u32 $0xC, v34  }
0x491: {  	v11 =	vor.u32 $0x8, v28;
	[tilespmem:$0x1F960] =	vst v1;
	v1 =	vld [tilespmem:$0x1FF50];
	_ =	sdelay $0x1  }
0x492: {  	v39 =	vor.u32 $0x5, v29  }
0x493: {  	v52 =	vor.u32 $0x6, v35;
	[tilespmem:v38+s22+$0x0] =	vst.idx.msk $0xffff, v18  }
0x494: {  	v15 =	vor.u32 $0x6, v33;
	[tilespmem:v2+s22+$0x0] =	vst.idx.msk $0xffff, v3;
	v3 =	vld.idx.msk [tilespmem:v44+s6+$0x0], $0xffff  }
0x495: {  	v2 =	vld.idx.msk [tilespmem:v11+s6+$0x0], $0xffff;
	v4 =	vor.u32 s29, v48;
	v6 =	vor.u32 s0, v1  }
0x496: {  	v7 =	vor.u32 $0x9, v28;
	[tilespmem:$0x1F980] =	vst v6;
	v6 =	vld [tilespmem:$0x1F5D0]  }
0x497: {  	v39 =	vld.idx.msk [tilespmem:v39+s6+$0x0], $0xffff  }
0x498: {  	v14 =	vor.u32 $0x6, v29;
	v20 =	vld.idx.msk [tilespmem:v52+s6+$0x0], $0xffff  }
0x499: {  	v11 =	vld.idx.msk [tilespmem:v15+s6+$0x0], $0xffff  }
0x49a: {  	[tilespmem:v4+s22+$0x0] =	vst.idx.msk $0xffff, v2  }
0x49b: {  	v49 =	vor.u32 $0x7, v35;
	[tilespmem:v60+s22+$0x0] =	vst.idx.msk $0xffff, v3;
	v3 =	vor.u32 s29, v23;
	v2 =	vld.idx.msk [tilespmem:v7+s6+$0x0], $0xffff  }
0x49c: {  	[tilespmem:v21+s22+$0x0] =	vst.idx.msk $0xffff, v39;
	v9 =	vor.u32 $0xA, v28  }
0x49d: {  	v40 =	vor.u32 $0x6, v34;
	v14 =	vld.idx.msk [tilespmem:v14+s6+$0x0], $0xffff;
	[tilespmem:v16+s22+$0x0] =	vst.idx.msk $0xffff, v20  }
0x49e: {  	v26 =	vor.u32 $0x7, v29;
	[tilespmem:v6+s22+$0x0] =	vst.idx.msk $0xffff, v11;
	v6 =	vor.u32 s13, v1  }
0x49f: {  	[tilespmem:$0x1F9A0] =	vst v6;
	v6 =	vld [tilespmem:$0x1F5E0]  }
0x4a0: {  	v13 =	vld.idx.msk [tilespmem:v49+s6+$0x0], $0xffff;
	[tilespmem:v3+s22+$0x0] =	vst.idx.msk $0xffff, v2  }
0x4a1: {  	v49 =	vor.u32 s29, v0;
	v3 =	vld.idx.msk [tilespmem:v9+s6+$0x0], $0xffff  }
0x4a2: {  	[tilespmem:v46+s22+$0x0] =	vst.idx.msk $0xffff, v14;
	v12 =	vld.idx.msk [tilespmem:v40+s6+$0x0], $0xffff  }
0x4a3: {  	v25 =	vor.u32 $0x7, v34;
	v15 =	vld.idx.msk [tilespmem:v26+s6+$0x0], $0xffff  }
0x4a4: {  	[tilespmem:$0x1F5F0] =	vst v45;
	v45 =	vor.u32 $0x8, v29;
	_ =	sdelay $0x1  }
0x4a5: {  	[tilespmem:v49+s22+$0x0] =	vst.idx.msk $0xffff, v3;
	v3 =	vld [tilespmem:$0x1F660]  }
0x4a6: {  	[tilespmem:v6+s22+$0x0] =	vst.idx.msk $0xffff, v12  }
0x4a7: {  	[tilespmem:v62+s22+$0x0] =	vst.idx.msk $0xffff, v15;
	v12 =	vld.idx.msk [tilespmem:v25+s6+$0x0], $0xffff  }
0x4a8: {  	v39 =	vor.u32 $0xB, v28;
	v25 =	vld.idx.msk [tilespmem:v45+s6+$0x0], $0xffff  }
0x4a9: {  	v55 =	vor.u32 $0x6, v31  }
0x4aa: {  	v37 =	vor.u32 $0x8, v35;
	[tilespmem:$0x1F640] =	vst v10  }
0x4ab: {  	v61 =	vor.u32 $0x7, v30;
	[tilespmem:v43+s22+$0x0] =	vst.idx.msk $0xffff, v5;
	v6 =	vor.u32 s7, v1  }
0x4ac: {  	v10 =	vor.u32 $0x8, v30;
	v44 =	vor.u32 $0xC, v30;
	v15 =	vor.u32 $0xD, v30;
	[tilespmem:$0x1F9C0] =	vst v6  }
0x4ad: {  	v6 =	vor.u32 $0xE, v30;
	[tilespmem:v3+s22+$0x0] =	vst.idx.msk $0xffff, v25;
	v25 =	vld.idx.msk [tilespmem:v39+s6+$0x0], $0xffff;
	v39 =	vor.u32 $0xF, v30;
	v30 =	vor.u32 s29, v58  }
0x4ae: {  	v5 =	vld.idx.msk [tilespmem:v55+s6+$0x0], $0xffff;
	[tilespmem:v27+s22+$0x0] =	vst.idx.msk $0xffff, v13  }
0x4af: {  	v41 =	vor.u32 $0x7, v31;
	v51 =	vor.u32 s2, v48;
	v22 =	vld.idx.msk [tilespmem:v37+s6+$0x0], $0xffff  }
0x4b0: {  	v36 =	vor.u32 $0x9, v35  }
0x4b1: {  	v2 =	vld [tilespmem:$0x1F5F0]  }
0x4b2: {  	[tilespmem:v30+s22+$0x0] =	vst.idx.msk $0xffff, v25;
	v25 =	vld [tilespmem:$0x1F700]  }
0x4b3: {  	[tilespmem:v19+s22+$0x0] =	vst.idx.msk $0xffff, v5  }
0x4b4: {  	v63 =	vor.u32 $0x7, v33;
	v5 =	vld.idx.msk [tilespmem:v41+s6+$0x0], $0xffff;
	[tilespmem:v51+s22+$0x0] =	vst.idx.msk $0xffff, v22  }
0x4b5: {  	v62 =	vld.idx.msk [tilespmem:v36+s6+$0x0], $0xffff;
	_ =	sdelay $0x2  }
0x4b6: {  	v24 =	vor.u32 $0xE, v34;
	v59 =	vor.u32 $0xF, v33;
	v50 =	vor.u32 $0x9, v29  }
0x4b7: {  	v19 =	vor.u32 $0xD, v34;
	v26 =	vor.u32 $0xD, v33;
	[tilespmem:v2+s22+$0x0] =	vst.idx.msk $0xffff, v5;
	v5 =	vor.u32 $0xE, v33;
	v11 =	vld.idx.msk [tilespmem:v63+s6+$0x0], $0xffff  }
0x4b8: {  	v33 =	vor.u32 $0xF, v34;
	v4 =	vor.u32 s2, v1;
	v60 =	vor.u32 s3, v1;
	[tilespmem:v25+s22+$0x0] =	vst.idx.msk $0xffff, v62;
	v62 =	vld [tilespmem:$0x1F720]  }
0x4b9: {  	v54 =	vor.u32 s14, v1;
	v34 =	vor.u32 s29, v1;
	v63 =	vor.u32 s8, v1;
	v1 =	vld [tilespmem:$0x1F730]  }
0x4ba: {  	v8 =	vor.u32 $0x8, v31  }
0x4bb: {  	v50 =	vld.idx.msk [tilespmem:v50+s6+$0x0], $0xffff  }
0x4bc: {  	v3 =	vld [tilespmem:$0x1F670];
	_ =	sdelay $0x2  }
0x4bd: {  	v37 =	vld.idx.msk [tilespmem:v8+s6+$0x0], $0xffff  }
0x4be: {  	v53 =	vor.u32 $0x9, v31;
	v2 =	vld [tilespmem:$0x1F600];
	[tilespmem:v62+s22+$0x0] =	vst.idx.msk $0xffff, v50  }
0x4bf: {  	v50 =	vld.idx.msk [tilespmem:v1+s6+$0x0], $0xffff  }
0x4c0: {  	[tilespmem:$0x1F950] =	vst v4;
	v4 =	vor.u32 $0xD, v35;
	v1 =	vld [tilespmem:$0x1F740]  }
0x4c1: {  	[tilespmem:$0x1F970] =	vst v4;
	v4 =	vld.idx.msk [tilespmem:v61+s6+$0x0], $0xffff  }
0x4c2: {  	[tilespmem:v3+s22+$0x0] =	vst.idx.msk $0xffff, v37  }
0x4c3: {  	v51 =	vld.idx.msk [tilespmem:v53+s6+$0x0], $0xffff  }
0x4c4: {  	v3 =	vld [tilespmem:$0x1F680];
	_ =	sdelay $0x1  }
0x4c5: {  	[tilespmem:v2+s22+$0x0] =	vst.idx.msk $0xffff, v4  }
0x4c6: {  	v10 =	vld.idx.msk [tilespmem:v10+s6+$0x0], $0xffff  }
0x4c7: {  	[tilespmem:v1+s22+$0x0] =	vst.idx.msk $0xffff, v51;
	v1 =	vld [tilespmem:$0x1F750];
	_ =	sdelay $0x1  }
0x4c8: {  	v17 =	vor.u32 $0x7, v32;
	_ =	sdelay $0x1  }
0x4c9: {  	[tilespmem:v3+s22+$0x0] =	vst.idx.msk $0xffff, v10;
	v3 =	vld [tilespmem:$0x1F690];
	_ =	sdelay $0x1  }
0x4ca: {  	v0 =	vld [tilespmem:$0x1F610]  }
0x4cb: {  	v7 =	vld.idx.msk [tilespmem:v17+s6+$0x0], $0xffff  }
0x4cc: {  	v62 =	vld.idx.msk [tilespmem:v1+s6+$0x0], $0xffff  }
0x4cd: {  	v1 =	vld [tilespmem:$0x1F760]  }
0x4ce: {  	v47 =	vor.u32 $0x8, v32;
	_ =	sdelay $0x1  }
0x4cf: {  	v36 =	vld.idx.msk [tilespmem:v3+s6+$0x0], $0xffff  }
0x4d0: {  	v3 =	vld [tilespmem:$0x1F6A0]  }
0x4d1: {  	[tilespmem:v0+s22+$0x0] =	vst.idx.msk $0xffff, v7  }
0x4d2: {  	v0 =	vld.idx.msk [tilespmem:v47+s6+$0x0], $0xffff  }
0x4d3: {  	v2 =	vld [tilespmem:$0x1F620]  }
0x4d4: {  	[tilespmem:v1+s22+$0x0] =	vst.idx.msk $0xffff, v36;
	v1 =	vld [tilespmem:$0x1F770];
	_ =	sdelay $0x3  }
0x4d5: {  	[tilespmem:v3+s22+$0x0] =	vst.idx.msk $0xffff, v0;
	v3 =	vld [tilespmem:$0x1F6B0];
	_ =	sdelay $0x2  }
0x4d6: {  	[tilespmem:v2+s22+$0x0] =	vst.idx.msk $0xffff, v11;
	v2 =	vld [tilespmem:$0x1F630]  }
0x4d7: {  	v36 =	vld.idx.msk [tilespmem:v1+s6+$0x0], $0xffff  }
0x4d8: {  	v1 =	vld [tilespmem:$0x1F780];
	_ =	sdelay $0x2  }
0x4d9: {  	v61 =	vld.idx.msk [tilespmem:v3+s6+$0x0], $0xffff  }
0x4da: {  	v3 =	vld [tilespmem:$0x1F6C0];
	_ =	sdelay $0x1  }
0x4db: {  	v45 =	vld.idx.msk [tilespmem:v2+s6+$0x0], $0xffff  }
0x4dc: {  	v2 =	vld [tilespmem:$0x1F640]  }
0x4dd: {  	[tilespmem:v1+s22+$0x0] =	vst.idx.msk $0xffff, v61;
	v1 =	vld [tilespmem:$0x1F790];
	_ =	sdelay $0x3  }
0x4de: {  	[tilespmem:v3+s22+$0x0] =	vst.idx.msk $0xffff, v45;
	v3 =	vld [tilespmem:$0x1F6D0];
	_ =	sdelay $0x2  }
0x4df: {  	[tilespmem:v2+s22+$0x0] =	vst.idx.msk $0xffff, v12;
	v2 =	vld [tilespmem:$0x1F650]  }
0x4e0: {  	v61 =	vld.idx.msk [tilespmem:v1+s6+$0x0], $0xffff  }
0x4e1: {  	v1 =	vld [tilespmem:$0x1F7A0];
	_ =	sdelay $0x2  }
0x4e2: {  	v45 =	vld.idx.msk [tilespmem:v3+s6+$0x0], $0xffff  }
0x4e3: {  	v10 =	vld [tilespmem:$0x1F6E0];
	_ =	sdelay $0x2  }
0x4e4: {  	v47 =	vld.idx.msk [tilespmem:v2+s6+$0x0], $0xffff  }
0x4e5: {  	[tilespmem:v1+s22+$0x0] =	vst.idx.msk $0xffff, v45;
	v1 =	vld [tilespmem:$0x1F7B0];
	_ =	sdelay $0x3  }
0x4e6: {  	[tilespmem:v10+s22+$0x0] =	vst.idx.msk $0xffff, v47;
	v10 =	vld [tilespmem:$0x1F6F0];
	_ =	sdelay $0x3  }
0x4e7: {  	v45 =	vld.idx.msk [tilespmem:v1+s6+$0x0], $0xffff  }
0x4e8: {  	v1 =	vld [tilespmem:$0x1F7C0];
	_ =	sdelay $0x1  }
0x4e9: {  	v30 =	vld [tilespmem:$0x1F710]  }
0x4ea: {  	v47 =	vld.idx.msk [tilespmem:v10+s6+$0x0], $0xffff;
	_ =	sdelay $0x4  }
0x4eb: {  	[tilespmem:v1+s22+$0x0] =	vst.idx.msk $0xffff, v47;
	v1 =	vld [tilespmem:$0x1F7D0];
	_ =	sdelay $0x2  }
0x4ec: {  	v30 =	vld.idx.msk [tilespmem:v30+s6+$0x0], $0xffff;
	_ =	sdelay $0x4  }
0x4ed: {  	[tilespmem:v1+s22+$0x0] =	vst.idx.msk $0xffff, v30;
	v1 =	vld [tilespmem:$0x1F7E0];
	_ =	sdelay $0x7  }
0x4ee: {  	v30 =	vld.idx.msk [tilespmem:v1+s6+$0x0], $0xffff  }
0x4ef: {  	v1 =	vld [tilespmem:$0x1F7F0];
	_ =	sdelay $0x7  }
0x4f0: {  	v47 =	vld.idx.msk [tilespmem:v1+s6+$0x0], $0xffff  }
0x4f1: {  	v1 =	vld [tilespmem:$0x1F800];
	_ =	sdelay $0x3  }
0x4f2: {  	v53 =	vor.u32 $0xC, v28;
	_ =	sdelay $0x3  }
0x4f3: {  	[tilespmem:v1+s22+$0x0] =	vst.idx.msk $0xffff, v50;
	v1 =	vld [tilespmem:$0x1F810]  }
0x4f4: {  	v25 =	vld.idx.msk [tilespmem:v53+s6+$0x0], $0xffff  }
0x4f5: {  	v51 =	vor.u32 $0xD, v28;
	_ =	sdelay $0x3  }
0x4f6: {  	[tilespmem:v34+s22+$0x0] =	vst.idx.msk $0xffff, v25  }
0x4f7: {  	v25 =	vld.idx.msk [tilespmem:v51+s6+$0x0], $0xffff  }
0x4f8: {  	v51 =	vld.idx.msk [tilespmem:v1+s6+$0x0], $0xffff  }
0x4f9: {  	v1 =	vld [tilespmem:$0x1F820];
	_ =	sdelay $0x7  }
0x4fa: {  	[tilespmem:v1+s22+$0x0] =	vst.idx.msk $0xffff, v62;
	v1 =	vld [tilespmem:$0x1F830];
	_ =	sdelay $0x7  }
0x4fb: {  	v62 =	vld.idx.msk [tilespmem:v1+s6+$0x0], $0xffff  }
0x4fc: {  	v1 =	vld [tilespmem:$0x1F840];
	_ =	sdelay $0x7  }
0x4fd: {  	[tilespmem:v1+s22+$0x0] =	vst.idx.msk $0xffff, v36;
	v1 =	vld [tilespmem:$0x1F850];
	_ =	sdelay $0x7  }
0x4fe: {  	v36 =	vld.idx.msk [tilespmem:v1+s6+$0x0], $0xffff  }
0x4ff: {  	v1 =	vld [tilespmem:$0x1F860];
	_ =	sdelay $0x7  }
0x500: {  	[tilespmem:v1+s22+$0x0] =	vst.idx.msk $0xffff, v61;
	v1 =	vld [tilespmem:$0x1F870];
	_ =	sdelay $0x7  }
0x501: {  	v53 =	vld.idx.msk [tilespmem:v1+s6+$0x0], $0xffff  }
0x502: {  	v1 =	vld [tilespmem:$0x1F880];
	_ =	sdelay $0x5  }
0x503: {  	v46 =	vld [tilespmem:$0x1FF60];
	_ =	sdelay $0x1  }
0x504: {  	[tilespmem:v1+s22+$0x0] =	vst.idx.msk $0xffff, v45;
	v1 =	vld [tilespmem:$0x1F890];
	_ =	sdelay $0x2  }
0x505: {  	v34 =	vor.u32 s29, v46;
	_ =	sdelay $0x4  }
0x506: {  	[tilespmem:v34+s22+$0x0] =	vst.idx.msk $0xffff, v25;
	v34 =	vld.idx.msk [tilespmem:v1+s6+$0x0], $0xffff  }
0x507: {  	v1 =	vld [tilespmem:$0x1F8A0];
	_ =	sdelay $0x7  }
0x508: {  	[tilespmem:v1+s22+$0x0] =	vst.idx.msk $0xffff, v30;
	v1 =	vld [tilespmem:$0x1F8B0];
	_ =	sdelay $0x7  }
0x509: {  	[tilespmem:v1+s22+$0x0] =	vst.idx.msk $0xffff, v47;
	v1 =	vld [tilespmem:$0x1F8C0];
	_ =	sdelay $0x7  }
0x50a: {  	v61 =	vld.idx.msk [tilespmem:v1+s6+$0x0], $0xffff  }
0x50b: {  	v1 =	vld [tilespmem:$0x1F8D0];
	_ =	sdelay $0x7  }
0x50c: {  	v47 =	vld.idx.msk [tilespmem:v1+s6+$0x0], $0xffff  }
0x50d: {  	v1 =	vld [tilespmem:$0x1F8E0];
	_ =	sdelay $0x7  }
0x50e: {  	[tilespmem:v1+s22+$0x0] =	vst.idx.msk $0xffff, v51;
	v1 =	vld [tilespmem:$0x1F8F0];
	_ =	sdelay $0x7  }
0x50f: {  	[tilespmem:v1+s22+$0x0] =	vst.idx.msk $0xffff, v62;
	v1 =	vld [tilespmem:$0x1F900];
	_ =	sdelay $0x7  }
0x510: {  	[tilespmem:v1+s22+$0x0] =	vst.idx.msk $0xffff, v36;
	v1 =	vld [tilespmem:$0x1F910];
	_ =	sdelay $0x7  }
0x511: {  	[tilespmem:v1+s22+$0x0] =	vst.idx.msk $0xffff, v53;
	v1 =	vld [tilespmem:$0x1F920];
	_ =	sdelay $0x7  }
0x512: {  	[tilespmem:v1+s22+$0x0] =	vst.idx.msk $0xffff, v34;
	v1 =	vld [tilespmem:$0x1F930];
	_ =	sdelay $0x7  }
0x513: {  	v34 =	vld.idx.msk [tilespmem:v1+s6+$0x0], $0xffff  }
0x514: {  	v1 =	vld [tilespmem:$0x1F940];
	_ =	sdelay $0x7  }
0x515: {  	[tilespmem:v1+s22+$0x0] =	vst.idx.msk $0xffff, v61;
	v1 =	vld [tilespmem:$0x1F950];
	_ =	sdelay $0x7  }
0x516: {  	[tilespmem:v1+s22+$0x0] =	vst.idx.msk $0xffff, v47;
	v1 =	vld [tilespmem:$0x1F960];
	_ =	sdelay $0x7  }
0x517: {  	v61 =	vld.idx.msk [tilespmem:v1+s6+$0x0], $0xffff  }
0x518: {  	v1 =	vld [tilespmem:$0x1F970];
	_ =	sdelay $0x1  }
0x519: {  	v48 =	vor.u32 $0xC, v29;
	_ =	sdelay $0x1  }
0x51a: {  	v52 =	vor.u32 s3, v46;
	v43 =	vor.u32 s14, v46  }
0x51b: {  	v21 =	vor.u32 s7, v46;
	v20 =	vor.u32 s8, v46;
	v27 =	vor.u32 s13, v46  }
0x51c: {  	v55 =	vld [tilespmem:$0x1FF70];
	v42 =	vor.u32 s2, v46;
	v40 =	vor.u32 s0, v46;
	v46 =	vor.u32 $0xE, v28  }
0x51d: {  	v41 =	vor.u32 $0xC, v31;
	v48 =	vld.idx.msk [tilespmem:v48+s6+$0x0], $0xffff  }
0x51e: {  	v62 =	vld.idx.msk [tilespmem:v1+s6+$0x0], $0xffff  }
0x51f: {  	v1 =	vld [tilespmem:$0x1F980]  }
0x520: {  	v23 =	vor.u32 $0xD, v29;
	v58 =	vld [tilespmem:$0x1FF80]  }
0x521: {  	v25 =	vld.idx.msk [tilespmem:v46+s6+$0x0], $0xffff  }
0x522: {  	v41 =	vld.idx.msk [tilespmem:v41+s6+$0x0], $0xffff  }
0x523: {  	v46 =	vld [tilespmem:$0x1FEA0];
	v30 =	vor.u32 s29, v55  }
0x524: {  	v28 =	vor.u32 $0xF, v28;
	v50 =	vld [tilespmem:$0x1FFB0];
	[tilespmem:v60+s22+$0x0] =	vst.idx.msk $0xffff, v48  }
0x525: {  	v14 =	vor.u32 $0xD, v31;
	v16 =	vor.u32 s2, v55;
	v23 =	vld.idx.msk [tilespmem:v23+s6+$0x0], $0xffff  }
0x526: {  	v13 =	vor.u32 $0xE, v29;
	v56 =	vor.u32 s13, v55;
	v7 =	vor.u32 $0xF, v31;
	v45 =	vld [tilespmem:$0x1FEB0]  }
0x527: {  	v8 =	vor.u32 s3, v55;
	v49 =	vor.u32 s7, v55;
	v4 =	vor.u32 $0xE, v31;
	[tilespmem:v1+s22+$0x0] =	vst.idx.msk $0xffff, v41;
	v1 =	vld [tilespmem:$0x1F990]  }
0x528: {  	v31 =	vor.u32 s8, v55;
	v11 =	vor.u32 s14, v55;
	v12 =	vor.u32 s0, v55;
	v55 =	vld [tilespmem:$0x1FFD0];
	[tilespmem:v30+s22+$0x0] =	vst.idx.msk $0xffff, v25  }
0x529: {  	v25 =	vld.idx.msk [tilespmem:v28+s6+$0x0], $0xffff  }
0x52a: {  	v51 =	vld [tilespmem:$0x1FFC0];
	[tilespmem:v52+s22+$0x0] =	vst.idx.msk $0xffff, v23  }
0x52b: {  	v13 =	vld.idx.msk [tilespmem:v13+s6+$0x0], $0xffff  }
0x52c: {  	v2 =	vor.u32 $0xF, v29;
	v36 =	vld.idx.msk [tilespmem:v44+s6+$0x0], $0xffff  }
0x52d: {  	v48 =	vld [tilespmem:$0x1FFA0]  }
0x52e: {  	v57 =	vor.u32 $0xC, v32;
	v41 =	vld.idx.msk [tilespmem:v14+s6+$0x0], $0xffff  }
0x52f: {  	v14 =	vld.idx.msk [tilespmem:v1+s6+$0x0], $0xffff  }
0x530: {  	[tilespmem:v8+s22+$0x0] =	vst.idx.msk $0xffff, v13;
	v1 =	vld [tilespmem:$0x1F9A0]  }
0x531: {  	v30 =	vor.u32 s29, v58;
	v2 =	vld.idx.msk [tilespmem:v2+s6+$0x0], $0xffff;
	[tilespmem:v54+s22+$0x0] =	vst.idx.msk $0xffff, v36  }
0x532: {  	v15 =	vld.idx.msk [tilespmem:v15+s6+$0x0], $0xffff  }
0x533: {  	v28 =	vld.idx.msk [tilespmem:v57+s6+$0x0], $0xffff  }
0x534: {  	v54 =	vld [tilespmem:$0x1FEC0]  }
0x535: {  	v53 =	vld [tilespmem:$0x1FFE0];
	[tilespmem:v63+s22+$0x0] =	vst.idx.msk $0xffff, v34  }
0x536: {  	[tilespmem:v30+s22+$0x0] =	vst.idx.msk $0xffff, v25;
	v25 =	vld.idx.msk [tilespmem:v26+s6+$0x0], $0xffff  }
0x537: {  	v18 =	vor.u32 $0xD, v32;
	v57 =	vld [tilespmem:$0x1FFF0];
	[tilespmem:v43+s22+$0x0] =	vst.idx.msk $0xffff, v15  }
0x538: {  	v17 =	vor.u32 $0xE, v35;
	[tilespmem:v1+s22+$0x0] =	vst.idx.msk $0xffff, v28;
	v1 =	vld [tilespmem:$0x1F9C0]  }
0x539: {  	v15 =	vld.idx.msk [tilespmem:v6+s6+$0x0], $0xffff  }
0x53a: {  	v26 =	vld [tilespmem:$0x1F9B0]  }
0x53b: {  	[tilespmem:v20+s22+$0x0] =	vst.idx.msk $0xffff, v25;
	v25 =	vld [tilespmem:$0x1F9D0]  }
0x53c: {  	[tilespmem:v42+s22+$0x0] =	vst.idx.msk $0xffff, v62;
	v18 =	vld.idx.msk [tilespmem:v18+s6+$0x0], $0xffff  }
0x53d: {  	v9 =	vor.u32 $0xE, v32;
	v17 =	vld.idx.msk [tilespmem:v17+s6+$0x0], $0xffff  }
0x53e: {  	v22 =	vor.u32 $0xF, v35;
	v5 =	vld.idx.msk [tilespmem:v5+s6+$0x0], $0xffff;
	[tilespmem:v40+s22+$0x0] =	vst.idx.msk $0xffff, v41  }
0x53f: {  	v23 =	vld.idx.msk [tilespmem:v4+s6+$0x0], $0xffff  }
0x540: {  	v47 =	vld [tilespmem:$0x1FF90];
	[tilespmem:v1+s22+$0x0] =	vst.idx.msk $0xffff, v61  }
0x541: {  	[tilespmem:v27+s22+$0x0] =	vst.idx.msk $0xffff, v18;
	v19 =	vld.idx.msk [tilespmem:v19+s6+$0x0], $0xffff  }
0x542: {  	s30 =	sadd.s32 $0x8, s30;
	[tilespmem:v16+s22+$0x0] =	vst.idx.msk $0xffff, v17;
	v4 =	vld.idx.msk [tilespmem:v9+s6+$0x0], $0xffff  }
0x543: {  	p0 =	slt.u32 s30, $0xC0;
	v9 =	vld.idx.msk [tilespmem:v22+s6+$0x0], $0xffff  }
.Ltmp6:
0x544: {  	[tilespmem:v12+s22+$0x0] =	vst.idx.msk $0xffff, v23;
	v22 =	vld [tilespmem:$0x1FE90];
	(pc) =	sbr.rel @p0 .LBB2_9-.Ltmp6, $4  }
0x545: {  	v1 =	vld.idx.msk [tilespmem:v7+s6+$0x0], $0xffff  }
0x546: {  	v35 =	vor.u32 $0xF, v32;
	v32 =	vor.u32 s2, v58;
	[tilespmem:v21+s22+$0x0] =	vst.idx.msk $0xffff, v19;
	v21 =	vld [tilespmem:$0x1FE80]  }
0x547: {  	v38 =	vor.u32 s14, v58;
	v37 =	vor.u32 s13, v58;
	v29 =	vor.u32 s3, v58;
	v6 =	vld.idx.msk [tilespmem:v24+s6+$0x0], $0xffff  }
0x548: {  	s31 =	sadd.s32 $0x80, s31;
	v0 =	vor.u32 s0, v58;
	v10 =	vor.u32 s7, v58;
	v3 =	vor.u32 s8, v58;
	v30 =	vmovc v33;
	[tilespmem:v11+s22+$0x0] =	vst.idx.msk $0xffff, v15;
	v24 =	vld [tilespmem:$0x1F9E0]  }
0x549: {  	_ =	sdelay $0x3  }
0x54a: {  	[tilespmem:v56+s22+$0x0] =	vst.idx.msk $0xffff, v4  }
0x54b: {  	[tilespmem:v31+s22+$0x0] =	vst.idx.msk $0xffff, v5  }
0x54c: {  	[tilespmem:v32+s22+$0x0] =	vst.idx.msk $0xffff, v9  }
0x54d: {  	v60 =	vld.idx.msk [tilespmem:v39+s6+$0x0], $0xffff;
	[tilespmem:v29+s22+$0x0] =	vst.idx.msk $0xffff, v2  }
0x54e: {  	[tilespmem:v26+s22+$0x0] =	vst.idx.msk $0xffff, v14;
	v61 =	vld.idx.msk [tilespmem:v35+s6+$0x0], $0xffff  }
0x54f: {  	v62 =	vld.idx.msk [tilespmem:v59+s6+$0x0], $0xffff;
	[tilespmem:v49+s22+$0x0] =	vst.idx.msk $0xffff, v6  }
0x550: {  	[tilespmem:v0+s22+$0x0] =	vst.idx.msk $0xffff, v1;
	v63 =	vld.idx.msk [tilespmem:v30+s6+$0x0], $0xffff  }
0x551: {  	[tilespmem:v25+s22+$0x0] =	vst.idx.msk $0xffff, v24  }
0x552: {  	[tilespmem:v38+s22+$0x0] =	vst.idx.msk $0xffff, v60  }
0x553: {  	s0 =	sadd.s32 s28, s11;
	p0 =	seq.s32 s26, $0xF;
	[tilespmem:v37+s22+$0x0] =	vst.idx.msk $0xffff, v61  }
.Ltmp7:
0x554: {  	s0 =	sshll.u32 s0, $0x1;
	[tilespmem:v3+s22+$0x0] =	vst.idx.msk $0xffff, v62;
	(pc) =	sbr.rel @p0 .LBB2_12-.Ltmp7, $4  }
0x555: {  	s2 =	sadd.s32 s4, s0;
	[tilespmem:v10+s22+$0x0] =	vst.idx.msk $0xffff, v63  }
0x556: {  	[hbm4b:s2+s6] =	stream.linear.scatter [tilespmem:s22], [sflag:$0x4], $0x6400, $0x38;
	[tilespmem:$0x1AC80] =	vst v63  }
0x557: {  	s0 =	sadd.s32 s0, s9  }
0x558: {  	[hbm4b:s0+s6] =	stream.linear.scatter [tilespmem:s23], [sflag:$0x4], $0x6400, $0x38;
	[tilespmem:$0x1AC80] =	vst v63  }
0x559: {  	v20 =	vld [tilespmem:$0x1FED0]  }
0x55a: {  	v23 =	vld [tilespmem:$0x1FEE0]  }
0x55b: {  	v34 =	vld [tilespmem:$0x1FEF0]  }
0x55c: {  	v35 =	vld [tilespmem:$0x1FF00]  }
0x55d: {  	v36 =	vld [tilespmem:$0x1FF10]  }
0x55e: {  	v37 =	vld [tilespmem:$0x1FF20]  }
0x55f: {  	v38 =	vld [tilespmem:$0x1FF30]  }
.Ltmp8:
0x560: {  	v39 =	vld [tilespmem:$0x1FF40];
	(pc) =	sbr.rel .LBB2_2-.Ltmp8, $4  }
0x561: {  	s0 =	sadd.s32 s28, s12;
	v41 =	vld [tilespmem:$0x1FF50]  }
0x562: {  	v42 =	vld [tilespmem:$0x1FF60];
	s0 =	sshrl.u32 s0, $0x3  }
0x563: {  	s26 =	sadd.s32 $0x1, s26;
	v43 =	vld [tilespmem:$0x1FF70];
	s0 =	sadd.s32 s1, s0  }
0x564: {  	v40 =	vld [tilespmem:$0x1FF80];
	[tilespmem:s16], [sflag:$0x2] =	stream.linear.gather [hbm4b:s0+s6], $0xC80, $0x38  }
.LBB2_13:
0x565: {  	_ =	sfence.sel $0x180000  }
0x566: {  	[bflag:$0x0] =	sbarrier.arrive $0xFFFF  }
0x567: {  	_ =	strace $0x90000047  }
0x568: {  	s0 =	stileid.u32;
	[bflag:$0x2] =	sbarrier.arrive $0xFFFF  }
0x569: {  	p0 =	sne.s32 s0, $0x0;
	s0 =	rddreg [dreg:$0x3]  }
0x56a: {  	s0 =	sadd.s32 @!p0 $0x100000, s0  }
0x56b: {  	[sflag:s0] =	ssyncadd.tile.s32 @!p0 $0x1;
	_ =	shalt  }
.Lfunc_end2:
_tile_overlayer_lowered:
.L_overlay_start_2:
0x56c: {  	(tag) =	ssettag $0x2  }
0x56d: {  	s0 =	rddreg [dreg:$0x0];
	s2 =	stileid.u32  }
0x56e: {  	s1 =	rddreg [dreg:$0x1];
	p0 =	sne.s32 s2, $0x0  }
0x56f: {  	s3 =	rddreg [dreg:$0x2];
	[bflag:$0x3] =	sbarrier.arrive $0xFFFF;
	s2 =	simm.s32 @!p0 $0x1C05  }
0x570: {  	[timem:s3], [sflag:s2] =	dma.local @!p0 [hbm:s0], s1  }
0x571: {  	s0 =	simm.s32 @!p0 $0x5  }
0x572: {  	_ =	swait.ge @!p0 [sflag:s0], s1  }
0x573: {  	s1 =	ssub.s32 @!p0 $0x0, s1;
	[sflag:s0] =	ssyncset.done @!p0 $0x0  }
0x574: {  	[sflag:s0] =	ssyncadd.s32 @!p0 s1  }
0x575: {  	[bflag:$0x3] =	sbarrier.arrive $0xFFFF  }
0x576: {  	_ =	shalt  }

</sc_bundles>
